<compile_context>
chip_gen: v7x
topology: tpu7x:2x2x1
jax: 0.10.2.dev20260603
libtpu: 0.0.44.dev20260713+nightly
codegen_flags: <defaults>
</compile_context>

<pallas_src>
import jax
import jax.numpy as jnp
from jax import lax
from jax.experimental import pallas as pl
from jax.experimental.pallas import tpu as pltpu
from jax.experimental.pallas import tpu_sc as plsc

N1, N2 = 5000, 2500
D = 128
NC, NS, LANES = 2, 16, 16
NW = NC * NS
C = 128
NTAB0 = 5120
NACC = 2560


def _contract(a, b):
    return lax.dot_general(a, b, (((1,), (1,)), ((), ())),
                           preferred_element_type=jnp.float32)



def _combine(acc_ref, cnt_ref):
    agg = acc_ref[0, :N2, :] + acc_ref[1, :N2, :]
    cnt = cnt_ref[0, :N2, :] + cnt_ref[1, :N2, :]
    return agg / jnp.maximum(cnt, 1.0)


def _tc_mid_body(x_ref, acc_ref, cnt_ref, wl0_ref, wr0_ref, b0_ref,
                 wr1_ref, b1_ref, h_ref, base1_ref):
    mean = _combine(acc_ref, cnt_ref)
    h = jnp.maximum(_contract(mean, wl0_ref[...])
                    + _contract(x_ref[:N2], wr0_ref[...]) + b0_ref[...], 0.0)
    h_ref[...] = h
    base1_ref[...] = _contract(h, wr1_ref[...]) + b1_ref[...]


def _tc_post_body(acc_ref, cnt_ref, base_ref, wl1_ref, out_ref):
    o = _contract(_combine(acc_ref, cnt_ref), wl1_ref[...]) + base_ref[...]
    m = jnp.max(o, axis=1, keepdims=True)
    s = o - m
    lse = jnp.log(jnp.sum(jnp.exp(s), axis=1, keepdims=True))
    out_ref[...] = s - lse



def _sc_compact_call(src2d, dst2d, rows_w, rows_c, keep_n, dump_row):
    mesh = plsc.VectorSubcoreMesh(core_axis_name="c", subcore_axis_name="s",
                                  num_cores=NC)
    assert rows_w % 8 == 0 and rows_c % 8 == 0 and rows_c >= rows_w + 3

    def body(src_h, dst_h, srcc_h, dstc_h, npair_h,
             src_v, dst_v, src_c, dst_c, npv):
        cid = lax.axis_index("c")
        sid = lax.axis_index("s")
        wid = sid * NC + cid
        base = wid * rows_w
        pltpu.sync_copy(src_h.at[pl.ds(base, rows_w)], src_v)
        pltpu.sync_copy(dst_h.at[pl.ds(base, rows_w)], dst_v)

        @pl.loop(0, rows_w, init_carry=jnp.int32(0))
        def noff(r, off):
            for j in range(C // LANES):
                cs = pl.ds(j * LANES, LANES)
                d = dst_v[r, cs]
                s = src_v[r, cs]
                m = d < keep_n
                mi = m.astype(jnp.int32)
                incl = plsc.cumsum(mi)
                pos = jnp.full((LANES,), off, jnp.int32) + incl - mi
                prow = jax.lax.shift_right_logical(pos, 7)
                pcol = jax.lax.bitwise_and(pos, C - 1)
                plsc.store_scatter(src_c, [prow, pcol], s, mask=m)
                plsc.store_scatter(dst_c, [prow, pcol], d, mask=m)
                off = off + incl[LANES - 1]
            return off

        iota = lax.iota(jnp.int32, LANES)
        for k in range(4 * (C // LANES)):
            pos = jnp.full((LANES,), noff + k * LANES, jnp.int32) + iota
            prow = jax.lax.shift_right_logical(pos, 7)
            pcol = jax.lax.bitwise_and(pos, C - 1)
            plsc.store_scatter(src_c, [prow, pcol],
                               jnp.zeros((LANES,), jnp.int32))
            plsc.store_scatter(dst_c, [prow, pcol],
                               jnp.full((LANES,), dump_row, jnp.int32))

        n_pairs = jax.lax.shift_right_logical(noff + 2 * C - 1, 8)
        npv[pl.ds(0, LANES)] = jnp.full((LANES,), n_pairs, jnp.int32)
        pltpu.sync_copy(src_c, srcc_h.at[pl.ds(wid * rows_c, rows_c)])
        pltpu.sync_copy(dst_c, dstc_h.at[pl.ds(wid * rows_c, rows_c)])
        pltpu.sync_copy(npv, npair_h.at[pl.ds(wid * LANES, LANES)])

    fn = pl.kernel(
        body,
        out_type=(jax.ShapeDtypeStruct((NW * rows_c, C), jnp.int32),
                  jax.ShapeDtypeStruct((NW * rows_c, C), jnp.int32),
                  jax.ShapeDtypeStruct((NW * LANES,), jnp.int32)),
        mesh=mesh,
        compiler_params=pltpu.CompilerParams(needs_layout_passes=False),
        scratch_types=(
            pltpu.VMEM((rows_w, C), jnp.int32),
            pltpu.VMEM((rows_w, C), jnp.int32),
            pltpu.VMEM((rows_c, C), jnp.int32),
            pltpu.VMEM((rows_c, C), jnp.int32),
            pltpu.VMEM((LANES,), jnp.int32),
        ),
    )
    return fn(src2d, dst2d)



def _sc_agg_call(table, srcc, dstc, npair, npad_tab, rows_c):
    rows_t = NACC // NS
    tab_t = npad_tab // NS
    mesh = plsc.VectorSubcoreMesh(core_axis_name="c", subcore_axis_name="s",
                                  num_cores=NC)
    assert rows_t % 32 == 0 and tab_t % 8 == 0 and rows_c % 8 == 0

    def body(table_h, src_h, dst_h, npair_h, acc_h, cnt_h,
             src_c, dst_c, npv, buf_a, buf_b, ones_v, cnt_v,
             table_sh, acc_sh, cnt_sh, sem_a, sem_b, sem_c):
        cid = lax.axis_index("c")
        sid = lax.axis_index("s")
        wid = sid * NC + cid
        pltpu.sync_copy(src_h.at[pl.ds(wid * rows_c, rows_c)], src_c)
        pltpu.sync_copy(dst_h.at[pl.ds(wid * rows_c, rows_c)], dst_c)
        pltpu.sync_copy(npair_h.at[pl.ds(wid * LANES, LANES)], npv)
        for j in range(D // LANES):
            ones_v[pl.ds(j * LANES, LANES)] = jnp.ones((LANES,), jnp.float32)

        @pl.loop(0, C)
        def _zbuf(i):
            for j in range(D // LANES):
                buf_a[i, pl.ds(j * LANES, LANES)] = jnp.zeros((LANES,),
                                                              jnp.float32)

        @pl.loop(0, rows_t // 32)
        def _zero(r):
            pltpu.sync_copy(buf_a.at[pl.ds(0, 32)],
                            acc_sh.at[pl.ds(sid * rows_t + r * 32, 32)])
            pltpu.sync_copy(buf_a.at[0, pl.ds(0, 32)],
                            cnt_sh.at[pl.ds(sid * rows_t + r * 32, 32)])

        tsl = pl.ds(sid * tab_t, tab_t)
        pltpu.sync_copy(table_h.at[tsl], table_sh.at[tsl])
        plsc.subcore_barrier()

        n_pairs = npv[pl.ds(0, LANES)][0]

        def gather(ch, buf, sem):
            return pltpu.make_async_copy(table_sh.at[src_c.at[ch]], buf, sem)

        gather(0, buf_a, sem_a).start()

        @pl.loop(0, n_pairs)
        def _step(jj):
            c0 = 2 * jj
            gather(c0 + 1, buf_b, sem_b).start()
            gather(c0, buf_a, sem_a).wait()
            ca = pltpu.async_copy(ones_v, cnt_sh.at[dst_c.at[c0]], sem_c,
                                  add=True)
            pltpu.sync_copy(buf_a, acc_sh.at[dst_c.at[c0]], add=True)
            gather(c0 + 2, buf_a, sem_a).start()
            gather(c0 + 1, buf_b, sem_b).wait()
            cb = pltpu.async_copy(ones_v, cnt_sh.at[dst_c.at[c0 + 1]], sem_c,
                                  add=True)
            pltpu.sync_copy(buf_b, acc_sh.at[dst_c.at[c0 + 1]], add=True)
            ca.wait()
            cb.wait()

        gather(0, buf_a, sem_a).wait()
        plsc.subcore_barrier()
        sl = pl.ds(sid * rows_t, rows_t)
        pltpu.sync_copy(acc_sh.at[sl], acc_h.at[cid, sl])
        pltpu.sync_copy(cnt_sh.at[sl], cnt_v)
        pltpu.sync_copy(cnt_v,
                        cnt_h.at[pl.ds(cid * NACC + sid * rows_t, rows_t)])

    fn = pl.kernel(
        body,
        out_type=(jax.ShapeDtypeStruct((NC, NACC, D), jnp.float32),
                  jax.ShapeDtypeStruct((NC * NACC,), jnp.float32)),
        mesh=mesh,
        scratch_types=(
            pltpu.VMEM((rows_c, C), jnp.int32),
            pltpu.VMEM((rows_c, C), jnp.int32),
            pltpu.VMEM((LANES,), jnp.int32),
            pltpu.VMEM((C, D), jnp.float32),
            pltpu.VMEM((C, D), jnp.float32),
            pltpu.VMEM((C,), jnp.float32),
            pltpu.VMEM((rows_t,), jnp.float32),
            pltpu.VMEM_SHARED((npad_tab, D), jnp.float32),
            pltpu.VMEM_SHARED((NACC, D), jnp.float32),
            pltpu.VMEM_SHARED((NACC,), jnp.float32),
            pltpu.SemaphoreType.DMA,
            pltpu.SemaphoreType.DMA,
            pltpu.SemaphoreType.DMA,
        ),
    )
    return fn(table, srcc, dstc, npair)


def _pad_edges(edge_index, n_edges, rows_total, dump_row):
    pad = rows_total * C - n_edges
    src = jnp.concatenate([edge_index[0], jnp.zeros((pad,), jnp.int32)])
    dst = jnp.concatenate([edge_index[1],
                           jnp.full((pad,), dump_row, jnp.int32)])
    return src.reshape(rows_total, C), dst.reshape(rows_total, C)


def kernel(x, edge_index0, edge_index1, W_l0, b_l0, W_r0, b_r0,
           W_l1, b_l1, W_r1, b_r1):
    E0 = edge_index0.shape[1]
    E1 = edge_index1.shape[1]
    rows_w0 = -(-E0 // (NW * C * 8)) * 8
    rows_w1 = -(-E1 // (NW * C * 8)) * 8
    rows_c0 = rows_w0 + 8
    rows_c1 = rows_w1 + 8
    src0, dst0 = _pad_edges(edge_index0, E0, NW * rows_w0, NACC - 1)
    src1, dst1 = _pad_edges(edge_index1, E1, NW * rows_w1, NACC - 1)

    bsum0 = (b_l0 + b_r0).reshape(1, D)
    bsum1 = (b_l1 + b_r1).reshape(1, D)

    srcc0, dstc0, npair0 = _sc_compact_call(src0, dst0, rows_w0, rows_c0,
                                            N2, NACC - 1)
    x_pad = jnp.pad(x[:N1], ((0, NTAB0 - N1), (0, 0)))
    acc0, cnt0 = _sc_agg_call(x_pad, srcc0, dstc0, npair0, NTAB0, rows_c0)
    cnt0 = cnt0.reshape(NC, NACC, 1)

    h, base1 = pl.pallas_call(
        _tc_mid_body,
        out_shape=(jax.ShapeDtypeStruct((N2, D), jnp.float32),
                   jax.ShapeDtypeStruct((N2, D), jnp.float32)),
    )(x[:N2], acc0, cnt0, W_l0, W_r0, bsum0, W_r1, bsum1)

    src1b = jnp.pad(src1.reshape(NW, rows_w1, C),
                    ((0, 0), (0, rows_c1 - rows_w1), (0, 0))
                    ).reshape(NW * rows_c1, C)
    dst1b = jnp.pad(dst1.reshape(NW, rows_w1, C),
                    ((0, 0), (0, rows_c1 - rows_w1), (0, 0)),
                    constant_values=NACC - 1).reshape(NW * rows_c1, C)
    npair1 = jnp.full((NW * LANES,), rows_w1 // 2, jnp.int32)

    h_pad = jnp.pad(h, ((0, NACC - N2), (0, 0)))
    acc1, cnt1 = _sc_agg_call(h_pad, src1b, dst1b, npair1, NACC, rows_c1)
    cnt1 = cnt1.reshape(NC, NACC, 1)

    out = pl.pallas_call(
        _tc_post_body,
        out_shape=jax.ShapeDtypeStruct((N2, D), jnp.float32),
    )(acc1, cnt1, base1, W_l1)
    return out

# --- scband reference (transcript-rebuilt; emitter-appended) ---
"""Pipeline reference for scband-sage-57440892616778 (READ-ONLY COPY).

The authoritative reference and input builder live on the scoring server;
editing this copy changes nothing except your own understanding.
"""

import jax, jax.numpy as jnp
import numpy as np

N0, N1, N2 = 10000, 5000, 2500
E0, E1 = 320000, 160000
D_IN, D_HID, D_OUT = 128, 128, 128


def setup_inputs(seed: int = 0) -> dict:
    key = jax.random.key(seed)
    ks = jax.random.split(key, 12)
    inp = {}
    inp["x"] = jax.random.normal(ks[0], (N0, D_IN), dtype=jnp.float32)
    # bipartite sampled subgraphs: row=src, col=dst. dst indices must be < n_target.
    inp["edge_index0"] = jax.random.randint(ks[1], (2, E0), 0, N1, dtype=jnp.int32)
    inp["edge_index1"] = jax.random.randint(ks[2], (2, E1), 0, N2, dtype=jnp.int32)
    # SAGEConv layer 0: lin_l (neighbor aggregate), lin_r (root/self)
    inp["W_l0"] = jax.random.normal(ks[3], (D_HID, D_IN), dtype=jnp.float32) * 0.05
    inp["b_l0"] = jnp.zeros((D_HID,), dtype=jnp.float32)
    inp["W_r0"] = jax.random.normal(ks[4], (D_HID, D_IN), dtype=jnp.float32) * 0.05
    inp["b_r0"] = jnp.zeros((D_HID,), dtype=jnp.float32)
    # SAGEConv layer 1
    inp["W_l1"] = jax.random.normal(ks[5], (D_OUT, D_HID), dtype=jnp.float32) * 0.05
    inp["b_l1"] = jnp.zeros((D_OUT,), dtype=jnp.float32)
    inp["W_r1"] = jax.random.normal(ks[6], (D_OUT, D_HID), dtype=jnp.float32) * 0.05
    inp["b_r1"] = jnp.zeros((D_OUT,), dtype=jnp.float32)
    return inp


def sage_conv(x_src, x_dst, edge_index, W_l, b_l, W_r, b_r):
    src = edge_index[0]
    dst = edge_index[1]
    msgs = jnp.take(x_src, src, axis=0)                      # gather [E, d]
    n_dst = x_dst.shape[0]
    agg = jax.ops.segment_sum(msgs, dst, num_segments=n_dst) # scatter-add
    cnt = jax.ops.segment_sum(jnp.ones((msgs.shape[0],), msgs.dtype), dst, num_segments=n_dst)
    agg = agg / jnp.maximum(cnt, 1.0)[:, None]               # mean aggregation
    return agg @ W_l.T + b_l + x_dst @ W_r.T + b_r


def reference(x, edge_index0, edge_index1, W_l0, b_l0, W_r0, b_r0, W_l1, b_l1, W_r1, b_r1):
    # layer 0
    x_target = x[:N1]
    h = sage_conv(x, x_target, edge_index0, W_l0, b_l0, W_r0, b_r0)
    h = jax.nn.relu(h)
    # dropout is identity at inference (p=0.5 only active in training)
    # layer 1
    h_target = h[:N2]
    out = sage_conv(h, h_target, edge_index1, W_l1, b_l1, W_r1, b_r1)
    return jax.nn.log_softmax(out, axis=-1)

if __name__ == "__main__":
    import jax
    _d = setup_inputs()
    print(jax.jit(kernel)(*tuple(_d.values())))

</pallas_src>

<mosaic_0001>
#map = affine_map<(d0, d1) -> (0, 0)>
#map1 = affine_map<(d0, d1) -> (0)>
#map2 = affine_map<(d0, d1) -> (0, 0, 0)>
module attributes {stable_mosaic.version = 14 : i64} {
  func.func @body(%arg0: i32, %arg1: i32, %arg2: memref<5120x128xf32, #tpu.memory_space<hbm>>, %arg3: memref<2816x128xi32, #tpu.memory_space<hbm>>, %arg4: memref<2816x128xi32, #tpu.memory_space<hbm>>, %arg5: memref<512xi32, #tpu.memory_space<hbm>>, %arg6: memref<2x2560x128xf32, #tpu.memory_space<hbm>>, %arg7: memref<5120xf32, #tpu.memory_space<hbm>>, %arg8: memref<88x128xi32, #tpu.memory_space<vmem>>, %arg9: memref<88x128xi32, #tpu.memory_space<vmem>>, %arg10: memref<16xi32, #tpu.memory_space<vmem>>, %arg11: memref<128x128xf32, #tpu.memory_space<vmem>>, %arg12: memref<128x128xf32, #tpu.memory_space<vmem>>, %arg13: memref<128xf32, #tpu.memory_space<vmem>>, %arg14: memref<160xf32, #tpu.memory_space<vmem>>, %arg15: memref<5120x128xf32, #tpu.memory_space<vmem_shared>>, %arg16: memref<2560x128xf32, #tpu.memory_space<vmem_shared>>, %arg17: memref<2560xf32, #tpu.memory_space<vmem_shared>>, %arg18: memref<!tpu.dma_semaphore, #tpu.memory_space<semaphore_mem>>, %arg19: memref<!tpu.dma_semaphore, #tpu.memory_space<semaphore_mem>>, %arg20: memref<!tpu.dma_semaphore, #tpu.memory_space<semaphore_mem>>) attributes {dimension_semantics = [#tpu.dimension_semantics<core_parallel>, #tpu.dimension_semantics<subcore_parallel>], iteration_bounds = array<i64: 2, 16>, scalar_prefetch = 0 : i64, scratch_operands = 13 : i64, tpu.core_type = #tpu.core_type<sc_vector_subcore>, window_params = [{transform_indices = #map}, {transform_indices = #map}, {transform_indices = #map}, {transform_indices = #map1}, {transform_indices = #map2}, {transform_indices = #map1}]} {
    %mul3A = arith.constant 2 : i32
    %mul3A_0 = arith.muli %arg1, %mul3A : i32
    %add3A = arith.addi %mul3A_0, %arg0 : i32
    %mul3A_1 = arith.constant 88 : i32
    %mul3A_2 = arith.muli %add3A, %mul3A_1 : i32
    "tpu.region"() ({
      %run_scoped3A = tpu.sem_alloc : memref<!tpu.dma_semaphore, #tpu.memory_space<semaphore_mem>>
      %dma_start3A_102 = arith.constant 0 : i32
      %dma_start3A_103 = tpu.memref_slice %arg3[%mul3A_2, %dma_start3A_102] : memref<2816x128xi32, #tpu.memory_space<hbm>> -> memref<88x128xi32, #tpu.memory_space<hbm>>
      %dma_start3A_104 = arith.constant 0 : i32
      %dma_start3A_105 = tpu.memref_slice %arg3[%mul3A_2, %dma_start3A_104] : memref<2816x128xi32, #tpu.memory_space<hbm>> -> memref<88x128xi32, #tpu.memory_space<hbm>>
      tpu.enqueue_dma source(%dma_start3A_105 : memref<88x128xi32, #tpu.memory_space<hbm>>) target(%arg8 : memref<88x128xi32, #tpu.memory_space<vmem>>) target_semaphore(%run_scoped3A : memref<!tpu.dma_semaphore, #tpu.memory_space<semaphore_mem>>)
      %dma_wait3A_106 = arith.constant 0 : i32
      %dma_wait3A_107 = tpu.memref_slice %arg3[%mul3A_2, %dma_wait3A_106] : memref<2816x128xi32, #tpu.memory_space<hbm>> -> memref<88x128xi32, #tpu.memory_space<hbm>>
      %dma_wait3A_108 = arith.constant 0 : i32
      %dma_wait3A_109 = tpu.memref_slice %arg3[%mul3A_2, %dma_wait3A_108] : memref<2816x128xi32, #tpu.memory_space<hbm>> -> memref<88x128xi32, #tpu.memory_space<hbm>>
      tpu.wait_dma2 semaphore(%run_scoped3A : memref<!tpu.dma_semaphore, #tpu.memory_space<semaphore_mem>>) src(%dma_wait3A_109 : memref<88x128xi32, #tpu.memory_space<hbm>>) dst(%arg8 : memref<88x128xi32, #tpu.memory_space<vmem>>)
      tpu.yield
    }) : () -> ()
    %mul3A_3 = arith.constant 88 : i32
    %mul3A_4 = arith.muli %add3A, %mul3A_3 : i32
    "tpu.region"() ({
      %run_scoped3A = tpu.sem_alloc : memref<!tpu.dma_semaphore, #tpu.memory_space<semaphore_mem>>
      %dma_start3A_102 = arith.constant 0 : i32
      %dma_start3A_103 = tpu.memref_slice %arg4[%mul3A_4, %dma_start3A_102] : memref<2816x128xi32, #tpu.memory_space<hbm>> -> memref<88x128xi32, #tpu.memory_space<hbm>>
      %dma_start3A_104 = arith.constant 0 : i32
      %dma_start3A_105 = tpu.memref_slice %arg4[%mul3A_4, %dma_start3A_104] : memref<2816x128xi32, #tpu.memory_space<hbm>> -> memref<88x128xi32, #tpu.memory_space<hbm>>
      tpu.enqueue_dma source(%dma_start3A_105 : memref<88x128xi32, #tpu.memory_space<hbm>>) target(%arg9 : memref<88x128xi32, #tpu.memory_space<vmem>>) target_semaphore(%run_scoped3A : memref<!tpu.dma_semaphore, #tpu.memory_space<semaphore_mem>>)
      %dma_wait3A_106 = arith.constant 0 : i32
      %dma_wait3A_107 = tpu.memref_slice %arg4[%mul3A_4, %dma_wait3A_106] : memref<2816x128xi32, #tpu.memory_space<hbm>> -> memref<88x128xi32, #tpu.memory_space<hbm>>
      %dma_wait3A_108 = arith.constant 0 : i32
      %dma_wait3A_109 = tpu.memref_slice %arg4[%mul3A_4, %dma_wait3A_108] : memref<2816x128xi32, #tpu.memory_space<hbm>> -> memref<88x128xi32, #tpu.memory_space<hbm>>
      tpu.wait_dma2 semaphore(%run_scoped3A : memref<!tpu.dma_semaphore, #tpu.memory_space<semaphore_mem>>) src(%dma_wait3A_109 : memref<88x128xi32, #tpu.memory_space<hbm>>) dst(%arg9 : memref<88x128xi32, #tpu.memory_space<vmem>>)
      tpu.yield
    }) : () -> ()
    %mul3A_5 = arith.constant 16 : i32
    %mul3A_6 = arith.muli %add3A, %mul3A_5 : i32
    "tpu.region"() ({
      %run_scoped3A = tpu.sem_alloc : memref<!tpu.dma_semaphore, #tpu.memory_space<semaphore_mem>>
      %dma_start3A_102 = tpu.memref_slice %arg5[%mul3A_6] : memref<512xi32, #tpu.memory_space<hbm>> -> memref<16xi32, #tpu.memory_space<hbm>>
      %dma_start3A_103 = tpu.memref_slice %arg5[%mul3A_6] : memref<512xi32, #tpu.memory_space<hbm>> -> memref<16xi32, #tpu.memory_space<hbm>>
      tpu.enqueue_dma source(%dma_start3A_103 : memref<16xi32, #tpu.memory_space<hbm>>) target(%arg10 : memref<16xi32, #tpu.memory_space<vmem>>) target_semaphore(%run_scoped3A : memref<!tpu.dma_semaphore, #tpu.memory_space<semaphore_mem>>)
      %dma_wait3A_104 = tpu.memref_slice %arg5[%mul3A_6] : memref<512xi32, #tpu.memory_space<hbm>> -> memref<16xi32, #tpu.memory_space<hbm>>
      %dma_wait3A_105 = tpu.memref_slice %arg5[%mul3A_6] : memref<512xi32, #tpu.memory_space<hbm>> -> memref<16xi32, #tpu.memory_space<hbm>>
      tpu.wait_dma2 semaphore(%run_scoped3A : memref<!tpu.dma_semaphore, #tpu.memory_space<semaphore_mem>>) src(%dma_wait3A_105 : memref<16xi32, #tpu.memory_space<hbm>>) dst(%arg10 : memref<16xi32, #tpu.memory_space<vmem>>)
      tpu.yield
    }) : () -> ()
    %broadcast_in_dim3A = arith.constant 1.000000e+00 : f32
    %broadcast_in_dim3A_7 = vector.broadcast %broadcast_in_dim3A : f32 to vector<16xf32>
    %swap3A = arith.constant 0 : index
    %swap3A_8 = tpu.vector_load %arg13[%swap3A] {strides = array<i32>} : memref<128xf32, #tpu.memory_space<vmem>>, vector<16xf32>,
    %swap3A_9 = vector.shape_cast %swap3A_8 : vector<16xf32> to vector<16xf32>
    %swap3A_10 = vector.shape_cast %broadcast_in_dim3A_7 : vector<16xf32> to vector<16xf32>
    tpu.vector_store %arg13[%swap3A], %swap3A_10 {strides = array<i32>} : memref<128xf32, #tpu.memory_space<vmem>>, vector<16xf32>,
    %broadcast_in_dim3A_11 = arith.constant 1.000000e+00 : f32
    %broadcast_in_dim3A_12 = vector.broadcast %broadcast_in_dim3A_11 : f32 to vector<16xf32>
    %swap3A_13 = arith.constant 16 : index
    %swap3A_14 = tpu.vector_load %arg13[%swap3A_13] {strides = array<i32>} : memref<128xf32, #tpu.memory_space<vmem>>, vector<16xf32>,
    %swap3A_15 = vector.shape_cast %swap3A_14 : vector<16xf32> to vector<16xf32>
    %swap3A_16 = vector.shape_cast %broadcast_in_dim3A_12 : vector<16xf32> to vector<16xf32>
    tpu.vector_store %arg13[%swap3A_13], %swap3A_16 {strides = array<i32>} : memref<128xf32, #tpu.memory_space<vmem>>, vector<16xf32>,
    %broadcast_in_dim3A_17 = arith.constant 1.000000e+00 : f32
    %broadcast_in_dim3A_18 = vector.broadcast %broadcast_in_dim3A_17 : f32 to vector<16xf32>
    %swap3A_19 = arith.constant 32 : index
    %swap3A_20 = tpu.vector_load %arg13[%swap3A_19] {strides = array<i32>} : memref<128xf32, #tpu.memory_space<vmem>>, vector<16xf32>,
    %swap3A_21 = vector.shape_cast %swap3A_20 : vector<16xf32> to vector<16xf32>
    %swap3A_22 = vector.shape_cast %broadcast_in_dim3A_18 : vector<16xf32> to vector<16xf32>
    tpu.vector_store %arg13[%swap3A_19], %swap3A_22 {strides = array<i32>} : memref<128xf32, #tpu.memory_space<vmem>>, vector<16xf32>,
    %broadcast_in_dim3A_23 = arith.constant 1.000000e+00 : f32
    %broadcast_in_dim3A_24 = vector.broadcast %broadcast_in_dim3A_23 : f32 to vector<16xf32>
    %swap3A_25 = arith.constant 48 : index
    %swap3A_26 = tpu.vector_load %arg13[%swap3A_25] {strides = array<i32>} : memref<128xf32, #tpu.memory_space<vmem>>, vector<16xf32>,
    %swap3A_27 = vector.shape_cast %swap3A_26 : vector<16xf32> to vector<16xf32>
    %swap3A_28 = vector.shape_cast %broadcast_in_dim3A_24 : vector<16xf32> to vector<16xf32>
    tpu.vector_store %arg13[%swap3A_25], %swap3A_28 {strides = array<i32>} : memref<128xf32, #tpu.memory_space<vmem>>, vector<16xf32>,
    %broadcast_in_dim3A_29 = arith.constant 1.000000e+00 : f32
    %broadcast_in_dim3A_30 = vector.broadcast %broadcast_in_dim3A_29 : f32 to vector<16xf32>
    %swap3A_31 = arith.constant 64 : index
    %swap3A_32 = tpu.vector_load %arg13[%swap3A_31] {strides = array<i32>} : memref<128xf32, #tpu.memory_space<vmem>>, vector<16xf32>,
    %swap3A_33 = vector.shape_cast %swap3A_32 : vector<16xf32> to vector<16xf32>
    %swap3A_34 = vector.shape_cast %broadcast_in_dim3A_30 : vector<16xf32> to vector<16xf32>
    tpu.vector_store %arg13[%swap3A_31], %swap3A_34 {strides = array<i32>} : memref<128xf32, #tpu.memory_space<vmem>>, vector<16xf32>,
    %broadcast_in_dim3A_35 = arith.constant 1.000000e+00 : f32
    %broadcast_in_dim3A_36 = vector.broadcast %broadcast_in_dim3A_35 : f32 to vector<16xf32>
    %swap3A_37 = arith.constant 80 : index
    %swap3A_38 = tpu.vector_load %arg13[%swap3A_37] {strides = array<i32>} : memref<128xf32, #tpu.memory_space<vmem>>, vector<16xf32>,
    %swap3A_39 = vector.shape_cast %swap3A_38 : vector<16xf32> to vector<16xf32>
    %swap3A_40 = vector.shape_cast %broadcast_in_dim3A_36 : vector<16xf32> to vector<16xf32>
    tpu.vector_store %arg13[%swap3A_37], %swap3A_40 {strides = array<i32>} : memref<128xf32, #tpu.memory_space<vmem>>, vector<16xf32>,
    %broadcast_in_dim3A_41 = arith.constant 1.000000e+00 : f32
    %broadcast_in_dim3A_42 = vector.broadcast %broadcast_in_dim3A_41 : f32 to vector<16xf32>
    %swap3A_43 = arith.constant 96 : index
    %swap3A_44 = tpu.vector_load %arg13[%swap3A_43] {strides = array<i32>} : memref<128xf32, #tpu.memory_space<vmem>>, vector<16xf32>,
    %swap3A_45 = vector.shape_cast %swap3A_44 : vector<16xf32> to vector<16xf32>
    %swap3A_46 = vector.shape_cast %broadcast_in_dim3A_42 : vector<16xf32> to vector<16xf32>
    tpu.vector_store %arg13[%swap3A_43], %swap3A_46 {strides = array<i32>} : memref<128xf32, #tpu.memory_space<vmem>>, vector<16xf32>,
    %broadcast_in_dim3A_47 = arith.constant 1.000000e+00 : f32
    %broadcast_in_dim3A_48 = vector.broadcast %broadcast_in_dim3A_47 : f32 to vector<16xf32>
    %swap3A_49 = arith.constant 112 : index
    %swap3A_50 = tpu.vector_load %arg13[%swap3A_49] {strides = array<i32>} : memref<128xf32, #tpu.memory_space<vmem>>, vector<16xf32>,
    %swap3A_51 = vector.shape_cast %swap3A_50 : vector<16xf32> to vector<16xf32>
    %swap3A_52 = vector.shape_cast %broadcast_in_dim3A_48 : vector<16xf32> to vector<16xf32>
    tpu.vector_store %arg13[%swap3A_49], %swap3A_52 {strides = array<i32>} : memref<128xf32, #tpu.memory_space<vmem>>, vector<16xf32>,
    %scan3A = arith.constant 0 : i32
    %scan3A_53 = arith.constant 128 : i32
    %scan3A_54 = arith.addi %scan3A, %scan3A_53 : i32
    %scan3A_55 = arith.constant 1 : i32
    scf.for %scan3A_102 = %scan3A to %scan3A_54 step %scan3A_55  : i32 {
      %mul3A_103 = arith.constant 1 : i32
      %mul3A_104 = arith.muli %scan3A_102, %mul3A_103 : i32
      %add3A_105 = arith.constant 0 : i32
      %add3A_106 = arith.addi %add3A_105, %mul3A_104 : i32
      %broadcast_in_dim3A_107 = arith.constant 0.000000e+00 : f32
      %broadcast_in_dim3A_108 = vector.broadcast %broadcast_in_dim3A_107 : f32 to vector<16xf32>
      %swap3A_109 = arith.index_cast %add3A_106 : i32 to index
      %swap3A_110 = arith.constant 0 : index
      %swap3A_111 = tpu.vector_load %arg11[%swap3A_109, %swap3A_110] {strides = array<i32>} : memref<128x128xf32, #tpu.memory_space<vmem>>, vector<1x16xf32>,
      %swap3A_112 = vector.shape_cast %swap3A_111 : vector<1x16xf32> to vector<16xf32>
      %swap3A_113 = vector.shape_cast %broadcast_in_dim3A_108 : vector<16xf32> to vector<1x16xf32>
      tpu.vector_store %arg11[%swap3A_109, %swap3A_110], %swap3A_113 {strides = array<i32>} : memref<128x128xf32, #tpu.memory_space<vmem>>, vector<1x16xf32>,
      %broadcast_in_dim3A_114 = arith.constant 0.000000e+00 : f32
      %broadcast_in_dim3A_115 = vector.broadcast %broadcast_in_dim3A_114 : f32 to vector<16xf32>
      %swap3A_116 = arith.index_cast %add3A_106 : i32 to index
      %swap3A_117 = arith.constant 16 : index
      %swap3A_118 = tpu.vector_load %arg11[%swap3A_116, %swap3A_117] {strides = array<i32>} : memref<128x128xf32, #tpu.memory_space<vmem>>, vector<1x16xf32>,
      %swap3A_119 = vector.shape_cast %swap3A_118 : vector<1x16xf32> to vector<16xf32>
      %swap3A_120 = vector.shape_cast %broadcast_in_dim3A_115 : vector<16xf32> to vector<1x16xf32>
      tpu.vector_store %arg11[%swap3A_116, %swap3A_117], %swap3A_120 {strides = array<i32>} : memref<128x128xf32, #tpu.memory_space<vmem>>, vector<1x16xf32>,
      %broadcast_in_dim3A_121 = arith.constant 0.000000e+00 : f32
      %broadcast_in_dim3A_122 = vector.broadcast %broadcast_in_dim3A_121 : f32 to vector<16xf32>
      %swap3A_123 = arith.index_cast %add3A_106 : i32 to index
      %swap3A_124 = arith.constant 32 : index
      %swap3A_125 = tpu.vector_load %arg11[%swap3A_123, %swap3A_124] {strides = array<i32>} : memref<128x128xf32, #tpu.memory_space<vmem>>, vector<1x16xf32>,
      %swap3A_126 = vector.shape_cast %swap3A_125 : vector<1x16xf32> to vector<16xf32>
      %swap3A_127 = vector.shape_cast %broadcast_in_dim3A_122 : vector<16xf32> to vector<1x16xf32>
      tpu.vector_store %arg11[%swap3A_123, %swap3A_124], %swap3A_127 {strides = array<i32>} : memref<128x128xf32, #tpu.memory_space<vmem>>, vector<1x16xf32>,
      %broadcast_in_dim3A_128 = arith.constant 0.000000e+00 : f32
      %broadcast_in_dim3A_129 = vector.broadcast %broadcast_in_dim3A_128 : f32 to vector<16xf32>
      %swap3A_130 = arith.index_cast %add3A_106 : i32 to index
      %swap3A_131 = arith.constant 48 : index
      %swap3A_132 = tpu.vector_load %arg11[%swap3A_130, %swap3A_131] {strides = array<i32>} : memref<128x128xf32, #tpu.memory_space<vmem>>, vector<1x16xf32>,
      %swap3A_133 = vector.shape_cast %swap3A_132 : vector<1x16xf32> to vector<16xf32>
      %swap3A_134 = vector.shape_cast %broadcast_in_dim3A_129 : vector<16xf32> to vector<1x16xf32>
      tpu.vector_store %arg11[%swap3A_130, %swap3A_131], %swap3A_134 {strides = array<i32>} : memref<128x128xf32, #tpu.memory_space<vmem>>, vector<1x16xf32>,
      %broadcast_in_dim3A_135 = arith.constant 0.000000e+00 : f32
      %broadcast_in_dim3A_136 = vector.broadcast %broadcast_in_dim3A_135 : f32 to vector<16xf32>
      %swap3A_137 = arith.index_cast %add3A_106 : i32 to index
      %swap3A_138 = arith.constant 64 : index
      %swap3A_139 = tpu.vector_load %arg11[%swap3A_137, %swap3A_138] {strides = array<i32>} : memref<128x128xf32, #tpu.memory_space<vmem>>, vector<1x16xf32>,
      %swap3A_140 = vector.shape_cast %swap3A_139 : vector<1x16xf32> to vector<16xf32>
      %swap3A_141 = vector.shape_cast %broadcast_in_dim3A_136 : vector<16xf32> to vector<1x16xf32>
      tpu.vector_store %arg11[%swap3A_137, %swap3A_138], %swap3A_141 {strides = array<i32>} : memref<128x128xf32, #tpu.memory_space<vmem>>, vector<1x16xf32>,
      %broadcast_in_dim3A_142 = arith.constant 0.000000e+00 : f32
      %broadcast_in_dim3A_143 = vector.broadcast %broadcast_in_dim3A_142 : f32 to vector<16xf32>
      %swap3A_144 = arith.index_cast %add3A_106 : i32 to index
      %swap3A_145 = arith.constant 80 : index
      %swap3A_146 = tpu.vector_load %arg11[%swap3A_144, %swap3A_145] {strides = array<i32>} : memref<128x128xf32, #tpu.memory_space<vmem>>, vector<1x16xf32>,
      %swap3A_147 = vector.shape_cast %swap3A_146 : vector<1x16xf32> to vector<16xf32>
      %swap3A_148 = vector.shape_cast %broadcast_in_dim3A_143 : vector<16xf32> to vector<1x16xf32>
      tpu.vector_store %arg11[%swap3A_144, %swap3A_145], %swap3A_148 {strides = array<i32>} : memref<128x128xf32, #tpu.memory_space<vmem>>, vector<1x16xf32>,
      %broadcast_in_dim3A_149 = arith.constant 0.000000e+00 : f32
      %broadcast_in_dim3A_150 = vector.broadcast %broadcast_in_dim3A_149 : f32 to vector<16xf32>
      %swap3A_151 = arith.index_cast %add3A_106 : i32 to index
      %swap3A_152 = arith.constant 96 : index
      %swap3A_153 = tpu.vector_load %arg11[%swap3A_151, %swap3A_152] {strides = array<i32>} : memref<128x128xf32, #tpu.memory_space<vmem>>, vector<1x16xf32>,
      %swap3A_154 = vector.shape_cast %swap3A_153 : vector<1x16xf32> to vector<16xf32>
      %swap3A_155 = vector.shape_cast %broadcast_in_dim3A_150 : vector<16xf32> to vector<1x16xf32>
      tpu.vector_store %arg11[%swap3A_151, %swap3A_152], %swap3A_155 {strides = array<i32>} : memref<128x128xf32, #tpu.memory_space<vmem>>, vector<1x16xf32>,
      %broadcast_in_dim3A_156 = arith.constant 0.000000e+00 : f32
      %broadcast_in_dim3A_157 = vector.broadcast %broadcast_in_dim3A_156 : f32 to vector<16xf32>
      %swap3A_158 = arith.index_cast %add3A_106 : i32 to index
      %swap3A_159 = arith.constant 112 : index
      %swap3A_160 = tpu.vector_load %arg11[%swap3A_158, %swap3A_159] {strides = array<i32>} : memref<128x128xf32, #tpu.memory_space<vmem>>, vector<1x16xf32>,
      %swap3A_161 = vector.shape_cast %swap3A_160 : vector<1x16xf32> to vector<16xf32>
      %swap3A_162 = vector.shape_cast %broadcast_in_dim3A_157 : vector<16xf32> to vector<1x16xf32>
      tpu.vector_store %arg11[%swap3A_158, %swap3A_159], %swap3A_162 {strides = array<i32>} : memref<128x128xf32, #tpu.memory_space<vmem>>, vector<1x16xf32>,
    }
    %scan3A_56 = arith.constant 128 : i32
    %scan3A_57 = arith.constant 0 : i32
    %scan3A_58 = arith.constant 5 : i32
    %scan3A_59 = arith.addi %scan3A_57, %scan3A_58 : i32
    %scan3A_60 = arith.constant 1 : i32
    scf.for %scan3A_102 = %scan3A_57 to %scan3A_59 step %scan3A_60  : i32 {
      %mul3A_103 = arith.constant 1 : i32
      %mul3A_104 = arith.muli %scan3A_102, %mul3A_103 : i32
      %add3A_105 = arith.constant 0 : i32
      %add3A_106 = arith.addi %add3A_105, %mul3A_104 : i32
      %mul3A_107 = arith.constant 160 : i32
      %mul3A_108 = arith.muli %arg1, %mul3A_107 : i32
      %mul3A_109 = arith.constant 32 : i32
      %mul3A_110 = arith.muli %add3A_106, %mul3A_109 : i32
      %add3A_111 = arith.addi %mul3A_108, %mul3A_110 : i32
      "tpu.region"() ({
        %run_scoped3A_117 = tpu.sem_alloc : memref<!tpu.dma_semaphore, #tpu.memory_space<semaphore_mem>>
        %dma_start3A_118 = arith.constant 0 : i32
        %dma_start3A_119 = arith.constant 0 : i32
        %dma_start3A_120 = tpu.memref_slice %arg11[%dma_start3A_118, %dma_start3A_119] : memref<128x128xf32, #tpu.memory_space<vmem>> -> memref<32x128xf32, #tpu.memory_space<vmem>>
        %dma_start3A_121 = arith.constant 0 : i32
        %dma_start3A_122 = tpu.memref_slice %arg16[%add3A_111, %dma_start3A_121] : memref<2560x128xf32, #tpu.memory_space<vmem_shared>> -> memref<32x128xf32, #tpu.memory_space<vmem_shared>>
        %dma_start3A_123 = arith.constant 0 : i32
        %dma_start3A_124 = tpu.memref_slice %arg16[%add3A_111, %dma_start3A_123] : memref<2560x128xf32, #tpu.memory_space<vmem_shared>> -> memref<32x128xf32, #tpu.memory_space<vmem_shared>>
        %dma_start3A_125 = arith.constant 0 : i32
        %dma_start3A_126 = arith.constant 0 : i32
        %dma_start3A_127 = tpu.memref_slice %arg11[%dma_start3A_125, %dma_start3A_126] : memref<128x128xf32, #tpu.memory_space<vmem>> -> memref<32x128xf32, #tpu.memory_space<vmem>>
        tpu.enqueue_dma source(%dma_start3A_127 : memref<32x128xf32, #tpu.memory_space<vmem>>) target(%dma_start3A_124 : memref<32x128xf32, #tpu.memory_space<vmem_shared>>) target_semaphore(%run_scoped3A_117 : memref<!tpu.dma_semaphore, #tpu.memory_space<semaphore_mem>>)
        %dma_wait3A_128 = arith.constant 0 : i32
        %dma_wait3A_129 = arith.constant 0 : i32
        %dma_wait3A_130 = tpu.memref_slice %arg11[%dma_wait3A_128, %dma_wait3A_129] : memref<128x128xf32, #tpu.memory_space<vmem>> -> memref<32x128xf32, #tpu.memory_space<vmem>>
        %dma_wait3A_131 = arith.constant 0 : i32
        %dma_wait3A_132 = tpu.memref_slice %arg16[%add3A_111, %dma_wait3A_131] : memref<2560x128xf32, #tpu.memory_space<vmem_shared>> -> memref<32x128xf32, #tpu.memory_space<vmem_shared>>
        %dma_wait3A_133 = arith.constant 0 : i32
        %dma_wait3A_134 = tpu.memref_slice %arg16[%add3A_111, %dma_wait3A_133] : memref<2560x128xf32, #tpu.memory_space<vmem_shared>> -> memref<32x128xf32, #tpu.memory_space<vmem_shared>>
        %dma_wait3A_135 = arith.constant 0 : i32
        %dma_wait3A_136 = arith.constant 0 : i32
        %dma_wait3A_137 = tpu.memref_slice %arg11[%dma_wait3A_135, %dma_wait3A_136] : memref<128x128xf32, #tpu.memory_space<vmem>> -> memref<32x128xf32, #tpu.memory_space<vmem>>
        tpu.wait_dma2 semaphore(%run_scoped3A_117 : memref<!tpu.dma_semaphore, #tpu.memory_space<semaphore_mem>>) src(%dma_wait3A_137 : memref<32x128xf32, #tpu.memory_space<vmem>>) dst(%dma_wait3A_134 : memref<32x128xf32, #tpu.memory_space<vmem_shared>>)
        tpu.yield
      }) : () -> ()
      %mul3A_112 = arith.constant 160 : i32
      %mul3A_113 = arith.muli %arg1, %mul3A_112 : i32
      %mul3A_114 = arith.constant 32 : i32
      %mul3A_115 = arith.muli %add3A_106, %mul3A_114 : i32
      %add3A_116 = arith.addi %mul3A_113, %mul3A_115 : i32
      %run_scoped3A = arith.constant 0 : i32
      "tpu.region"() ({
        %run_scoped3A_117 = tpu.sem_alloc : memref<!tpu.dma_semaphore, #tpu.memory_space<semaphore_mem>>
        %dma_start3A_118 = arith.constant 0 : i32
        %dma_start3A_119 = tpu.memref_slice %arg11[%run_scoped3A, %dma_start3A_118] : memref<128x128xf32, #tpu.memory_space<vmem>> -> memref<1x32xf32, #tpu.memory_space<vmem>>
        %dma_start3A_120 = tpu.memref_squeeze %dma_start3A_119 : memref<1x32xf32, #tpu.memory_space<vmem>> -> memref<32xf32, #tpu.memory_space<vmem>>
        %dma_start3A_121 = tpu.memref_slice %arg17[%add3A_116] : memref<2560xf32, #tpu.memory_space<vmem_shared>> -> memref<32xf32, #tpu.memory_space<vmem_shared>>
        %dma_start3A_122 = tpu.memref_slice %arg17[%add3A_116] : memref<2560xf32, #tpu.memory_space<vmem_shared>> -> memref<32xf32, #tpu.memory_space<vmem_shared>>
        %dma_start3A_123 = arith.constant 0 : i32
        %dma_start3A_124 = tpu.memref_slice %arg11[%run_scoped3A, %dma_start3A_123] : memref<128x128xf32, #tpu.memory_space<vmem>> -> memref<1x32xf32, #tpu.memory_space<vmem>>
        %dma_start3A_125 = tpu.memref_squeeze %dma_start3A_124 : memref<1x32xf32, #tpu.memory_space<vmem>> -> memref<32xf32, #tpu.memory_space<vmem>>
        tpu.enqueue_dma source(%dma_start3A_125 : memref<32xf32, #tpu.memory_space<vmem>>) target(%dma_start3A_122 : memref<32xf32, #tpu.memory_space<vmem_shared>>) target_semaphore(%run_scoped3A_117 : memref<!tpu.dma_semaphore, #tpu.memory_space<semaphore_mem>>)
        %dma_wait3A_126 = arith.constant 0 : i32
        %dma_wait3A_127 = tpu.memref_slice %arg11[%run_scoped3A, %dma_wait3A_126] : memref<128x128xf32, #tpu.memory_space<vmem>> -> memref<1x32xf32, #tpu.memory_space<vmem>>
        %dma_wait3A_128 = tpu.memref_squeeze %dma_wait3A_127 : memref<1x32xf32, #tpu.memory_space<vmem>> -> memref<32xf32, #tpu.memory_space<vmem>>
        %dma_wait3A_129 = tpu.memref_slice %arg17[%add3A_116] : memref<2560xf32, #tpu.memory_space<vmem_shared>> -> memref<32xf32, #tpu.memory_space<vmem_shared>>
        %dma_wait3A_130 = tpu.memref_slice %arg17[%add3A_116] : memref<2560xf32, #tpu.memory_space<vmem_shared>> -> memref<32xf32, #tpu.memory_space<vmem_shared>>
        %dma_wait3A_131 = arith.constant 0 : i32
        %dma_wait3A_132 = tpu.memref_slice %arg11[%run_scoped3A, %dma_wait3A_131] : memref<128x128xf32, #tpu.memory_space<vmem>> -> memref<1x32xf32, #tpu.memory_space<vmem>>
        %dma_wait3A_133 = tpu.memref_squeeze %dma_wait3A_132 : memref<1x32xf32, #tpu.memory_space<vmem>> -> memref<32xf32, #tpu.memory_space<vmem>>
        tpu.wait_dma2 semaphore(%run_scoped3A_117 : memref<!tpu.dma_semaphore, #tpu.memory_space<semaphore_mem>>) src(%dma_wait3A_133 : memref<32xf32, #tpu.memory_space<vmem>>) dst(%dma_wait3A_130 : memref<32xf32, #tpu.memory_space<vmem_shared>>)
        tpu.yield
      }) : () -> ()
    }
    %scan3A_61 = arith.constant 5 : i32
    %mul3A_62 = arith.constant 320 : i32
    %mul3A_63 = arith.muli %arg1, %mul3A_62 : i32
    "tpu.region"() ({
      %run_scoped3A = tpu.sem_alloc : memref<!tpu.dma_semaphore, #tpu.memory_space<semaphore_mem>>
      %dma_start3A_102 = arith.constant 0 : i32
      %dma_start3A_103 = tpu.memref_slice %arg15[%mul3A_63, %dma_start3A_102] : memref<5120x128xf32, #tpu.memory_space<vmem_shared>> -> memref<320x128xf32, #tpu.memory_space<vmem_shared>>
      %dma_start3A_104 = arith.constant 0 : i32
      %dma_start3A_105 = tpu.memref_slice %arg2[%mul3A_63, %dma_start3A_104] : memref<5120x128xf32, #tpu.memory_space<hbm>> -> memref<320x128xf32, #tpu.memory_space<hbm>>
      tpu.enqueue_dma source(%dma_start3A_105 : memref<320x128xf32, #tpu.memory_space<hbm>>) target(%dma_start3A_103 : memref<320x128xf32, #tpu.memory_space<vmem_shared>>) target_semaphore(%run_scoped3A : memref<!tpu.dma_semaphore, #tpu.memory_space<semaphore_mem>>)
      %dma_wait3A_106 = arith.constant 0 : i32
      %dma_wait3A_107 = tpu.memref_slice %arg15[%mul3A_63, %dma_wait3A_106] : memref<5120x128xf32, #tpu.memory_space<vmem_shared>> -> memref<320x128xf32, #tpu.memory_space<vmem_shared>>
      %dma_wait3A_108 = arith.constant 0 : i32
      %dma_wait3A_109 = tpu.memref_slice %arg2[%mul3A_63, %dma_wait3A_108] : memref<5120x128xf32, #tpu.memory_space<hbm>> -> memref<320x128xf32, #tpu.memory_space<hbm>>
      tpu.wait_dma2 semaphore(%run_scoped3A : memref<!tpu.dma_semaphore, #tpu.memory_space<semaphore_mem>>) src(%dma_wait3A_109 : memref<320x128xf32, #tpu.memory_space<hbm>>) dst(%dma_wait3A_107 : memref<320x128xf32, #tpu.memory_space<vmem_shared>>)
      tpu.yield
    }) : () -> ()
    %barrier3A = arith.constant 0 : index
    tpu.barrier barrier_id(%barrier3A)
    %get3A = arith.constant 0 : index
    %get3A_64 = tpu.vector_load %arg10[%get3A] {strides = array<i32>} : memref<16xi32, #tpu.memory_space<vmem>>, vector<16xi32>,
    %get3A_65 = vector.shape_cast %get3A_64 : vector<16xi32> to vector<16xi32>
    %slice3A = vector.extract_strided_slice %get3A_65 {offsets = [0], sizes = [1], strides = [1]} : vector<16xi32> to vector<1xi32>
    %squeeze3A = vector.extract %slice3A[0] : i32 from vector<1xi32>
    %dma_start3A = arith.constant 0 : i32
    %dma_start3A_66 = arith.constant 0 : i32
    %dma_start3A_67 = tpu.memref_slice %arg8[%dma_start3A, %dma_start3A_66] : memref<88x128xi32, #tpu.memory_space<vmem>> -> memref<1x128xi32, #tpu.memory_space<vmem>>
    %dma_start3A_68 = tpu.memref_squeeze %dma_start3A_67 : memref<1x128xi32, #tpu.memory_space<vmem>> -> memref<128xi32, #tpu.memory_space<vmem>>
    %dma_start3A_69 = arith.constant 0 : i32
    %dma_start3A_70 = arith.constant 0 : i32
    %dma_start3A_71 = tpu.memref_slice %arg15[%dma_start3A_69, %dma_start3A_70] : memref<5120x128xf32, #tpu.memory_space<vmem_shared>> -> memref<5120x128xf32, #tpu.memory_space<vmem_shared>>
    tpu.enqueue_indirect_dma source(%dma_start3A_71 : memref<5120x128xf32, #tpu.memory_space<vmem_shared>>) target(%arg11 : memref<128x128xf32, #tpu.memory_space<vmem>>) offsets(%dma_start3A_68 : memref<128xi32, #tpu.memory_space<vmem>>) semaphore(%arg18 : memref<!tpu.dma_semaphore, #tpu.memory_space<semaphore_mem>>)
    %sub3A = arith.constant 0 : i32
    %sub3A_72 = arith.subi %squeeze3A, %sub3A : i32
    %sub3A_73 = arith.constant 1 : i32
    %sub3A_74 = arith.constant 1 : i32
    %sub3A_75 = arith.subi %sub3A_73, %sub3A_74 : i32
    %add3A_76 = arith.addi %sub3A_72, %sub3A_75 : i32
    %div3A = arith.constant 1 : i32
    %div3A_77 = arith.divsi %add3A_76, %div3A : i32
    %while3A = arith.constant 1 : i32
    %while3A_78 = arith.constant 0 : i32
    %while3A_79 = arith.constant 0 : i32
    %while3A_80 = arith.subi %div3A_77, %while3A_79 : i32
    %while3A_81 = arith.addi %while3A_79, %while3A_80 : i32
    %while3A_82 = arith.constant 1 : i32
    %while3A_83 = arith.divsi %while3A_80, %while3A_82 : i32
    %while3A_84 = arith.muli %while3A_83, %while3A_82 : i32
    %while3A_85 = arith.addi %while3A_79, %while3A_84 : i32
    %while3A_86 = arith.constant 1 : i32
    scf.for %while3A_102 = %while3A_79 to %while3A_85 step %while3A_86  : i32 {
      %mul3A_103 = arith.muli %while3A_102, %while3A : i32
      %add3A_104 = arith.addi %while3A_78, %mul3A_103 : i32
      %mul3A_105 = arith.constant 2 : i32
      %mul3A_106 = arith.muli %mul3A_105, %add3A_104 : i32
      %add3A_107 = arith.constant 1 : i32
      %add3A_108 = arith.addi %mul3A_106, %add3A_107 : i32
      %dma_start3A_109 = arith.constant 0 : i32
      %dma_start3A_110 = tpu.memref_slice %arg8[%add3A_108, %dma_start3A_109] : memref<88x128xi32, #tpu.memory_space<vmem>> -> memref<1x128xi32, #tpu.memory_space<vmem>>
      %dma_start3A_111 = tpu.memref_squeeze %dma_start3A_110 : memref<1x128xi32, #tpu.memory_space<vmem>> -> memref<128xi32, #tpu.memory_space<vmem>>
      %dma_start3A_112 = arith.constant 0 : i32
      %dma_start3A_113 = arith.constant 0 : i32
      %dma_start3A_114 = tpu.memref_slice %arg15[%dma_start3A_112, %dma_start3A_113] : memref<5120x128xf32, #tpu.memory_space<vmem_shared>> -> memref<5120x128xf32, #tpu.memory_space<vmem_shared>>
      tpu.enqueue_indirect_dma source(%dma_start3A_114 : memref<5120x128xf32, #tpu.memory_space<vmem_shared>>) target(%arg12 : memref<128x128xf32, #tpu.memory_space<vmem>>) offsets(%dma_start3A_111 : memref<128xi32, #tpu.memory_space<vmem>>) semaphore(%arg19 : memref<!tpu.dma_semaphore, #tpu.memory_space<semaphore_mem>>)
      %dma_wait3A_115 = arith.constant 0 : i32
      %dma_wait3A_116 = tpu.memref_slice %arg8[%mul3A_106, %dma_wait3A_115] : memref<88x128xi32, #tpu.memory_space<vmem>> -> memref<1x128xi32, #tpu.memory_space<vmem>>
      %dma_wait3A_117 = tpu.memref_squeeze %dma_wait3A_116 : memref<1x128xi32, #tpu.memory_space<vmem>> -> memref<128xi32, #tpu.memory_space<vmem>>
      %dma_wait3A_118 = arith.constant 0 : i32
      %dma_wait3A_119 = arith.constant 0 : i32
      %dma_wait3A_120 = tpu.memref_slice %arg15[%dma_wait3A_118, %dma_wait3A_119] : memref<5120x128xf32, #tpu.memory_space<vmem_shared>> -> memref<5120x128xf32, #tpu.memory_space<vmem_shared>>
      tpu.wait_indirect_dma semaphore(%arg18 : memref<!tpu.dma_semaphore, #tpu.memory_space<semaphore_mem>>) src(%dma_wait3A_120 : memref<5120x128xf32, #tpu.memory_space<vmem_shared>>) dst(%arg11 : memref<128x128xf32, #tpu.memory_space<vmem>>)
      %dma_start3A_121 = arith.constant 0 : i32
      %dma_start3A_122 = tpu.memref_slice %arg9[%mul3A_106, %dma_start3A_121] : memref<88x128xi32, #tpu.memory_space<vmem>> -> memref<1x128xi32, #tpu.memory_space<vmem>>
      %dma_start3A_123 = tpu.memref_squeeze %dma_start3A_122 : memref<1x128xi32, #tpu.memory_space<vmem>> -> memref<128xi32, #tpu.memory_space<vmem>>
      %dma_start3A_124 = arith.constant 0 : i32
      %dma_start3A_125 = tpu.memref_slice %arg17[%dma_start3A_124] : memref<2560xf32, #tpu.memory_space<vmem_shared>> -> memref<2560xf32, #tpu.memory_space<vmem_shared>>
      tpu.enqueue_indirect_dma source(%arg13 : memref<128xf32, #tpu.memory_space<vmem>>) target(%dma_start3A_125 : memref<2560xf32, #tpu.memory_space<vmem_shared>>) offsets(%dma_start3A_123 : memref<128xi32, #tpu.memory_space<vmem>>) semaphore(%arg20 : memref<!tpu.dma_semaphore, #tpu.memory_space<semaphore_mem>>) {add = true}
      "tpu.region"() ({
        %run_scoped3A = tpu.sem_alloc : memref<!tpu.dma_semaphore, #tpu.memory_space<semaphore_mem>>
        %dma_start3A_161 = arith.constant 0 : i32
        %dma_start3A_162 = tpu.memref_slice %arg9[%mul3A_106, %dma_start3A_161] : memref<88x128xi32, #tpu.memory_space<vmem>> -> memref<1x128xi32, #tpu.memory_space<vmem>>
        %dma_start3A_163 = tpu.memref_squeeze %dma_start3A_162 : memref<1x128xi32, #tpu.memory_space<vmem>> -> memref<128xi32, #tpu.memory_space<vmem>>
        %dma_start3A_164 = arith.constant 0 : i32
        %dma_start3A_165 = arith.constant 0 : i32
        %dma_start3A_166 = tpu.memref_slice %arg16[%dma_start3A_164, %dma_start3A_165] : memref<2560x128xf32, #tpu.memory_space<vmem_shared>> -> memref<2560x128xf32, #tpu.memory_space<vmem_shared>>
        tpu.enqueue_indirect_dma source(%arg11 : memref<128x128xf32, #tpu.memory_space<vmem>>) target(%dma_start3A_166 : memref<2560x128xf32, #tpu.memory_space<vmem_shared>>) offsets(%dma_start3A_163 : memref<128xi32, #tpu.memory_space<vmem>>) semaphore(%run_scoped3A : memref<!tpu.dma_semaphore, #tpu.memory_space<semaphore_mem>>) {add = true}
        %dma_wait3A_167 = arith.constant 0 : i32
        %dma_wait3A_168 = tpu.memref_slice %arg9[%mul3A_106, %dma_wait3A_167] : memref<88x128xi32, #tpu.memory_space<vmem>> -> memref<1x128xi32, #tpu.memory_space<vmem>>
        %dma_wait3A_169 = tpu.memref_squeeze %dma_wait3A_168 : memref<1x128xi32, #tpu.memory_space<vmem>> -> memref<128xi32, #tpu.memory_space<vmem>>
        %dma_wait3A_170 = arith.constant 0 : i32
        %dma_wait3A_171 = arith.constant 0 : i32
        %dma_wait3A_172 = tpu.memref_slice %arg16[%dma_wait3A_170, %dma_wait3A_171] : memref<2560x128xf32, #tpu.memory_space<vmem_shared>> -> memref<2560x128xf32, #tpu.memory_space<vmem_shared>>
        tpu.wait_indirect_dma semaphore(%run_scoped3A : memref<!tpu.dma_semaphore, #tpu.memory_space<semaphore_mem>>) src(%arg11 : memref<128x128xf32, #tpu.memory_space<vmem>>) dst(%dma_wait3A_172 : memref<2560x128xf32, #tpu.memory_space<vmem_shared>>)
        tpu.yield
      }) : () -> ()
      %add3A_126 = arith.constant 2 : i32
      %add3A_127 = arith.addi %mul3A_106, %add3A_126 : i32
      %dma_start3A_128 = arith.constant 0 : i32
      %dma_start3A_129 = tpu.memref_slice %arg8[%add3A_127, %dma_start3A_128] : memref<88x128xi32, #tpu.memory_space<vmem>> -> memref<1x128xi32, #tpu.memory_space<vmem>>
      %dma_start3A_130 = tpu.memref_squeeze %dma_start3A_129 : memref<1x128xi32, #tpu.memory_space<vmem>> -> memref<128xi32, #tpu.memory_space<vmem>>
      %dma_start3A_131 = arith.constant 0 : i32
      %dma_start3A_132 = arith.constant 0 : i32
      %dma_start3A_133 = tpu.memref_slice %arg15[%dma_start3A_131, %dma_start3A_132] : memref<5120x128xf32, #tpu.memory_space<vmem_shared>> -> memref<5120x128xf32, #tpu.memory_space<vmem_shared>>
      tpu.enqueue_indirect_dma source(%dma_start3A_133 : memref<5120x128xf32, #tpu.memory_space<vmem_shared>>) target(%arg11 : memref<128x128xf32, #tpu.memory_space<vmem>>) offsets(%dma_start3A_130 : memref<128xi32, #tpu.memory_space<vmem>>) semaphore(%arg18 : memref<!tpu.dma_semaphore, #tpu.memory_space<semaphore_mem>>)
      %add3A_134 = arith.constant 1 : i32
      %add3A_135 = arith.addi %mul3A_106, %add3A_134 : i32
      %dma_wait3A_136 = arith.constant 0 : i32
      %dma_wait3A_137 = tpu.memref_slice %arg8[%add3A_135, %dma_wait3A_136] : memref<88x128xi32, #tpu.memory_space<vmem>> -> memref<1x128xi32, #tpu.memory_space<vmem>>
      %dma_wait3A_138 = tpu.memref_squeeze %dma_wait3A_137 : memref<1x128xi32, #tpu.memory_space<vmem>> -> memref<128xi32, #tpu.memory_space<vmem>>
      %dma_wait3A_139 = arith.constant 0 : i32
      %dma_wait3A_140 = arith.constant 0 : i32
      %dma_wait3A_141 = tpu.memref_slice %arg15[%dma_wait3A_139, %dma_wait3A_140] : memref<5120x128xf32, #tpu.memory_space<vmem_shared>> -> memref<5120x128xf32, #tpu.memory_space<vmem_shared>>
      tpu.wait_indirect_dma semaphore(%arg19 : memref<!tpu.dma_semaphore, #tpu.memory_space<semaphore_mem>>) src(%dma_wait3A_141 : memref<5120x128xf32, #tpu.memory_space<vmem_shared>>) dst(%arg12 : memref<128x128xf32, #tpu.memory_space<vmem>>)
      %add3A_142 = arith.constant 1 : i32
      %add3A_143 = arith.addi %mul3A_106, %add3A_142 : i32
      %dma_start3A_144 = arith.constant 0 : i32
      %dma_start3A_145 = tpu.memref_slice %arg9[%add3A_143, %dma_start3A_144] : memref<88x128xi32, #tpu.memory_space<vmem>> -> memref<1x128xi32, #tpu.memory_space<vmem>>
      %dma_start3A_146 = tpu.memref_squeeze %dma_start3A_145 : memref<1x128xi32, #tpu.memory_space<vmem>> -> memref<128xi32, #tpu.memory_space<vmem>>
      %dma_start3A_147 = arith.constant 0 : i32
      %dma_start3A_148 = tpu.memref_slice %arg17[%dma_start3A_147] : memref<2560xf32, #tpu.memory_space<vmem_shared>> -> memref<2560xf32, #tpu.memory_space<vmem_shared>>
      tpu.enqueue_indirect_dma source(%arg13 : memref<128xf32, #tpu.memory_space<vmem>>) target(%dma_start3A_148 : memref<2560xf32, #tpu.memory_space<vmem_shared>>) offsets(%dma_start3A_146 : memref<128xi32, #tpu.memory_space<vmem>>) semaphore(%arg20 : memref<!tpu.dma_semaphore, #tpu.memory_space<semaphore_mem>>) {add = true}
      %add3A_149 = arith.constant 1 : i32
      %add3A_150 = arith.addi %mul3A_106, %add3A_149 : i32
      "tpu.region"() ({
        %run_scoped3A = tpu.sem_alloc : memref<!tpu.dma_semaphore, #tpu.memory_space<semaphore_mem>>
        %dma_start3A_161 = arith.constant 0 : i32
        %dma_start3A_162 = tpu.memref_slice %arg9[%add3A_150, %dma_start3A_161] : memref<88x128xi32, #tpu.memory_space<vmem>> -> memref<1x128xi32, #tpu.memory_space<vmem>>
        %dma_start3A_163 = tpu.memref_squeeze %dma_start3A_162 : memref<1x128xi32, #tpu.memory_space<vmem>> -> memref<128xi32, #tpu.memory_space<vmem>>
        %dma_start3A_164 = arith.constant 0 : i32
        %dma_start3A_165 = arith.constant 0 : i32
        %dma_start3A_166 = tpu.memref_slice %arg16[%dma_start3A_164, %dma_start3A_165] : memref<2560x128xf32, #tpu.memory_space<vmem_shared>> -> memref<2560x128xf32, #tpu.memory_space<vmem_shared>>
        tpu.enqueue_indirect_dma source(%arg12 : memref<128x128xf32, #tpu.memory_space<vmem>>) target(%dma_start3A_166 : memref<2560x128xf32, #tpu.memory_space<vmem_shared>>) offsets(%dma_start3A_163 : memref<128xi32, #tpu.memory_space<vmem>>) semaphore(%run_scoped3A : memref<!tpu.dma_semaphore, #tpu.memory_space<semaphore_mem>>) {add = true}
        %dma_wait3A_167 = arith.constant 0 : i32
        %dma_wait3A_168 = tpu.memref_slice %arg9[%add3A_150, %dma_wait3A_167] : memref<88x128xi32, #tpu.memory_space<vmem>> -> memref<1x128xi32, #tpu.memory_space<vmem>>
        %dma_wait3A_169 = tpu.memref_squeeze %dma_wait3A_168 : memref<1x128xi32, #tpu.memory_space<vmem>> -> memref<128xi32, #tpu.memory_space<vmem>>
        %dma_wait3A_170 = arith.constant 0 : i32
        %dma_wait3A_171 = arith.constant 0 : i32
        %dma_wait3A_172 = tpu.memref_slice %arg16[%dma_wait3A_170, %dma_wait3A_171] : memref<2560x128xf32, #tpu.memory_space<vmem_shared>> -> memref<2560x128xf32, #tpu.memory_space<vmem_shared>>
        tpu.wait_indirect_dma semaphore(%run_scoped3A : memref<!tpu.dma_semaphore, #tpu.memory_space<semaphore_mem>>) src(%arg12 : memref<128x128xf32, #tpu.memory_space<vmem>>) dst(%dma_wait3A_172 : memref<2560x128xf32, #tpu.memory_space<vmem_shared>>)
        tpu.yield
      }) : () -> ()
      %dma_wait3A_151 = arith.constant 0 : i32
      %dma_wait3A_152 = tpu.memref_slice %arg9[%mul3A_106, %dma_wait3A_151] : memref<88x128xi32, #tpu.memory_space<vmem>> -> memref<1x128xi32, #tpu.memory_space<vmem>>
      %dma_wait3A_153 = tpu.memref_squeeze %dma_wait3A_152 : memref<1x128xi32, #tpu.memory_space<vmem>> -> memref<128xi32, #tpu.memory_space<vmem>>
      %dma_wait3A_154 = arith.constant 0 : i32
      %dma_wait3A_155 = tpu.memref_slice %arg17[%dma_wait3A_154] : memref<2560xf32, #tpu.memory_space<vmem_shared>> -> memref<2560xf32, #tpu.memory_space<vmem_shared>>
      tpu.wait_indirect_dma semaphore(%arg20 : memref<!tpu.dma_semaphore, #tpu.memory_space<semaphore_mem>>) src(%arg13 : memref<128xf32, #tpu.memory_space<vmem>>) dst(%dma_wait3A_155 : memref<2560xf32, #tpu.memory_space<vmem_shared>>)
      %dma_wait3A_156 = arith.constant 0 : i32
      %dma_wait3A_157 = tpu.memref_slice %arg9[%add3A_143, %dma_wait3A_156] : memref<88x128xi32, #tpu.memory_space<vmem>> -> memref<1x128xi32, #tpu.memory_space<vmem>>
      %dma_wait3A_158 = tpu.memref_squeeze %dma_wait3A_157 : memref<1x128xi32, #tpu.memory_space<vmem>> -> memref<128xi32, #tpu.memory_space<vmem>>
      %dma_wait3A_159 = arith.constant 0 : i32
      %dma_wait3A_160 = tpu.memref_slice %arg17[%dma_wait3A_159] : memref<2560xf32, #tpu.memory_space<vmem_shared>> -> memref<2560xf32, #tpu.memory_space<vmem_shared>>
      tpu.wait_indirect_dma semaphore(%arg20 : memref<!tpu.dma_semaphore, #tpu.memory_space<semaphore_mem>>) src(%arg13 : memref<128xf32, #tpu.memory_space<vmem>>) dst(%dma_wait3A_160 : memref<2560xf32, #tpu.memory_space<vmem_shared>>)
    }
    %while3A_87 = arith.constant 1 : i32
    scf.for %while3A_102 = %while3A_85 to %while3A_81 step %while3A_87  : i32 {
      %mul3A_103 = arith.muli %while3A_102, %while3A : i32
      %add3A_104 = arith.addi %while3A_78, %mul3A_103 : i32
      %mul3A_105 = arith.constant 2 : i32
      %mul3A_106 = arith.muli %mul3A_105, %add3A_104 : i32
      %add3A_107 = arith.constant 1 : i32
      %add3A_108 = arith.addi %mul3A_106, %add3A_107 : i32
      %dma_start3A_109 = arith.constant 0 : i32
      %dma_start3A_110 = tpu.memref_slice %arg8[%add3A_108, %dma_start3A_109] : memref<88x128xi32, #tpu.memory_space<vmem>> -> memref<1x128xi32, #tpu.memory_space<vmem>>
      %dma_start3A_111 = tpu.memref_squeeze %dma_start3A_110 : memref<1x128xi32, #tpu.memory_space<vmem>> -> memref<128xi32, #tpu.memory_space<vmem>>
      %dma_start3A_112 = arith.constant 0 : i32
      %dma_start3A_113 = arith.constant 0 : i32
      %dma_start3A_114 = tpu.memref_slice %arg15[%dma_start3A_112, %dma_start3A_113] : memref<5120x128xf32, #tpu.memory_space<vmem_shared>> -> memref<5120x128xf32, #tpu.memory_space<vmem_shared>>
      tpu.enqueue_indirect_dma source(%dma_start3A_114 : memref<5120x128xf32, #tpu.memory_space<vmem_shared>>) target(%arg12 : memref<128x128xf32, #tpu.memory_space<vmem>>) offsets(%dma_start3A_111 : memref<128xi32, #tpu.memory_space<vmem>>) semaphore(%arg19 : memref<!tpu.dma_semaphore, #tpu.memory_space<semaphore_mem>>)
      %dma_wait3A_115 = arith.constant 0 : i32
      %dma_wait3A_116 = tpu.memref_slice %arg8[%mul3A_106, %dma_wait3A_115] : memref<88x128xi32, #tpu.memory_space<vmem>> -> memref<1x128xi32, #tpu.memory_space<vmem>>
      %dma_wait3A_117 = tpu.memref_squeeze %dma_wait3A_116 : memref<1x128xi32, #tpu.memory_space<vmem>> -> memref<128xi32, #tpu.memory_space<vmem>>
      %dma_wait3A_118 = arith.constant 0 : i32
      %dma_wait3A_119 = arith.constant 0 : i32
      %dma_wait3A_120 = tpu.memref_slice %arg15[%dma_wait3A_118, %dma_wait3A_119] : memref<5120x128xf32, #tpu.memory_space<vmem_shared>> -> memref<5120x128xf32, #tpu.memory_space<vmem_shared>>
      tpu.wait_indirect_dma semaphore(%arg18 : memref<!tpu.dma_semaphore, #tpu.memory_space<semaphore_mem>>) src(%dma_wait3A_120 : memref<5120x128xf32, #tpu.memory_space<vmem_shared>>) dst(%arg11 : memref<128x128xf32, #tpu.memory_space<vmem>>)
      %dma_start3A_121 = arith.constant 0 : i32
      %dma_start3A_122 = tpu.memref_slice %arg9[%mul3A_106, %dma_start3A_121] : memref<88x128xi32, #tpu.memory_space<vmem>> -> memref<1x128xi32, #tpu.memory_space<vmem>>
      %dma_start3A_123 = tpu.memref_squeeze %dma_start3A_122 : memref<1x128xi32, #tpu.memory_space<vmem>> -> memref<128xi32, #tpu.memory_space<vmem>>
      %dma_start3A_124 = arith.constant 0 : i32
      %dma_start3A_125 = tpu.memref_slice %arg17[%dma_start3A_124] : memref<2560xf32, #tpu.memory_space<vmem_shared>> -> memref<2560xf32, #tpu.memory_space<vmem_shared>>
      tpu.enqueue_indirect_dma source(%arg13 : memref<128xf32, #tpu.memory_space<vmem>>) target(%dma_start3A_125 : memref<2560xf32, #tpu.memory_space<vmem_shared>>) offsets(%dma_start3A_123 : memref<128xi32, #tpu.memory_space<vmem>>) semaphore(%arg20 : memref<!tpu.dma_semaphore, #tpu.memory_space<semaphore_mem>>) {add = true}
      "tpu.region"() ({
        %run_scoped3A = tpu.sem_alloc : memref<!tpu.dma_semaphore, #tpu.memory_space<semaphore_mem>>
        %dma_start3A_161 = arith.constant 0 : i32
        %dma_start3A_162 = tpu.memref_slice %arg9[%mul3A_106, %dma_start3A_161] : memref<88x128xi32, #tpu.memory_space<vmem>> -> memref<1x128xi32, #tpu.memory_space<vmem>>
        %dma_start3A_163 = tpu.memref_squeeze %dma_start3A_162 : memref<1x128xi32, #tpu.memory_space<vmem>> -> memref<128xi32, #tpu.memory_space<vmem>>
        %dma_start3A_164 = arith.constant 0 : i32
        %dma_start3A_165 = arith.constant 0 : i32
        %dma_start3A_166 = tpu.memref_slice %arg16[%dma_start3A_164, %dma_start3A_165] : memref<2560x128xf32, #tpu.memory_space<vmem_shared>> -> memref<2560x128xf32, #tpu.memory_space<vmem_shared>>
        tpu.enqueue_indirect_dma source(%arg11 : memref<128x128xf32, #tpu.memory_space<vmem>>) target(%dma_start3A_166 : memref<2560x128xf32, #tpu.memory_space<vmem_shared>>) offsets(%dma_start3A_163 : memref<128xi32, #tpu.memory_space<vmem>>) semaphore(%run_scoped3A : memref<!tpu.dma_semaphore, #tpu.memory_space<semaphore_mem>>) {add = true}
        %dma_wait3A_167 = arith.constant 0 : i32
        %dma_wait3A_168 = tpu.memref_slice %arg9[%mul3A_106, %dma_wait3A_167] : memref<88x128xi32, #tpu.memory_space<vmem>> -> memref<1x128xi32, #tpu.memory_space<vmem>>
        %dma_wait3A_169 = tpu.memref_squeeze %dma_wait3A_168 : memref<1x128xi32, #tpu.memory_space<vmem>> -> memref<128xi32, #tpu.memory_space<vmem>>
        %dma_wait3A_170 = arith.constant 0 : i32
        %dma_wait3A_171 = arith.constant 0 : i32
        %dma_wait3A_172 = tpu.memref_slice %arg16[%dma_wait3A_170, %dma_wait3A_171] : memref<2560x128xf32, #tpu.memory_space<vmem_shared>> -> memref<2560x128xf32, #tpu.memory_space<vmem_shared>>
        tpu.wait_indirect_dma semaphore(%run_scoped3A : memref<!tpu.dma_semaphore, #tpu.memory_space<semaphore_mem>>) src(%arg11 : memref<128x128xf32, #tpu.memory_space<vmem>>) dst(%dma_wait3A_172 : memref<2560x128xf32, #tpu.memory_space<vmem_shared>>)
        tpu.yield
      }) : () -> ()
      %add3A_126 = arith.constant 2 : i32
      %add3A_127 = arith.addi %mul3A_106, %add3A_126 : i32
      %dma_start3A_128 = arith.constant 0 : i32
      %dma_start3A_129 = tpu.memref_slice %arg8[%add3A_127, %dma_start3A_128] : memref<88x128xi32, #tpu.memory_space<vmem>> -> memref<1x128xi32, #tpu.memory_space<vmem>>
      %dma_start3A_130 = tpu.memref_squeeze %dma_start3A_129 : memref<1x128xi32, #tpu.memory_space<vmem>> -> memref<128xi32, #tpu.memory_space<vmem>>
      %dma_start3A_131 = arith.constant 0 : i32
      %dma_start3A_132 = arith.constant 0 : i32
      %dma_start3A_133 = tpu.memref_slice %arg15[%dma_start3A_131, %dma_start3A_132] : memref<5120x128xf32, #tpu.memory_space<vmem_shared>> -> memref<5120x128xf32, #tpu.memory_space<vmem_shared>>
      tpu.enqueue_indirect_dma source(%dma_start3A_133 : memref<5120x128xf32, #tpu.memory_space<vmem_shared>>) target(%arg11 : memref<128x128xf32, #tpu.memory_space<vmem>>) offsets(%dma_start3A_130 : memref<128xi32, #tpu.memory_space<vmem>>) semaphore(%arg18 : memref<!tpu.dma_semaphore, #tpu.memory_space<semaphore_mem>>)
      %add3A_134 = arith.constant 1 : i32
      %add3A_135 = arith.addi %mul3A_106, %add3A_134 : i32
      %dma_wait3A_136 = arith.constant 0 : i32
      %dma_wait3A_137 = tpu.memref_slice %arg8[%add3A_135, %dma_wait3A_136] : memref<88x128xi32, #tpu.memory_space<vmem>> -> memref<1x128xi32, #tpu.memory_space<vmem>>
      %dma_wait3A_138 = tpu.memref_squeeze %dma_wait3A_137 : memref<1x128xi32, #tpu.memory_space<vmem>> -> memref<128xi32, #tpu.memory_space<vmem>>
      %dma_wait3A_139 = arith.constant 0 : i32
      %dma_wait3A_140 = arith.constant 0 : i32
      %dma_wait3A_141 = tpu.memref_slice %arg15[%dma_wait3A_139, %dma_wait3A_140] : memref<5120x128xf32, #tpu.memory_space<vmem_shared>> -> memref<5120x128xf32, #tpu.memory_space<vmem_shared>>
      tpu.wait_indirect_dma semaphore(%arg19 : memref<!tpu.dma_semaphore, #tpu.memory_space<semaphore_mem>>) src(%dma_wait3A_141 : memref<5120x128xf32, #tpu.memory_space<vmem_shared>>) dst(%arg12 : memref<128x128xf32, #tpu.memory_space<vmem>>)
      %add3A_142 = arith.constant 1 : i32
      %add3A_143 = arith.addi %mul3A_106, %add3A_142 : i32
      %dma_start3A_144 = arith.constant 0 : i32
      %dma_start3A_145 = tpu.memref_slice %arg9[%add3A_143, %dma_start3A_144] : memref<88x128xi32, #tpu.memory_space<vmem>> -> memref<1x128xi32, #tpu.memory_space<vmem>>
      %dma_start3A_146 = tpu.memref_squeeze %dma_start3A_145 : memref<1x128xi32, #tpu.memory_space<vmem>> -> memref<128xi32, #tpu.memory_space<vmem>>
      %dma_start3A_147 = arith.constant 0 : i32
      %dma_start3A_148 = tpu.memref_slice %arg17[%dma_start3A_147] : memref<2560xf32, #tpu.memory_space<vmem_shared>> -> memref<2560xf32, #tpu.memory_space<vmem_shared>>
      tpu.enqueue_indirect_dma source(%arg13 : memref<128xf32, #tpu.memory_space<vmem>>) target(%dma_start3A_148 : memref<2560xf32, #tpu.memory_space<vmem_shared>>) offsets(%dma_start3A_146 : memref<128xi32, #tpu.memory_space<vmem>>) semaphore(%arg20 : memref<!tpu.dma_semaphore, #tpu.memory_space<semaphore_mem>>) {add = true}
      %add3A_149 = arith.constant 1 : i32
      %add3A_150 = arith.addi %mul3A_106, %add3A_149 : i32
      "tpu.region"() ({
        %run_scoped3A = tpu.sem_alloc : memref<!tpu.dma_semaphore, #tpu.memory_space<semaphore_mem>>
        %dma_start3A_161 = arith.constant 0 : i32
        %dma_start3A_162 = tpu.memref_slice %arg9[%add3A_150, %dma_start3A_161] : memref<88x128xi32, #tpu.memory_space<vmem>> -> memref<1x128xi32, #tpu.memory_space<vmem>>
        %dma_start3A_163 = tpu.memref_squeeze %dma_start3A_162 : memref<1x128xi32, #tpu.memory_space<vmem>> -> memref<128xi32, #tpu.memory_space<vmem>>
        %dma_start3A_164 = arith.constant 0 : i32
        %dma_start3A_165 = arith.constant 0 : i32
        %dma_start3A_166 = tpu.memref_slice %arg16[%dma_start3A_164, %dma_start3A_165] : memref<2560x128xf32, #tpu.memory_space<vmem_shared>> -> memref<2560x128xf32, #tpu.memory_space<vmem_shared>>
        tpu.enqueue_indirect_dma source(%arg12 : memref<128x128xf32, #tpu.memory_space<vmem>>) target(%dma_start3A_166 : memref<2560x128xf32, #tpu.memory_space<vmem_shared>>) offsets(%dma_start3A_163 : memref<128xi32, #tpu.memory_space<vmem>>) semaphore(%run_scoped3A : memref<!tpu.dma_semaphore, #tpu.memory_space<semaphore_mem>>) {add = true}
        %dma_wait3A_167 = arith.constant 0 : i32
        %dma_wait3A_168 = tpu.memref_slice %arg9[%add3A_150, %dma_wait3A_167] : memref<88x128xi32, #tpu.memory_space<vmem>> -> memref<1x128xi32, #tpu.memory_space<vmem>>
        %dma_wait3A_169 = tpu.memref_squeeze %dma_wait3A_168 : memref<1x128xi32, #tpu.memory_space<vmem>> -> memref<128xi32, #tpu.memory_space<vmem>>
        %dma_wait3A_170 = arith.constant 0 : i32
        %dma_wait3A_171 = arith.constant 0 : i32
        %dma_wait3A_172 = tpu.memref_slice %arg16[%dma_wait3A_170, %dma_wait3A_171] : memref<2560x128xf32, #tpu.memory_space<vmem_shared>> -> memref<2560x128xf32, #tpu.memory_space<vmem_shared>>
        tpu.wait_indirect_dma semaphore(%run_scoped3A : memref<!tpu.dma_semaphore, #tpu.memory_space<semaphore_mem>>) src(%arg12 : memref<128x128xf32, #tpu.memory_space<vmem>>) dst(%dma_wait3A_172 : memref<2560x128xf32, #tpu.memory_space<vmem_shared>>)
        tpu.yield
      }) : () -> ()
      %dma_wait3A_151 = arith.constant 0 : i32
      %dma_wait3A_152 = tpu.memref_slice %arg9[%mul3A_106, %dma_wait3A_151] : memref<88x128xi32, #tpu.memory_space<vmem>> -> memref<1x128xi32, #tpu.memory_space<vmem>>
      %dma_wait3A_153 = tpu.memref_squeeze %dma_wait3A_152 : memref<1x128xi32, #tpu.memory_space<vmem>> -> memref<128xi32, #tpu.memory_space<vmem>>
      %dma_wait3A_154 = arith.constant 0 : i32
      %dma_wait3A_155 = tpu.memref_slice %arg17[%dma_wait3A_154] : memref<2560xf32, #tpu.memory_space<vmem_shared>> -> memref<2560xf32, #tpu.memory_space<vmem_shared>>
      tpu.wait_indirect_dma semaphore(%arg20 : memref<!tpu.dma_semaphore, #tpu.memory_space<semaphore_mem>>) src(%arg13 : memref<128xf32, #tpu.memory_space<vmem>>) dst(%dma_wait3A_155 : memref<2560xf32, #tpu.memory_space<vmem_shared>>)
      %dma_wait3A_156 = arith.constant 0 : i32
      %dma_wait3A_157 = tpu.memref_slice %arg9[%add3A_143, %dma_wait3A_156] : memref<88x128xi32, #tpu.memory_space<vmem>> -> memref<1x128xi32, #tpu.memory_space<vmem>>
      %dma_wait3A_158 = tpu.memref_squeeze %dma_wait3A_157 : memref<1x128xi32, #tpu.memory_space<vmem>> -> memref<128xi32, #tpu.memory_space<vmem>>
      %dma_wait3A_159 = arith.constant 0 : i32
      %dma_wait3A_160 = tpu.memref_slice %arg17[%dma_wait3A_159] : memref<2560xf32, #tpu.memory_space<vmem_shared>> -> memref<2560xf32, #tpu.memory_space<vmem_shared>>
      tpu.wait_indirect_dma semaphore(%arg20 : memref<!tpu.dma_semaphore, #tpu.memory_space<semaphore_mem>>) src(%arg13 : memref<128xf32, #tpu.memory_space<vmem>>) dst(%dma_wait3A_160 : memref<2560xf32, #tpu.memory_space<vmem_shared>>)
    }
    %dma_wait3A = arith.constant 0 : i32
    %dma_wait3A_88 = arith.constant 0 : i32
    %dma_wait3A_89 = tpu.memref_slice %arg8[%dma_wait3A, %dma_wait3A_88] : memref<88x128xi32, #tpu.memory_space<vmem>> -> memref<1x128xi32, #tpu.memory_space<vmem>>
    %dma_wait3A_90 = tpu.memref_squeeze %dma_wait3A_89 : memref<1x128xi32, #tpu.memory_space<vmem>> -> memref<128xi32, #tpu.memory_space<vmem>>
    %dma_wait3A_91 = arith.constant 0 : i32
    %dma_wait3A_92 = arith.constant 0 : i32
    %dma_wait3A_93 = tpu.memref_slice %arg15[%dma_wait3A_91, %dma_wait3A_92] : memref<5120x128xf32, #tpu.memory_space<vmem_shared>> -> memref<5120x128xf32, #tpu.memory_space<vmem_shared>>
    tpu.wait_indirect_dma semaphore(%arg18 : memref<!tpu.dma_semaphore, #tpu.memory_space<semaphore_mem>>) src(%dma_wait3A_93 : memref<5120x128xf32, #tpu.memory_space<vmem_shared>>) dst(%arg11 : memref<128x128xf32, #tpu.memory_space<vmem>>)
    %barrier3A_94 = arith.constant 0 : index
    tpu.barrier barrier_id(%barrier3A_94)
    %mul3A_95 = arith.constant 160 : i32
    %mul3A_96 = arith.muli %arg1, %mul3A_95 : i32
    "tpu.region"() ({
      %run_scoped3A = tpu.sem_alloc : memref<!tpu.dma_semaphore, #tpu.memory_space<semaphore_mem>>
      %dma_start3A_102 = arith.constant 0 : i32
      %dma_start3A_103 = tpu.memref_slice %arg6[%arg0, %mul3A_96, %dma_start3A_102] : memref<2x2560x128xf32, #tpu.memory_space<hbm>> -> memref<1x160x128xf32, #tpu.memory_space<hbm>>
      %dma_start3A_104 = tpu.memref_squeeze %dma_start3A_103 : memref<1x160x128xf32, #tpu.memory_space<hbm>> -> memref<160x128xf32, #tpu.memory_space<hbm>>
      %dma_start3A_105 = arith.constant 0 : i32
      %dma_start3A_106 = tpu.memref_slice %arg16[%mul3A_96, %dma_start3A_105] : memref<2560x128xf32, #tpu.memory_space<vmem_shared>> -> memref<160x128xf32, #tpu.memory_space<vmem_shared>>
      tpu.enqueue_dma source(%dma_start3A_106 : memref<160x128xf32, #tpu.memory_space<vmem_shared>>) target(%dma_start3A_104 : memref<160x128xf32, #tpu.memory_space<hbm>>) target_semaphore(%run_scoped3A : memref<!tpu.dma_semaphore, #tpu.memory_space<semaphore_mem>>)
      %dma_wait3A_107 = arith.constant 0 : i32
      %dma_wait3A_108 = tpu.memref_slice %arg6[%arg0, %mul3A_96, %dma_wait3A_107] : memref<2x2560x128xf32, #tpu.memory_space<hbm>> -> memref<1x160x128xf32, #tpu.memory_space<hbm>>
      %dma_wait3A_109 = tpu.memref_squeeze %dma_wait3A_108 : memref<1x160x128xf32, #tpu.memory_space<hbm>> -> memref<160x128xf32, #tpu.memory_space<hbm>>
      %dma_wait3A_110 = arith.constant 0 : i32
      %dma_wait3A_111 = tpu.memref_slice %arg16[%mul3A_96, %dma_wait3A_110] : memref<2560x128xf32, #tpu.memory_space<vmem_shared>> -> memref<160x128xf32, #tpu.memory_space<vmem_shared>>
      tpu.wait_dma2 semaphore(%run_scoped3A : memref<!tpu.dma_semaphore, #tpu.memory_space<semaphore_mem>>) src(%dma_wait3A_111 : memref<160x128xf32, #tpu.memory_space<vmem_shared>>) dst(%dma_wait3A_109 : memref<160x128xf32, #tpu.memory_space<hbm>>)
      tpu.yield
    }) : () -> ()
    "tpu.region"() ({
      %run_scoped3A = tpu.sem_alloc : memref<!tpu.dma_semaphore, #tpu.memory_space<semaphore_mem>>
      %dma_start3A_102 = tpu.memref_slice %arg17[%mul3A_96] : memref<2560xf32, #tpu.memory_space<vmem_shared>> -> memref<160xf32, #tpu.memory_space<vmem_shared>>
      %dma_start3A_103 = tpu.memref_slice %arg17[%mul3A_96] : memref<2560xf32, #tpu.memory_space<vmem_shared>> -> memref<160xf32, #tpu.memory_space<vmem_shared>>
      tpu.enqueue_dma source(%dma_start3A_103 : memref<160xf32, #tpu.memory_space<vmem_shared>>) target(%arg14 : memref<160xf32, #tpu.memory_space<vmem>>) target_semaphore(%run_scoped3A : memref<!tpu.dma_semaphore, #tpu.memory_space<semaphore_mem>>)
      %dma_wait3A_104 = tpu.memref_slice %arg17[%mul3A_96] : memref<2560xf32, #tpu.memory_space<vmem_shared>> -> memref<160xf32, #tpu.memory_space<vmem_shared>>
      %dma_wait3A_105 = tpu.memref_slice %arg17[%mul3A_96] : memref<2560xf32, #tpu.memory_space<vmem_shared>> -> memref<160xf32, #tpu.memory_space<vmem_shared>>
      tpu.wait_dma2 semaphore(%run_scoped3A : memref<!tpu.dma_semaphore, #tpu.memory_space<semaphore_mem>>) src(%dma_wait3A_105 : memref<160xf32, #tpu.memory_space<vmem_shared>>) dst(%arg14 : memref<160xf32, #tpu.memory_space<vmem>>)
      tpu.yield
    }) : () -> ()
    %mul3A_97 = arith.constant 2560 : i32
    %mul3A_98 = arith.muli %arg0, %mul3A_97 : i32
    %mul3A_99 = arith.constant 160 : i32
    %mul3A_100 = arith.muli %arg1, %mul3A_99 : i32
    %add3A_101 = arith.addi %mul3A_98, %mul3A_100 : i32
    "tpu.region"() ({
      %run_scoped3A = tpu.sem_alloc : memref<!tpu.dma_semaphore, #tpu.memory_space<semaphore_mem>>
      %dma_start3A_102 = tpu.memref_slice %arg7[%add3A_101] : memref<5120xf32, #tpu.memory_space<hbm>> -> memref<160xf32, #tpu.memory_space<hbm>>
      %dma_start3A_103 = tpu.memref_slice %arg7[%add3A_101] : memref<5120xf32, #tpu.memory_space<hbm>> -> memref<160xf32, #tpu.memory_space<hbm>>
      tpu.enqueue_dma source(%arg14 : memref<160xf32, #tpu.memory_space<vmem>>) target(%dma_start3A_103 : memref<160xf32, #tpu.memory_space<hbm>>) target_semaphore(%run_scoped3A : memref<!tpu.dma_semaphore, #tpu.memory_space<semaphore_mem>>)
      %dma_wait3A_104 = tpu.memref_slice %arg7[%add3A_101] : memref<5120xf32, #tpu.memory_space<hbm>> -> memref<160xf32, #tpu.memory_space<hbm>>
      %dma_wait3A_105 = tpu.memref_slice %arg7[%add3A_101] : memref<5120xf32, #tpu.memory_space<hbm>> -> memref<160xf32, #tpu.memory_space<hbm>>
      tpu.wait_dma2 semaphore(%run_scoped3A : memref<!tpu.dma_semaphore, #tpu.memory_space<semaphore_mem>>) src(%arg14 : memref<160xf32, #tpu.memory_space<vmem>>) dst(%dma_wait3A_105 : memref<160xf32, #tpu.memory_space<hbm>>)
      tpu.yield
    }) : () -> ()
    return
  }
}

#map = affine_map<(d0, d1) -> (0, 0)>
#map1 = affine_map<(d0, d1) -> (0)>
module attributes {stable_mosaic.version = 14 : i64} {
  func.func @body(%arg0: i32, %arg1: i32, %arg2: memref<2560x128xi32, #tpu.memory_space<hbm>>, %arg3: memref<2560x128xi32, #tpu.memory_space<hbm>>, %arg4: memref<2816x128xi32, #tpu.memory_space<hbm>>, %arg5: memref<2816x128xi32, #tpu.memory_space<hbm>>, %arg6: memref<512xi32, #tpu.memory_space<hbm>>, %arg7: memref<80x128xi32, #tpu.memory_space<vmem>>, %arg8: memref<80x128xi32, #tpu.memory_space<vmem>>, %arg9: memref<88x128xi32, #tpu.memory_space<vmem>>, %arg10: memref<88x128xi32, #tpu.memory_space<vmem>>, %arg11: memref<16xi32, #tpu.memory_space<vmem>>) attributes {dimension_semantics = [#tpu.dimension_semantics<core_parallel>, #tpu.dimension_semantics<subcore_parallel>], iteration_bounds = array<i64: 2, 16>, scalar_prefetch = 0 : i64, scratch_operands = 5 : i64, tpu.core_type = #tpu.core_type<sc_vector_subcore>, window_params = [{transform_indices = #map}, {transform_indices = #map}, {transform_indices = #map}, {transform_indices = #map}, {transform_indices = #map1}]} {
    %mul3A = arith.constant 2 : i32
    %mul3A_0 = arith.muli %arg1, %mul3A : i32
    %add3A = arith.addi %mul3A_0, %arg0 : i32
    %mul3A_1 = arith.constant 80 : i32
    %mul3A_2 = arith.muli %add3A, %mul3A_1 : i32
    "tpu.region"() ({
      %run_scoped3A = tpu.sem_alloc : memref<!tpu.dma_semaphore, #tpu.memory_space<semaphore_mem>>
      %dma_start3A = arith.constant 0 : i32
      %dma_start3A_467 = tpu.memref_slice %arg2[%mul3A_2, %dma_start3A] : memref<2560x128xi32, #tpu.memory_space<hbm>> -> memref<80x128xi32, #tpu.memory_space<hbm>>
      %dma_start3A_468 = arith.constant 0 : i32
      %dma_start3A_469 = tpu.memref_slice %arg2[%mul3A_2, %dma_start3A_468] : memref<2560x128xi32, #tpu.memory_space<hbm>> -> memref<80x128xi32, #tpu.memory_space<hbm>>
      tpu.enqueue_dma source(%dma_start3A_469 : memref<80x128xi32, #tpu.memory_space<hbm>>) target(%arg7 : memref<80x128xi32, #tpu.memory_space<vmem>>) target_semaphore(%run_scoped3A : memref<!tpu.dma_semaphore, #tpu.memory_space<semaphore_mem>>)
      %dma_wait3A = arith.constant 0 : i32
      %dma_wait3A_470 = tpu.memref_slice %arg2[%mul3A_2, %dma_wait3A] : memref<2560x128xi32, #tpu.memory_space<hbm>> -> memref<80x128xi32, #tpu.memory_space<hbm>>
      %dma_wait3A_471 = arith.constant 0 : i32
      %dma_wait3A_472 = tpu.memref_slice %arg2[%mul3A_2, %dma_wait3A_471] : memref<2560x128xi32, #tpu.memory_space<hbm>> -> memref<80x128xi32, #tpu.memory_space<hbm>>
      tpu.wait_dma2 semaphore(%run_scoped3A : memref<!tpu.dma_semaphore, #tpu.memory_space<semaphore_mem>>) src(%dma_wait3A_472 : memref<80x128xi32, #tpu.memory_space<hbm>>) dst(%arg7 : memref<80x128xi32, #tpu.memory_space<vmem>>)
      tpu.yield
    }) : () -> ()
    "tpu.region"() ({
      %run_scoped3A = tpu.sem_alloc : memref<!tpu.dma_semaphore, #tpu.memory_space<semaphore_mem>>
      %dma_start3A = arith.constant 0 : i32
      %dma_start3A_467 = tpu.memref_slice %arg3[%mul3A_2, %dma_start3A] : memref<2560x128xi32, #tpu.memory_space<hbm>> -> memref<80x128xi32, #tpu.memory_space<hbm>>
      %dma_start3A_468 = arith.constant 0 : i32
      %dma_start3A_469 = tpu.memref_slice %arg3[%mul3A_2, %dma_start3A_468] : memref<2560x128xi32, #tpu.memory_space<hbm>> -> memref<80x128xi32, #tpu.memory_space<hbm>>
      tpu.enqueue_dma source(%dma_start3A_469 : memref<80x128xi32, #tpu.memory_space<hbm>>) target(%arg8 : memref<80x128xi32, #tpu.memory_space<vmem>>) target_semaphore(%run_scoped3A : memref<!tpu.dma_semaphore, #tpu.memory_space<semaphore_mem>>)
      %dma_wait3A = arith.constant 0 : i32
      %dma_wait3A_470 = tpu.memref_slice %arg3[%mul3A_2, %dma_wait3A] : memref<2560x128xi32, #tpu.memory_space<hbm>> -> memref<80x128xi32, #tpu.memory_space<hbm>>
      %dma_wait3A_471 = arith.constant 0 : i32
      %dma_wait3A_472 = tpu.memref_slice %arg3[%mul3A_2, %dma_wait3A_471] : memref<2560x128xi32, #tpu.memory_space<hbm>> -> memref<80x128xi32, #tpu.memory_space<hbm>>
      tpu.wait_dma2 semaphore(%run_scoped3A : memref<!tpu.dma_semaphore, #tpu.memory_space<semaphore_mem>>) src(%dma_wait3A_472 : memref<80x128xi32, #tpu.memory_space<hbm>>) dst(%arg8 : memref<80x128xi32, #tpu.memory_space<vmem>>)
      tpu.yield
    }) : () -> ()
    %scan3A = arith.constant 0 : i32
    %scan3A_3 = arith.constant 0 : i32
    %scan3A_4 = arith.constant 80 : i32
    %scan3A_5 = arith.addi %scan3A_3, %scan3A_4 : i32
    %scan3A_6 = arith.constant 1 : i32
    %scan3A_7 = scf.for %scan3A_467 = %scan3A_3 to %scan3A_5 step %scan3A_6 iter_args(%scan3A_468 = %scan3A) -> (i32)  : i32 {
      %mul3A_469 = arith.constant 1 : i32
      %mul3A_470 = arith.muli %scan3A_467, %mul3A_469 : i32
      %add3A_471 = arith.constant 0 : i32
      %add3A_472 = arith.addi %add3A_471, %mul3A_470 : i32
      %get3A = arith.index_cast %add3A_472 : i32 to index
      %get3A_473 = arith.constant 0 : index
      %get3A_474 = tpu.vector_load %arg8[%get3A, %get3A_473] {strides = array<i32>} : memref<80x128xi32, #tpu.memory_space<vmem>>, vector<16xi32>,
      %get3A_475 = arith.index_cast %add3A_472 : i32 to index
      %get3A_476 = arith.constant 0 : index
      %get3A_477 = tpu.vector_load %arg7[%get3A_475, %get3A_476] {strides = array<i32>} : memref<80x128xi32, #tpu.memory_space<vmem>>, vector<16xi32>,
      %lt3A = arith.constant 2500 : i32
      %lt3A_478 = vector.broadcast %lt3A : i32 to vector<16xi32>
      %lt3A_479 = arith.cmpi slt, %get3A_474, %lt3A_478 : vector<16xi32>
      %convert_element_type3A = arith.extui %lt3A_479 : vector<16xi1> to vector<16xi32>
      %broadcast_in_dim3A_480 = arith.constant true
      %broadcast_in_dim3A_481 = vector.broadcast %broadcast_in_dim3A_480 : i1 to vector<16xi1>
      %masked_cumsum3A = tpu.scan <sum>, %convert_element_type3A masked %broadcast_in_dim3A_481 : vector<16xi32>, vector<16xi1> -> vector<16xi32>
      %broadcast_in_dim3A_482 = vector.broadcast %scan3A_468 : i32 to vector<16xi32>
      %add3A_483 = arith.addi %broadcast_in_dim3A_482, %masked_cumsum3A : vector<16xi32>
      %sub3A_484 = arith.subi %add3A_483, %convert_element_type3A : vector<16xi32>
      %shift_right_logical3A_485 = arith.constant 7 : i32
      %shift_right_logical3A_486 = vector.broadcast %shift_right_logical3A_485 : i32 to vector<16xi32>
      %shift_right_logical3A_487 = arith.shrui %sub3A_484, %shift_right_logical3A_486 : vector<16xi32>
      %and3A_488 = arith.constant 127 : i32
      %and3A_489 = vector.broadcast %and3A_488 : i32 to vector<16xi32>
      %and3A_490 = arith.andi %sub3A_484, %and3A_489 : vector<16xi32>
      tpu.vector_store_idx %arg9[%shift_right_logical3A_487, %and3A_490], %get3A_477 masked %lt3A_479 : memref<88x128xi32, #tpu.memory_space<vmem>>[vector<16xi32>, vector<16xi32>], vector<16xi32>, vector<16xi1>
      tpu.vector_store_idx %arg10[%shift_right_logical3A_487, %and3A_490], %get3A_474 masked %lt3A_479 : memref<88x128xi32, #tpu.memory_space<vmem>>[vector<16xi32>, vector<16xi32>], vector<16xi32>, vector<16xi1>
      %slice3A = vector.extract_strided_slice %masked_cumsum3A {offsets = [15], sizes = [1], strides = [1]} : vector<16xi32> to vector<1xi32>
      %squeeze3A = vector.extract %slice3A[0] : i32 from vector<1xi32>
      %add3A_491 = arith.addi %scan3A_468, %squeeze3A : i32
      %get3A_492 = arith.index_cast %add3A_472 : i32 to index
      %get3A_493 = arith.constant 16 : index
      %get3A_494 = tpu.vector_load %arg8[%get3A_492, %get3A_493] {strides = array<i32>} : memref<80x128xi32, #tpu.memory_space<vmem>>, vector<16xi32>,
      %get3A_495 = arith.index_cast %add3A_472 : i32 to index
      %get3A_496 = arith.constant 16 : index
      %get3A_497 = tpu.vector_load %arg7[%get3A_495, %get3A_496] {strides = array<i32>} : memref<80x128xi32, #tpu.memory_space<vmem>>, vector<16xi32>,
      %lt3A_498 = arith.constant 2500 : i32
      %lt3A_499 = vector.broadcast %lt3A_498 : i32 to vector<16xi32>
      %lt3A_500 = arith.cmpi slt, %get3A_494, %lt3A_499 : vector<16xi32>
      %convert_element_type3A_501 = arith.extui %lt3A_500 : vector<16xi1> to vector<16xi32>
      %broadcast_in_dim3A_502 = arith.constant true
      %broadcast_in_dim3A_503 = vector.broadcast %broadcast_in_dim3A_502 : i1 to vector<16xi1>
      %masked_cumsum3A_504 = tpu.scan <sum>, %convert_element_type3A_501 masked %broadcast_in_dim3A_503 : vector<16xi32>, vector<16xi1> -> vector<16xi32>
      %broadcast_in_dim3A_505 = vector.broadcast %add3A_491 : i32 to vector<16xi32>
      %add3A_506 = arith.addi %broadcast_in_dim3A_505, %masked_cumsum3A_504 : vector<16xi32>
      %sub3A_507 = arith.subi %add3A_506, %convert_element_type3A_501 : vector<16xi32>
      %shift_right_logical3A_508 = arith.constant 7 : i32
      %shift_right_logical3A_509 = vector.broadcast %shift_right_logical3A_508 : i32 to vector<16xi32>
      %shift_right_logical3A_510 = arith.shrui %sub3A_507, %shift_right_logical3A_509 : vector<16xi32>
      %and3A_511 = arith.constant 127 : i32
      %and3A_512 = vector.broadcast %and3A_511 : i32 to vector<16xi32>
      %and3A_513 = arith.andi %sub3A_507, %and3A_512 : vector<16xi32>
      tpu.vector_store_idx %arg9[%shift_right_logical3A_510, %and3A_513], %get3A_497 masked %lt3A_500 : memref<88x128xi32, #tpu.memory_space<vmem>>[vector<16xi32>, vector<16xi32>], vector<16xi32>, vector<16xi1>
      tpu.vector_store_idx %arg10[%shift_right_logical3A_510, %and3A_513], %get3A_494 masked %lt3A_500 : memref<88x128xi32, #tpu.memory_space<vmem>>[vector<16xi32>, vector<16xi32>], vector<16xi32>, vector<16xi1>
      %slice3A_514 = vector.extract_strided_slice %masked_cumsum3A_504 {offsets = [15], sizes = [1], strides = [1]} : vector<16xi32> to vector<1xi32>
      %squeeze3A_515 = vector.extract %slice3A_514[0] : i32 from vector<1xi32>
      %add3A_516 = arith.addi %add3A_491, %squeeze3A_515 : i32
      %get3A_517 = arith.index_cast %add3A_472 : i32 to index
      %get3A_518 = arith.constant 32 : index
      %get3A_519 = tpu.vector_load %arg8[%get3A_517, %get3A_518] {strides = array<i32>} : memref<80x128xi32, #tpu.memory_space<vmem>>, vector<16xi32>,
      %get3A_520 = arith.index_cast %add3A_472 : i32 to index
      %get3A_521 = arith.constant 32 : index
      %get3A_522 = tpu.vector_load %arg7[%get3A_520, %get3A_521] {strides = array<i32>} : memref<80x128xi32, #tpu.memory_space<vmem>>, vector<16xi32>,
      %lt3A_523 = arith.constant 2500 : i32
      %lt3A_524 = vector.broadcast %lt3A_523 : i32 to vector<16xi32>
      %lt3A_525 = arith.cmpi slt, %get3A_519, %lt3A_524 : vector<16xi32>
      %convert_element_type3A_526 = arith.extui %lt3A_525 : vector<16xi1> to vector<16xi32>
      %broadcast_in_dim3A_527 = arith.constant true
      %broadcast_in_dim3A_528 = vector.broadcast %broadcast_in_dim3A_527 : i1 to vector<16xi1>
      %masked_cumsum3A_529 = tpu.scan <sum>, %convert_element_type3A_526 masked %broadcast_in_dim3A_528 : vector<16xi32>, vector<16xi1> -> vector<16xi32>
      %broadcast_in_dim3A_530 = vector.broadcast %add3A_516 : i32 to vector<16xi32>
      %add3A_531 = arith.addi %broadcast_in_dim3A_530, %masked_cumsum3A_529 : vector<16xi32>
      %sub3A_532 = arith.subi %add3A_531, %convert_element_type3A_526 : vector<16xi32>
      %shift_right_logical3A_533 = arith.constant 7 : i32
      %shift_right_logical3A_534 = vector.broadcast %shift_right_logical3A_533 : i32 to vector<16xi32>
      %shift_right_logical3A_535 = arith.shrui %sub3A_532, %shift_right_logical3A_534 : vector<16xi32>
      %and3A_536 = arith.constant 127 : i32
      %and3A_537 = vector.broadcast %and3A_536 : i32 to vector<16xi32>
      %and3A_538 = arith.andi %sub3A_532, %and3A_537 : vector<16xi32>
      tpu.vector_store_idx %arg9[%shift_right_logical3A_535, %and3A_538], %get3A_522 masked %lt3A_525 : memref<88x128xi32, #tpu.memory_space<vmem>>[vector<16xi32>, vector<16xi32>], vector<16xi32>, vector<16xi1>
      tpu.vector_store_idx %arg10[%shift_right_logical3A_535, %and3A_538], %get3A_519 masked %lt3A_525 : memref<88x128xi32, #tpu.memory_space<vmem>>[vector<16xi32>, vector<16xi32>], vector<16xi32>, vector<16xi1>
      %slice3A_539 = vector.extract_strided_slice %masked_cumsum3A_529 {offsets = [15], sizes = [1], strides = [1]} : vector<16xi32> to vector<1xi32>
      %squeeze3A_540 = vector.extract %slice3A_539[0] : i32 from vector<1xi32>
      %add3A_541 = arith.addi %add3A_516, %squeeze3A_540 : i32
      %get3A_542 = arith.index_cast %add3A_472 : i32 to index
      %get3A_543 = arith.constant 48 : index
      %get3A_544 = tpu.vector_load %arg8[%get3A_542, %get3A_543] {strides = array<i32>} : memref<80x128xi32, #tpu.memory_space<vmem>>, vector<16xi32>,
      %get3A_545 = arith.index_cast %add3A_472 : i32 to index
      %get3A_546 = arith.constant 48 : index
      %get3A_547 = tpu.vector_load %arg7[%get3A_545, %get3A_546] {strides = array<i32>} : memref<80x128xi32, #tpu.memory_space<vmem>>, vector<16xi32>,
      %lt3A_548 = arith.constant 2500 : i32
      %lt3A_549 = vector.broadcast %lt3A_548 : i32 to vector<16xi32>
      %lt3A_550 = arith.cmpi slt, %get3A_544, %lt3A_549 : vector<16xi32>
      %convert_element_type3A_551 = arith.extui %lt3A_550 : vector<16xi1> to vector<16xi32>
      %broadcast_in_dim3A_552 = arith.constant true
      %broadcast_in_dim3A_553 = vector.broadcast %broadcast_in_dim3A_552 : i1 to vector<16xi1>
      %masked_cumsum3A_554 = tpu.scan <sum>, %convert_element_type3A_551 masked %broadcast_in_dim3A_553 : vector<16xi32>, vector<16xi1> -> vector<16xi32>
      %broadcast_in_dim3A_555 = vector.broadcast %add3A_541 : i32 to vector<16xi32>
      %add3A_556 = arith.addi %broadcast_in_dim3A_555, %masked_cumsum3A_554 : vector<16xi32>
      %sub3A_557 = arith.subi %add3A_556, %convert_element_type3A_551 : vector<16xi32>
      %shift_right_logical3A_558 = arith.constant 7 : i32
      %shift_right_logical3A_559 = vector.broadcast %shift_right_logical3A_558 : i32 to vector<16xi32>
      %shift_right_logical3A_560 = arith.shrui %sub3A_557, %shift_right_logical3A_559 : vector<16xi32>
      %and3A_561 = arith.constant 127 : i32
      %and3A_562 = vector.broadcast %and3A_561 : i32 to vector<16xi32>
      %and3A_563 = arith.andi %sub3A_557, %and3A_562 : vector<16xi32>
      tpu.vector_store_idx %arg9[%shift_right_logical3A_560, %and3A_563], %get3A_547 masked %lt3A_550 : memref<88x128xi32, #tpu.memory_space<vmem>>[vector<16xi32>, vector<16xi32>], vector<16xi32>, vector<16xi1>
      tpu.vector_store_idx %arg10[%shift_right_logical3A_560, %and3A_563], %get3A_544 masked %lt3A_550 : memref<88x128xi32, #tpu.memory_space<vmem>>[vector<16xi32>, vector<16xi32>], vector<16xi32>, vector<16xi1>
      %slice3A_564 = vector.extract_strided_slice %masked_cumsum3A_554 {offsets = [15], sizes = [1], strides = [1]} : vector<16xi32> to vector<1xi32>
      %squeeze3A_565 = vector.extract %slice3A_564[0] : i32 from vector<1xi32>
      %add3A_566 = arith.addi %add3A_541, %squeeze3A_565 : i32
      %get3A_567 = arith.index_cast %add3A_472 : i32 to index
      %get3A_568 = arith.constant 64 : index
      %get3A_569 = tpu.vector_load %arg8[%get3A_567, %get3A_568] {strides = array<i32>} : memref<80x128xi32, #tpu.memory_space<vmem>>, vector<16xi32>,
      %get3A_570 = arith.index_cast %add3A_472 : i32 to index
      %get3A_571 = arith.constant 64 : index
      %get3A_572 = tpu.vector_load %arg7[%get3A_570, %get3A_571] {strides = array<i32>} : memref<80x128xi32, #tpu.memory_space<vmem>>, vector<16xi32>,
      %lt3A_573 = arith.constant 2500 : i32
      %lt3A_574 = vector.broadcast %lt3A_573 : i32 to vector<16xi32>
      %lt3A_575 = arith.cmpi slt, %get3A_569, %lt3A_574 : vector<16xi32>
      %convert_element_type3A_576 = arith.extui %lt3A_575 : vector<16xi1> to vector<16xi32>
      %broadcast_in_dim3A_577 = arith.constant true
      %broadcast_in_dim3A_578 = vector.broadcast %broadcast_in_dim3A_577 : i1 to vector<16xi1>
      %masked_cumsum3A_579 = tpu.scan <sum>, %convert_element_type3A_576 masked %broadcast_in_dim3A_578 : vector<16xi32>, vector<16xi1> -> vector<16xi32>
      %broadcast_in_dim3A_580 = vector.broadcast %add3A_566 : i32 to vector<16xi32>
      %add3A_581 = arith.addi %broadcast_in_dim3A_580, %masked_cumsum3A_579 : vector<16xi32>
      %sub3A_582 = arith.subi %add3A_581, %convert_element_type3A_576 : vector<16xi32>
      %shift_right_logical3A_583 = arith.constant 7 : i32
      %shift_right_logical3A_584 = vector.broadcast %shift_right_logical3A_583 : i32 to vector<16xi32>
      %shift_right_logical3A_585 = arith.shrui %sub3A_582, %shift_right_logical3A_584 : vector<16xi32>
      %and3A_586 = arith.constant 127 : i32
      %and3A_587 = vector.broadcast %and3A_586 : i32 to vector<16xi32>
      %and3A_588 = arith.andi %sub3A_582, %and3A_587 : vector<16xi32>
      tpu.vector_store_idx %arg9[%shift_right_logical3A_585, %and3A_588], %get3A_572 masked %lt3A_575 : memref<88x128xi32, #tpu.memory_space<vmem>>[vector<16xi32>, vector<16xi32>], vector<16xi32>, vector<16xi1>
      tpu.vector_store_idx %arg10[%shift_right_logical3A_585, %and3A_588], %get3A_569 masked %lt3A_575 : memref<88x128xi32, #tpu.memory_space<vmem>>[vector<16xi32>, vector<16xi32>], vector<16xi32>, vector<16xi1>
      %slice3A_589 = vector.extract_strided_slice %masked_cumsum3A_579 {offsets = [15], sizes = [1], strides = [1]} : vector<16xi32> to vector<1xi32>
      %squeeze3A_590 = vector.extract %slice3A_589[0] : i32 from vector<1xi32>
      %add3A_591 = arith.addi %add3A_566, %squeeze3A_590 : i32
      %get3A_592 = arith.index_cast %add3A_472 : i32 to index
      %get3A_593 = arith.constant 80 : index
      %get3A_594 = tpu.vector_load %arg8[%get3A_592, %get3A_593] {strides = array<i32>} : memref<80x128xi32, #tpu.memory_space<vmem>>, vector<16xi32>,
      %get3A_595 = arith.index_cast %add3A_472 : i32 to index
      %get3A_596 = arith.constant 80 : index
      %get3A_597 = tpu.vector_load %arg7[%get3A_595, %get3A_596] {strides = array<i32>} : memref<80x128xi32, #tpu.memory_space<vmem>>, vector<16xi32>,
      %lt3A_598 = arith.constant 2500 : i32
      %lt3A_599 = vector.broadcast %lt3A_598 : i32 to vector<16xi32>
      %lt3A_600 = arith.cmpi slt, %get3A_594, %lt3A_599 : vector<16xi32>
      %convert_element_type3A_601 = arith.extui %lt3A_600 : vector<16xi1> to vector<16xi32>
      %broadcast_in_dim3A_602 = arith.constant true
      %broadcast_in_dim3A_603 = vector.broadcast %broadcast_in_dim3A_602 : i1 to vector<16xi1>
      %masked_cumsum3A_604 = tpu.scan <sum>, %convert_element_type3A_601 masked %broadcast_in_dim3A_603 : vector<16xi32>, vector<16xi1> -> vector<16xi32>
      %broadcast_in_dim3A_605 = vector.broadcast %add3A_591 : i32 to vector<16xi32>
      %add3A_606 = arith.addi %broadcast_in_dim3A_605, %masked_cumsum3A_604 : vector<16xi32>
      %sub3A_607 = arith.subi %add3A_606, %convert_element_type3A_601 : vector<16xi32>
      %shift_right_logical3A_608 = arith.constant 7 : i32
      %shift_right_logical3A_609 = vector.broadcast %shift_right_logical3A_608 : i32 to vector<16xi32>
      %shift_right_logical3A_610 = arith.shrui %sub3A_607, %shift_right_logical3A_609 : vector<16xi32>
      %and3A_611 = arith.constant 127 : i32
      %and3A_612 = vector.broadcast %and3A_611 : i32 to vector<16xi32>
      %and3A_613 = arith.andi %sub3A_607, %and3A_612 : vector<16xi32>
      tpu.vector_store_idx %arg9[%shift_right_logical3A_610, %and3A_613], %get3A_597 masked %lt3A_600 : memref<88x128xi32, #tpu.memory_space<vmem>>[vector<16xi32>, vector<16xi32>], vector<16xi32>, vector<16xi1>
      tpu.vector_store_idx %arg10[%shift_right_logical3A_610, %and3A_613], %get3A_594 masked %lt3A_600 : memref<88x128xi32, #tpu.memory_space<vmem>>[vector<16xi32>, vector<16xi32>], vector<16xi32>, vector<16xi1>
      %slice3A_614 = vector.extract_strided_slice %masked_cumsum3A_604 {offsets = [15], sizes = [1], strides = [1]} : vector<16xi32> to vector<1xi32>
      %squeeze3A_615 = vector.extract %slice3A_614[0] : i32 from vector<1xi32>
      %add3A_616 = arith.addi %add3A_591, %squeeze3A_615 : i32
      %get3A_617 = arith.index_cast %add3A_472 : i32 to index
      %get3A_618 = arith.constant 96 : index
      %get3A_619 = tpu.vector_load %arg8[%get3A_617, %get3A_618] {strides = array<i32>} : memref<80x128xi32, #tpu.memory_space<vmem>>, vector<16xi32>,
      %get3A_620 = arith.index_cast %add3A_472 : i32 to index
      %get3A_621 = arith.constant 96 : index
      %get3A_622 = tpu.vector_load %arg7[%get3A_620, %get3A_621] {strides = array<i32>} : memref<80x128xi32, #tpu.memory_space<vmem>>, vector<16xi32>,
      %lt3A_623 = arith.constant 2500 : i32
      %lt3A_624 = vector.broadcast %lt3A_623 : i32 to vector<16xi32>
      %lt3A_625 = arith.cmpi slt, %get3A_619, %lt3A_624 : vector<16xi32>
      %convert_element_type3A_626 = arith.extui %lt3A_625 : vector<16xi1> to vector<16xi32>
      %broadcast_in_dim3A_627 = arith.constant true
      %broadcast_in_dim3A_628 = vector.broadcast %broadcast_in_dim3A_627 : i1 to vector<16xi1>
      %masked_cumsum3A_629 = tpu.scan <sum>, %convert_element_type3A_626 masked %broadcast_in_dim3A_628 : vector<16xi32>, vector<16xi1> -> vector<16xi32>
      %broadcast_in_dim3A_630 = vector.broadcast %add3A_616 : i32 to vector<16xi32>
      %add3A_631 = arith.addi %broadcast_in_dim3A_630, %masked_cumsum3A_629 : vector<16xi32>
      %sub3A_632 = arith.subi %add3A_631, %convert_element_type3A_626 : vector<16xi32>
      %shift_right_logical3A_633 = arith.constant 7 : i32
      %shift_right_logical3A_634 = vector.broadcast %shift_right_logical3A_633 : i32 to vector<16xi32>
      %shift_right_logical3A_635 = arith.shrui %sub3A_632, %shift_right_logical3A_634 : vector<16xi32>
      %and3A_636 = arith.constant 127 : i32
      %and3A_637 = vector.broadcast %and3A_636 : i32 to vector<16xi32>
      %and3A_638 = arith.andi %sub3A_632, %and3A_637 : vector<16xi32>
      tpu.vector_store_idx %arg9[%shift_right_logical3A_635, %and3A_638], %get3A_622 masked %lt3A_625 : memref<88x128xi32, #tpu.memory_space<vmem>>[vector<16xi32>, vector<16xi32>], vector<16xi32>, vector<16xi1>
      tpu.vector_store_idx %arg10[%shift_right_logical3A_635, %and3A_638], %get3A_619 masked %lt3A_625 : memref<88x128xi32, #tpu.memory_space<vmem>>[vector<16xi32>, vector<16xi32>], vector<16xi32>, vector<16xi1>
      %slice3A_639 = vector.extract_strided_slice %masked_cumsum3A_629 {offsets = [15], sizes = [1], strides = [1]} : vector<16xi32> to vector<1xi32>
      %squeeze3A_640 = vector.extract %slice3A_639[0] : i32 from vector<1xi32>
      %add3A_641 = arith.addi %add3A_616, %squeeze3A_640 : i32
      %get3A_642 = arith.index_cast %add3A_472 : i32 to index
      %get3A_643 = arith.constant 112 : index
      %get3A_644 = tpu.vector_load %arg8[%get3A_642, %get3A_643] {strides = array<i32>} : memref<80x128xi32, #tpu.memory_space<vmem>>, vector<16xi32>,
      %get3A_645 = arith.index_cast %add3A_472 : i32 to index
      %get3A_646 = arith.constant 112 : index
      %get3A_647 = tpu.vector_load %arg7[%get3A_645, %get3A_646] {strides = array<i32>} : memref<80x128xi32, #tpu.memory_space<vmem>>, vector<16xi32>,
      %lt3A_648 = arith.constant 2500 : i32
      %lt3A_649 = vector.broadcast %lt3A_648 : i32 to vector<16xi32>
      %lt3A_650 = arith.cmpi slt, %get3A_644, %lt3A_649 : vector<16xi32>
      %convert_element_type3A_651 = arith.extui %lt3A_650 : vector<16xi1> to vector<16xi32>
      %broadcast_in_dim3A_652 = arith.constant true
      %broadcast_in_dim3A_653 = vector.broadcast %broadcast_in_dim3A_652 : i1 to vector<16xi1>
      %masked_cumsum3A_654 = tpu.scan <sum>, %convert_element_type3A_651 masked %broadcast_in_dim3A_653 : vector<16xi32>, vector<16xi1> -> vector<16xi32>
      %broadcast_in_dim3A_655 = vector.broadcast %add3A_641 : i32 to vector<16xi32>
      %add3A_656 = arith.addi %broadcast_in_dim3A_655, %masked_cumsum3A_654 : vector<16xi32>
      %sub3A_657 = arith.subi %add3A_656, %convert_element_type3A_651 : vector<16xi32>
      %shift_right_logical3A_658 = arith.constant 7 : i32
      %shift_right_logical3A_659 = vector.broadcast %shift_right_logical3A_658 : i32 to vector<16xi32>
      %shift_right_logical3A_660 = arith.shrui %sub3A_657, %shift_right_logical3A_659 : vector<16xi32>
      %and3A_661 = arith.constant 127 : i32
      %and3A_662 = vector.broadcast %and3A_661 : i32 to vector<16xi32>
      %and3A_663 = arith.andi %sub3A_657, %and3A_662 : vector<16xi32>
      tpu.vector_store_idx %arg9[%shift_right_logical3A_660, %and3A_663], %get3A_647 masked %lt3A_650 : memref<88x128xi32, #tpu.memory_space<vmem>>[vector<16xi32>, vector<16xi32>], vector<16xi32>, vector<16xi1>
      tpu.vector_store_idx %arg10[%shift_right_logical3A_660, %and3A_663], %get3A_644 masked %lt3A_650 : memref<88x128xi32, #tpu.memory_space<vmem>>[vector<16xi32>, vector<16xi32>], vector<16xi32>, vector<16xi1>
      %slice3A_664 = vector.extract_strided_slice %masked_cumsum3A_654 {offsets = [15], sizes = [1], strides = [1]} : vector<16xi32> to vector<1xi32>
      %squeeze3A_665 = vector.extract %slice3A_664[0] : i32 from vector<1xi32>
      %add3A_666 = arith.addi %add3A_641, %squeeze3A_665 : i32
      scf.yield %add3A_666 : i32
    }
    %scan3A_8 = arith.constant 80 : i32
    %iota3A = tpu.iota {dimensions = array<i32: 0>} : vector<16xi32>
    %add3A_9 = arith.constant 0 : i32
    %add3A_10 = arith.addi %scan3A_7, %add3A_9 : i32
    %broadcast_in_dim3A = vector.broadcast %add3A_10 : i32 to vector<16xi32>
    %add3A_11 = arith.addi %broadcast_in_dim3A, %iota3A : vector<16xi32>
    %shift_right_logical3A = arith.constant 7 : i32
    %shift_right_logical3A_12 = vector.broadcast %shift_right_logical3A : i32 to vector<16xi32>
    %shift_right_logical3A_13 = arith.shrui %add3A_11, %shift_right_logical3A_12 : vector<16xi32>
    %and3A = arith.constant 127 : i32
    %and3A_14 = vector.broadcast %and3A : i32 to vector<16xi32>
    %and3A_15 = arith.andi %add3A_11, %and3A_14 : vector<16xi32>
    %broadcast_in_dim3A_16 = arith.constant 0 : i32
    %broadcast_in_dim3A_17 = vector.broadcast %broadcast_in_dim3A_16 : i32 to vector<16xi32>
    tpu.vector_store_idx %arg9[%shift_right_logical3A_13, %and3A_15], %broadcast_in_dim3A_17 : memref<88x128xi32, #tpu.memory_space<vmem>>[vector<16xi32>, vector<16xi32>], vector<16xi32>,
    %broadcast_in_dim3A_18 = arith.constant 2559 : i32
    %broadcast_in_dim3A_19 = vector.broadcast %broadcast_in_dim3A_18 : i32 to vector<16xi32>
    tpu.vector_store_idx %arg10[%shift_right_logical3A_13, %and3A_15], %broadcast_in_dim3A_19 : memref<88x128xi32, #tpu.memory_space<vmem>>[vector<16xi32>, vector<16xi32>], vector<16xi32>,
    %add3A_20 = arith.constant 16 : i32
    %add3A_21 = arith.addi %scan3A_7, %add3A_20 : i32
    %broadcast_in_dim3A_22 = vector.broadcast %add3A_21 : i32 to vector<16xi32>
    %add3A_23 = arith.addi %broadcast_in_dim3A_22, %iota3A : vector<16xi32>
    %shift_right_logical3A_24 = arith.constant 7 : i32
    %shift_right_logical3A_25 = vector.broadcast %shift_right_logical3A_24 : i32 to vector<16xi32>
    %shift_right_logical3A_26 = arith.shrui %add3A_23, %shift_right_logical3A_25 : vector<16xi32>
    %and3A_27 = arith.constant 127 : i32
    %and3A_28 = vector.broadcast %and3A_27 : i32 to vector<16xi32>
    %and3A_29 = arith.andi %add3A_23, %and3A_28 : vector<16xi32>
    %broadcast_in_dim3A_30 = arith.constant 0 : i32
    %broadcast_in_dim3A_31 = vector.broadcast %broadcast_in_dim3A_30 : i32 to vector<16xi32>
    tpu.vector_store_idx %arg9[%shift_right_logical3A_26, %and3A_29], %broadcast_in_dim3A_31 : memref<88x128xi32, #tpu.memory_space<vmem>>[vector<16xi32>, vector<16xi32>], vector<16xi32>,
    %broadcast_in_dim3A_32 = arith.constant 2559 : i32
    %broadcast_in_dim3A_33 = vector.broadcast %broadcast_in_dim3A_32 : i32 to vector<16xi32>
    tpu.vector_store_idx %arg10[%shift_right_logical3A_26, %and3A_29], %broadcast_in_dim3A_33 : memref<88x128xi32, #tpu.memory_space<vmem>>[vector<16xi32>, vector<16xi32>], vector<16xi32>,
    %add3A_34 = arith.constant 32 : i32
    %add3A_35 = arith.addi %scan3A_7, %add3A_34 : i32
    %broadcast_in_dim3A_36 = vector.broadcast %add3A_35 : i32 to vector<16xi32>
    %add3A_37 = arith.addi %broadcast_in_dim3A_36, %iota3A : vector<16xi32>
    %shift_right_logical3A_38 = arith.constant 7 : i32
    %shift_right_logical3A_39 = vector.broadcast %shift_right_logical3A_38 : i32 to vector<16xi32>
    %shift_right_logical3A_40 = arith.shrui %add3A_37, %shift_right_logical3A_39 : vector<16xi32>
    %and3A_41 = arith.constant 127 : i32
    %and3A_42 = vector.broadcast %and3A_41 : i32 to vector<16xi32>
    %and3A_43 = arith.andi %add3A_37, %and3A_42 : vector<16xi32>
    %broadcast_in_dim3A_44 = arith.constant 0 : i32
    %broadcast_in_dim3A_45 = vector.broadcast %broadcast_in_dim3A_44 : i32 to vector<16xi32>
    tpu.vector_store_idx %arg9[%shift_right_logical3A_40, %and3A_43], %broadcast_in_dim3A_45 : memref<88x128xi32, #tpu.memory_space<vmem>>[vector<16xi32>, vector<16xi32>], vector<16xi32>,
    %broadcast_in_dim3A_46 = arith.constant 2559 : i32
    %broadcast_in_dim3A_47 = vector.broadcast %broadcast_in_dim3A_46 : i32 to vector<16xi32>
    tpu.vector_store_idx %arg10[%shift_right_logical3A_40, %and3A_43], %broadcast_in_dim3A_47 : memref<88x128xi32, #tpu.memory_space<vmem>>[vector<16xi32>, vector<16xi32>], vector<16xi32>,
    %add3A_48 = arith.constant 48 : i32
    %add3A_49 = arith.addi %scan3A_7, %add3A_48 : i32
    %broadcast_in_dim3A_50 = vector.broadcast %add3A_49 : i32 to vector<16xi32>
    %add3A_51 = arith.addi %broadcast_in_dim3A_50, %iota3A : vector<16xi32>
    %shift_right_logical3A_52 = arith.constant 7 : i32
    %shift_right_logical3A_53 = vector.broadcast %shift_right_logical3A_52 : i32 to vector<16xi32>
    %shift_right_logical3A_54 = arith.shrui %add3A_51, %shift_right_logical3A_53 : vector<16xi32>
    %and3A_55 = arith.constant 127 : i32
    %and3A_56 = vector.broadcast %and3A_55 : i32 to vector<16xi32>
    %and3A_57 = arith.andi %add3A_51, %and3A_56 : vector<16xi32>
    %broadcast_in_dim3A_58 = arith.constant 0 : i32
    %broadcast_in_dim3A_59 = vector.broadcast %broadcast_in_dim3A_58 : i32 to vector<16xi32>
    tpu.vector_store_idx %arg9[%shift_right_logical3A_54, %and3A_57], %broadcast_in_dim3A_59 : memref<88x128xi32, #tpu.memory_space<vmem>>[vector<16xi32>, vector<16xi32>], vector<16xi32>,
    %broadcast_in_dim3A_60 = arith.constant 2559 : i32
    %broadcast_in_dim3A_61 = vector.broadcast %broadcast_in_dim3A_60 : i32 to vector<16xi32>
    tpu.vector_store_idx %arg10[%shift_right_logical3A_54, %and3A_57], %broadcast_in_dim3A_61 : memref<88x128xi32, #tpu.memory_space<vmem>>[vector<16xi32>, vector<16xi32>], vector<16xi32>,
    %add3A_62 = arith.constant 64 : i32
    %add3A_63 = arith.addi %scan3A_7, %add3A_62 : i32
    %broadcast_in_dim3A_64 = vector.broadcast %add3A_63 : i32 to vector<16xi32>
    %add3A_65 = arith.addi %broadcast_in_dim3A_64, %iota3A : vector<16xi32>
    %shift_right_logical3A_66 = arith.constant 7 : i32
    %shift_right_logical3A_67 = vector.broadcast %shift_right_logical3A_66 : i32 to vector<16xi32>
    %shift_right_logical3A_68 = arith.shrui %add3A_65, %shift_right_logical3A_67 : vector<16xi32>
    %and3A_69 = arith.constant 127 : i32
    %and3A_70 = vector.broadcast %and3A_69 : i32 to vector<16xi32>
    %and3A_71 = arith.andi %add3A_65, %and3A_70 : vector<16xi32>
    %broadcast_in_dim3A_72 = arith.constant 0 : i32
    %broadcast_in_dim3A_73 = vector.broadcast %broadcast_in_dim3A_72 : i32 to vector<16xi32>
    tpu.vector_store_idx %arg9[%shift_right_logical3A_68, %and3A_71], %broadcast_in_dim3A_73 : memref<88x128xi32, #tpu.memory_space<vmem>>[vector<16xi32>, vector<16xi32>], vector<16xi32>,
    %broadcast_in_dim3A_74 = arith.constant 2559 : i32
    %broadcast_in_dim3A_75 = vector.broadcast %broadcast_in_dim3A_74 : i32 to vector<16xi32>
    tpu.vector_store_idx %arg10[%shift_right_logical3A_68, %and3A_71], %broadcast_in_dim3A_75 : memref<88x128xi32, #tpu.memory_space<vmem>>[vector<16xi32>, vector<16xi32>], vector<16xi32>,
    %add3A_76 = arith.constant 80 : i32
    %add3A_77 = arith.addi %scan3A_7, %add3A_76 : i32
    %broadcast_in_dim3A_78 = vector.broadcast %add3A_77 : i32 to vector<16xi32>
    %add3A_79 = arith.addi %broadcast_in_dim3A_78, %iota3A : vector<16xi32>
    %shift_right_logical3A_80 = arith.constant 7 : i32
    %shift_right_logical3A_81 = vector.broadcast %shift_right_logical3A_80 : i32 to vector<16xi32>
    %shift_right_logical3A_82 = arith.shrui %add3A_79, %shift_right_logical3A_81 : vector<16xi32>
    %and3A_83 = arith.constant 127 : i32
    %and3A_84 = vector.broadcast %and3A_83 : i32 to vector<16xi32>
    %and3A_85 = arith.andi %add3A_79, %and3A_84 : vector<16xi32>
    %broadcast_in_dim3A_86 = arith.constant 0 : i32
    %broadcast_in_dim3A_87 = vector.broadcast %broadcast_in_dim3A_86 : i32 to vector<16xi32>
    tpu.vector_store_idx %arg9[%shift_right_logical3A_82, %and3A_85], %broadcast_in_dim3A_87 : memref<88x128xi32, #tpu.memory_space<vmem>>[vector<16xi32>, vector<16xi32>], vector<16xi32>,
    %broadcast_in_dim3A_88 = arith.constant 2559 : i32
    %broadcast_in_dim3A_89 = vector.broadcast %broadcast_in_dim3A_88 : i32 to vector<16xi32>
    tpu.vector_store_idx %arg10[%shift_right_logical3A_82, %and3A_85], %broadcast_in_dim3A_89 : memref<88x128xi32, #tpu.memory_space<vmem>>[vector<16xi32>, vector<16xi32>], vector<16xi32>,
    %add3A_90 = arith.constant 96 : i32
    %add3A_91 = arith.addi %scan3A_7, %add3A_90 : i32
    %broadcast_in_dim3A_92 = vector.broadcast %add3A_91 : i32 to vector<16xi32>
    %add3A_93 = arith.addi %broadcast_in_dim3A_92, %iota3A : vector<16xi32>
    %shift_right_logical3A_94 = arith.constant 7 : i32
    %shift_right_logical3A_95 = vector.broadcast %shift_right_logical3A_94 : i32 to vector<16xi32>
    %shift_right_logical3A_96 = arith.shrui %add3A_93, %shift_right_logical3A_95 : vector<16xi32>
    %and3A_97 = arith.constant 127 : i32
    %and3A_98 = vector.broadcast %and3A_97 : i32 to vector<16xi32>
    %and3A_99 = arith.andi %add3A_93, %and3A_98 : vector<16xi32>
    %broadcast_in_dim3A_100 = arith.constant 0 : i32
    %broadcast_in_dim3A_101 = vector.broadcast %broadcast_in_dim3A_100 : i32 to vector<16xi32>
    tpu.vector_store_idx %arg9[%shift_right_logical3A_96, %and3A_99], %broadcast_in_dim3A_101 : memref<88x128xi32, #tpu.memory_space<vmem>>[vector<16xi32>, vector<16xi32>], vector<16xi32>,
    %broadcast_in_dim3A_102 = arith.constant 2559 : i32
    %broadcast_in_dim3A_103 = vector.broadcast %broadcast_in_dim3A_102 : i32 to vector<16xi32>
    tpu.vector_store_idx %arg10[%shift_right_logical3A_96, %and3A_99], %broadcast_in_dim3A_103 : memref<88x128xi32, #tpu.memory_space<vmem>>[vector<16xi32>, vector<16xi32>], vector<16xi32>,
    %add3A_104 = arith.constant 112 : i32
    %add3A_105 = arith.addi %scan3A_7, %add3A_104 : i32
    %broadcast_in_dim3A_106 = vector.broadcast %add3A_105 : i32 to vector<16xi32>
    %add3A_107 = arith.addi %broadcast_in_dim3A_106, %iota3A : vector<16xi32>
    %shift_right_logical3A_108 = arith.constant 7 : i32
    %shift_right_logical3A_109 = vector.broadcast %shift_right_logical3A_108 : i32 to vector<16xi32>
    %shift_right_logical3A_110 = arith.shrui %add3A_107, %shift_right_logical3A_109 : vector<16xi32>
    %and3A_111 = arith.constant 127 : i32
    %and3A_112 = vector.broadcast %and3A_111 : i32 to vector<16xi32>
    %and3A_113 = arith.andi %add3A_107, %and3A_112 : vector<16xi32>
    %broadcast_in_dim3A_114 = arith.constant 0 : i32
    %broadcast_in_dim3A_115 = vector.broadcast %broadcast_in_dim3A_114 : i32 to vector<16xi32>
    tpu.vector_store_idx %arg9[%shift_right_logical3A_110, %and3A_113], %broadcast_in_dim3A_115 : memref<88x128xi32, #tpu.memory_space<vmem>>[vector<16xi32>, vector<16xi32>], vector<16xi32>,
    %broadcast_in_dim3A_116 = arith.constant 2559 : i32
    %broadcast_in_dim3A_117 = vector.broadcast %broadcast_in_dim3A_116 : i32 to vector<16xi32>
    tpu.vector_store_idx %arg10[%shift_right_logical3A_110, %and3A_113], %broadcast_in_dim3A_117 : memref<88x128xi32, #tpu.memory_space<vmem>>[vector<16xi32>, vector<16xi32>], vector<16xi32>,
    %add3A_118 = arith.constant 128 : i32
    %add3A_119 = arith.addi %scan3A_7, %add3A_118 : i32
    %broadcast_in_dim3A_120 = vector.broadcast %add3A_119 : i32 to vector<16xi32>
    %add3A_121 = arith.addi %broadcast_in_dim3A_120, %iota3A : vector<16xi32>
    %shift_right_logical3A_122 = arith.constant 7 : i32
    %shift_right_logical3A_123 = vector.broadcast %shift_right_logical3A_122 : i32 to vector<16xi32>
    %shift_right_logical3A_124 = arith.shrui %add3A_121, %shift_right_logical3A_123 : vector<16xi32>
    %and3A_125 = arith.constant 127 : i32
    %and3A_126 = vector.broadcast %and3A_125 : i32 to vector<16xi32>
    %and3A_127 = arith.andi %add3A_121, %and3A_126 : vector<16xi32>
    %broadcast_in_dim3A_128 = arith.constant 0 : i32
    %broadcast_in_dim3A_129 = vector.broadcast %broadcast_in_dim3A_128 : i32 to vector<16xi32>
    tpu.vector_store_idx %arg9[%shift_right_logical3A_124, %and3A_127], %broadcast_in_dim3A_129 : memref<88x128xi32, #tpu.memory_space<vmem>>[vector<16xi32>, vector<16xi32>], vector<16xi32>,
    %broadcast_in_dim3A_130 = arith.constant 2559 : i32
    %broadcast_in_dim3A_131 = vector.broadcast %broadcast_in_dim3A_130 : i32 to vector<16xi32>
    tpu.vector_store_idx %arg10[%shift_right_logical3A_124, %and3A_127], %broadcast_in_dim3A_131 : memref<88x128xi32, #tpu.memory_space<vmem>>[vector<16xi32>, vector<16xi32>], vector<16xi32>,
    %add3A_132 = arith.constant 144 : i32
    %add3A_133 = arith.addi %scan3A_7, %add3A_132 : i32
    %broadcast_in_dim3A_134 = vector.broadcast %add3A_133 : i32 to vector<16xi32>
    %add3A_135 = arith.addi %broadcast_in_dim3A_134, %iota3A : vector<16xi32>
    %shift_right_logical3A_136 = arith.constant 7 : i32
    %shift_right_logical3A_137 = vector.broadcast %shift_right_logical3A_136 : i32 to vector<16xi32>
    %shift_right_logical3A_138 = arith.shrui %add3A_135, %shift_right_logical3A_137 : vector<16xi32>
    %and3A_139 = arith.constant 127 : i32
    %and3A_140 = vector.broadcast %and3A_139 : i32 to vector<16xi32>
    %and3A_141 = arith.andi %add3A_135, %and3A_140 : vector<16xi32>
    %broadcast_in_dim3A_142 = arith.constant 0 : i32
    %broadcast_in_dim3A_143 = vector.broadcast %broadcast_in_dim3A_142 : i32 to vector<16xi32>
    tpu.vector_store_idx %arg9[%shift_right_logical3A_138, %and3A_141], %broadcast_in_dim3A_143 : memref<88x128xi32, #tpu.memory_space<vmem>>[vector<16xi32>, vector<16xi32>], vector<16xi32>,
    %broadcast_in_dim3A_144 = arith.constant 2559 : i32
    %broadcast_in_dim3A_145 = vector.broadcast %broadcast_in_dim3A_144 : i32 to vector<16xi32>
    tpu.vector_store_idx %arg10[%shift_right_logical3A_138, %and3A_141], %broadcast_in_dim3A_145 : memref<88x128xi32, #tpu.memory_space<vmem>>[vector<16xi32>, vector<16xi32>], vector<16xi32>,
    %add3A_146 = arith.constant 160 : i32
    %add3A_147 = arith.addi %scan3A_7, %add3A_146 : i32
    %broadcast_in_dim3A_148 = vector.broadcast %add3A_147 : i32 to vector<16xi32>
    %add3A_149 = arith.addi %broadcast_in_dim3A_148, %iota3A : vector<16xi32>
    %shift_right_logical3A_150 = arith.constant 7 : i32
    %shift_right_logical3A_151 = vector.broadcast %shift_right_logical3A_150 : i32 to vector<16xi32>
    %shift_right_logical3A_152 = arith.shrui %add3A_149, %shift_right_logical3A_151 : vector<16xi32>
    %and3A_153 = arith.constant 127 : i32
    %and3A_154 = vector.broadcast %and3A_153 : i32 to vector<16xi32>
    %and3A_155 = arith.andi %add3A_149, %and3A_154 : vector<16xi32>
    %broadcast_in_dim3A_156 = arith.constant 0 : i32
    %broadcast_in_dim3A_157 = vector.broadcast %broadcast_in_dim3A_156 : i32 to vector<16xi32>
    tpu.vector_store_idx %arg9[%shift_right_logical3A_152, %and3A_155], %broadcast_in_dim3A_157 : memref<88x128xi32, #tpu.memory_space<vmem>>[vector<16xi32>, vector<16xi32>], vector<16xi32>,
    %broadcast_in_dim3A_158 = arith.constant 2559 : i32
    %broadcast_in_dim3A_159 = vector.broadcast %broadcast_in_dim3A_158 : i32 to vector<16xi32>
    tpu.vector_store_idx %arg10[%shift_right_logical3A_152, %and3A_155], %broadcast_in_dim3A_159 : memref<88x128xi32, #tpu.memory_space<vmem>>[vector<16xi32>, vector<16xi32>], vector<16xi32>,
    %add3A_160 = arith.constant 176 : i32
    %add3A_161 = arith.addi %scan3A_7, %add3A_160 : i32
    %broadcast_in_dim3A_162 = vector.broadcast %add3A_161 : i32 to vector<16xi32>
    %add3A_163 = arith.addi %broadcast_in_dim3A_162, %iota3A : vector<16xi32>
    %shift_right_logical3A_164 = arith.constant 7 : i32
    %shift_right_logical3A_165 = vector.broadcast %shift_right_logical3A_164 : i32 to vector<16xi32>
    %shift_right_logical3A_166 = arith.shrui %add3A_163, %shift_right_logical3A_165 : vector<16xi32>
    %and3A_167 = arith.constant 127 : i32
    %and3A_168 = vector.broadcast %and3A_167 : i32 to vector<16xi32>
    %and3A_169 = arith.andi %add3A_163, %and3A_168 : vector<16xi32>
    %broadcast_in_dim3A_170 = arith.constant 0 : i32
    %broadcast_in_dim3A_171 = vector.broadcast %broadcast_in_dim3A_170 : i32 to vector<16xi32>
    tpu.vector_store_idx %arg9[%shift_right_logical3A_166, %and3A_169], %broadcast_in_dim3A_171 : memref<88x128xi32, #tpu.memory_space<vmem>>[vector<16xi32>, vector<16xi32>], vector<16xi32>,
    %broadcast_in_dim3A_172 = arith.constant 2559 : i32
    %broadcast_in_dim3A_173 = vector.broadcast %broadcast_in_dim3A_172 : i32 to vector<16xi32>
    tpu.vector_store_idx %arg10[%shift_right_logical3A_166, %and3A_169], %broadcast_in_dim3A_173 : memref<88x128xi32, #tpu.memory_space<vmem>>[vector<16xi32>, vector<16xi32>], vector<16xi32>,
    %add3A_174 = arith.constant 192 : i32
    %add3A_175 = arith.addi %scan3A_7, %add3A_174 : i32
    %broadcast_in_dim3A_176 = vector.broadcast %add3A_175 : i32 to vector<16xi32>
    %add3A_177 = arith.addi %broadcast_in_dim3A_176, %iota3A : vector<16xi32>
    %shift_right_logical3A_178 = arith.constant 7 : i32
    %shift_right_logical3A_179 = vector.broadcast %shift_right_logical3A_178 : i32 to vector<16xi32>
    %shift_right_logical3A_180 = arith.shrui %add3A_177, %shift_right_logical3A_179 : vector<16xi32>
    %and3A_181 = arith.constant 127 : i32
    %and3A_182 = vector.broadcast %and3A_181 : i32 to vector<16xi32>
    %and3A_183 = arith.andi %add3A_177, %and3A_182 : vector<16xi32>
    %broadcast_in_dim3A_184 = arith.constant 0 : i32
    %broadcast_in_dim3A_185 = vector.broadcast %broadcast_in_dim3A_184 : i32 to vector<16xi32>
    tpu.vector_store_idx %arg9[%shift_right_logical3A_180, %and3A_183], %broadcast_in_dim3A_185 : memref<88x128xi32, #tpu.memory_space<vmem>>[vector<16xi32>, vector<16xi32>], vector<16xi32>,
    %broadcast_in_dim3A_186 = arith.constant 2559 : i32
    %broadcast_in_dim3A_187 = vector.broadcast %broadcast_in_dim3A_186 : i32 to vector<16xi32>
    tpu.vector_store_idx %arg10[%shift_right_logical3A_180, %and3A_183], %broadcast_in_dim3A_187 : memref<88x128xi32, #tpu.memory_space<vmem>>[vector<16xi32>, vector<16xi32>], vector<16xi32>,
    %add3A_188 = arith.constant 208 : i32
    %add3A_189 = arith.addi %scan3A_7, %add3A_188 : i32
    %broadcast_in_dim3A_190 = vector.broadcast %add3A_189 : i32 to vector<16xi32>
    %add3A_191 = arith.addi %broadcast_in_dim3A_190, %iota3A : vector<16xi32>
    %shift_right_logical3A_192 = arith.constant 7 : i32
    %shift_right_logical3A_193 = vector.broadcast %shift_right_logical3A_192 : i32 to vector<16xi32>
    %shift_right_logical3A_194 = arith.shrui %add3A_191, %shift_right_logical3A_193 : vector<16xi32>
    %and3A_195 = arith.constant 127 : i32
    %and3A_196 = vector.broadcast %and3A_195 : i32 to vector<16xi32>
    %and3A_197 = arith.andi %add3A_191, %and3A_196 : vector<16xi32>
    %broadcast_in_dim3A_198 = arith.constant 0 : i32
    %broadcast_in_dim3A_199 = vector.broadcast %broadcast_in_dim3A_198 : i32 to vector<16xi32>
    tpu.vector_store_idx %arg9[%shift_right_logical3A_194, %and3A_197], %broadcast_in_dim3A_199 : memref<88x128xi32, #tpu.memory_space<vmem>>[vector<16xi32>, vector<16xi32>], vector<16xi32>,
    %broadcast_in_dim3A_200 = arith.constant 2559 : i32
    %broadcast_in_dim3A_201 = vector.broadcast %broadcast_in_dim3A_200 : i32 to vector<16xi32>
    tpu.vector_store_idx %arg10[%shift_right_logical3A_194, %and3A_197], %broadcast_in_dim3A_201 : memref<88x128xi32, #tpu.memory_space<vmem>>[vector<16xi32>, vector<16xi32>], vector<16xi32>,
    %add3A_202 = arith.constant 224 : i32
    %add3A_203 = arith.addi %scan3A_7, %add3A_202 : i32
    %broadcast_in_dim3A_204 = vector.broadcast %add3A_203 : i32 to vector<16xi32>
    %add3A_205 = arith.addi %broadcast_in_dim3A_204, %iota3A : vector<16xi32>
    %shift_right_logical3A_206 = arith.constant 7 : i32
    %shift_right_logical3A_207 = vector.broadcast %shift_right_logical3A_206 : i32 to vector<16xi32>
    %shift_right_logical3A_208 = arith.shrui %add3A_205, %shift_right_logical3A_207 : vector<16xi32>
    %and3A_209 = arith.constant 127 : i32
    %and3A_210 = vector.broadcast %and3A_209 : i32 to vector<16xi32>
    %and3A_211 = arith.andi %add3A_205, %and3A_210 : vector<16xi32>
    %broadcast_in_dim3A_212 = arith.constant 0 : i32
    %broadcast_in_dim3A_213 = vector.broadcast %broadcast_in_dim3A_212 : i32 to vector<16xi32>
    tpu.vector_store_idx %arg9[%shift_right_logical3A_208, %and3A_211], %broadcast_in_dim3A_213 : memref<88x128xi32, #tpu.memory_space<vmem>>[vector<16xi32>, vector<16xi32>], vector<16xi32>,
    %broadcast_in_dim3A_214 = arith.constant 2559 : i32
    %broadcast_in_dim3A_215 = vector.broadcast %broadcast_in_dim3A_214 : i32 to vector<16xi32>
    tpu.vector_store_idx %arg10[%shift_right_logical3A_208, %and3A_211], %broadcast_in_dim3A_215 : memref<88x128xi32, #tpu.memory_space<vmem>>[vector<16xi32>, vector<16xi32>], vector<16xi32>,
    %add3A_216 = arith.constant 240 : i32
    %add3A_217 = arith.addi %scan3A_7, %add3A_216 : i32
    %broadcast_in_dim3A_218 = vector.broadcast %add3A_217 : i32 to vector<16xi32>
    %add3A_219 = arith.addi %broadcast_in_dim3A_218, %iota3A : vector<16xi32>
    %shift_right_logical3A_220 = arith.constant 7 : i32
    %shift_right_logical3A_221 = vector.broadcast %shift_right_logical3A_220 : i32 to vector<16xi32>
    %shift_right_logical3A_222 = arith.shrui %add3A_219, %shift_right_logical3A_221 : vector<16xi32>
    %and3A_223 = arith.constant 127 : i32
    %and3A_224 = vector.broadcast %and3A_223 : i32 to vector<16xi32>
    %and3A_225 = arith.andi %add3A_219, %and3A_224 : vector<16xi32>
    %broadcast_in_dim3A_226 = arith.constant 0 : i32
    %broadcast_in_dim3A_227 = vector.broadcast %broadcast_in_dim3A_226 : i32 to vector<16xi32>
    tpu.vector_store_idx %arg9[%shift_right_logical3A_222, %and3A_225], %broadcast_in_dim3A_227 : memref<88x128xi32, #tpu.memory_space<vmem>>[vector<16xi32>, vector<16xi32>], vector<16xi32>,
    %broadcast_in_dim3A_228 = arith.constant 2559 : i32
    %broadcast_in_dim3A_229 = vector.broadcast %broadcast_in_dim3A_228 : i32 to vector<16xi32>
    tpu.vector_store_idx %arg10[%shift_right_logical3A_222, %and3A_225], %broadcast_in_dim3A_229 : memref<88x128xi32, #tpu.memory_space<vmem>>[vector<16xi32>, vector<16xi32>], vector<16xi32>,
    %add3A_230 = arith.constant 256 : i32
    %add3A_231 = arith.addi %scan3A_7, %add3A_230 : i32
    %broadcast_in_dim3A_232 = vector.broadcast %add3A_231 : i32 to vector<16xi32>
    %add3A_233 = arith.addi %broadcast_in_dim3A_232, %iota3A : vector<16xi32>
    %shift_right_logical3A_234 = arith.constant 7 : i32
    %shift_right_logical3A_235 = vector.broadcast %shift_right_logical3A_234 : i32 to vector<16xi32>
    %shift_right_logical3A_236 = arith.shrui %add3A_233, %shift_right_logical3A_235 : vector<16xi32>
    %and3A_237 = arith.constant 127 : i32
    %and3A_238 = vector.broadcast %and3A_237 : i32 to vector<16xi32>
    %and3A_239 = arith.andi %add3A_233, %and3A_238 : vector<16xi32>
    %broadcast_in_dim3A_240 = arith.constant 0 : i32
    %broadcast_in_dim3A_241 = vector.broadcast %broadcast_in_dim3A_240 : i32 to vector<16xi32>
    tpu.vector_store_idx %arg9[%shift_right_logical3A_236, %and3A_239], %broadcast_in_dim3A_241 : memref<88x128xi32, #tpu.memory_space<vmem>>[vector<16xi32>, vector<16xi32>], vector<16xi32>,
    %broadcast_in_dim3A_242 = arith.constant 2559 : i32
    %broadcast_in_dim3A_243 = vector.broadcast %broadcast_in_dim3A_242 : i32 to vector<16xi32>
    tpu.vector_store_idx %arg10[%shift_right_logical3A_236, %and3A_239], %broadcast_in_dim3A_243 : memref<88x128xi32, #tpu.memory_space<vmem>>[vector<16xi32>, vector<16xi32>], vector<16xi32>,
    %add3A_244 = arith.constant 272 : i32
    %add3A_245 = arith.addi %scan3A_7, %add3A_244 : i32
    %broadcast_in_dim3A_246 = vector.broadcast %add3A_245 : i32 to vector<16xi32>
    %add3A_247 = arith.addi %broadcast_in_dim3A_246, %iota3A : vector<16xi32>
    %shift_right_logical3A_248 = arith.constant 7 : i32
    %shift_right_logical3A_249 = vector.broadcast %shift_right_logical3A_248 : i32 to vector<16xi32>
    %shift_right_logical3A_250 = arith.shrui %add3A_247, %shift_right_logical3A_249 : vector<16xi32>
    %and3A_251 = arith.constant 127 : i32
    %and3A_252 = vector.broadcast %and3A_251 : i32 to vector<16xi32>
    %and3A_253 = arith.andi %add3A_247, %and3A_252 : vector<16xi32>
    %broadcast_in_dim3A_254 = arith.constant 0 : i32
    %broadcast_in_dim3A_255 = vector.broadcast %broadcast_in_dim3A_254 : i32 to vector<16xi32>
    tpu.vector_store_idx %arg9[%shift_right_logical3A_250, %and3A_253], %broadcast_in_dim3A_255 : memref<88x128xi32, #tpu.memory_space<vmem>>[vector<16xi32>, vector<16xi32>], vector<16xi32>,
    %broadcast_in_dim3A_256 = arith.constant 2559 : i32
    %broadcast_in_dim3A_257 = vector.broadcast %broadcast_in_dim3A_256 : i32 to vector<16xi32>
    tpu.vector_store_idx %arg10[%shift_right_logical3A_250, %and3A_253], %broadcast_in_dim3A_257 : memref<88x128xi32, #tpu.memory_space<vmem>>[vector<16xi32>, vector<16xi32>], vector<16xi32>,
    %add3A_258 = arith.constant 288 : i32
    %add3A_259 = arith.addi %scan3A_7, %add3A_258 : i32
    %broadcast_in_dim3A_260 = vector.broadcast %add3A_259 : i32 to vector<16xi32>
    %add3A_261 = arith.addi %broadcast_in_dim3A_260, %iota3A : vector<16xi32>
    %shift_right_logical3A_262 = arith.constant 7 : i32
    %shift_right_logical3A_263 = vector.broadcast %shift_right_logical3A_262 : i32 to vector<16xi32>
    %shift_right_logical3A_264 = arith.shrui %add3A_261, %shift_right_logical3A_263 : vector<16xi32>
    %and3A_265 = arith.constant 127 : i32
    %and3A_266 = vector.broadcast %and3A_265 : i32 to vector<16xi32>
    %and3A_267 = arith.andi %add3A_261, %and3A_266 : vector<16xi32>
    %broadcast_in_dim3A_268 = arith.constant 0 : i32
    %broadcast_in_dim3A_269 = vector.broadcast %broadcast_in_dim3A_268 : i32 to vector<16xi32>
    tpu.vector_store_idx %arg9[%shift_right_logical3A_264, %and3A_267], %broadcast_in_dim3A_269 : memref<88x128xi32, #tpu.memory_space<vmem>>[vector<16xi32>, vector<16xi32>], vector<16xi32>,
    %broadcast_in_dim3A_270 = arith.constant 2559 : i32
    %broadcast_in_dim3A_271 = vector.broadcast %broadcast_in_dim3A_270 : i32 to vector<16xi32>
    tpu.vector_store_idx %arg10[%shift_right_logical3A_264, %and3A_267], %broadcast_in_dim3A_271 : memref<88x128xi32, #tpu.memory_space<vmem>>[vector<16xi32>, vector<16xi32>], vector<16xi32>,
    %add3A_272 = arith.constant 304 : i32
    %add3A_273 = arith.addi %scan3A_7, %add3A_272 : i32
    %broadcast_in_dim3A_274 = vector.broadcast %add3A_273 : i32 to vector<16xi32>
    %add3A_275 = arith.addi %broadcast_in_dim3A_274, %iota3A : vector<16xi32>
    %shift_right_logical3A_276 = arith.constant 7 : i32
    %shift_right_logical3A_277 = vector.broadcast %shift_right_logical3A_276 : i32 to vector<16xi32>
    %shift_right_logical3A_278 = arith.shrui %add3A_275, %shift_right_logical3A_277 : vector<16xi32>
    %and3A_279 = arith.constant 127 : i32
    %and3A_280 = vector.broadcast %and3A_279 : i32 to vector<16xi32>
    %and3A_281 = arith.andi %add3A_275, %and3A_280 : vector<16xi32>
    %broadcast_in_dim3A_282 = arith.constant 0 : i32
    %broadcast_in_dim3A_283 = vector.broadcast %broadcast_in_dim3A_282 : i32 to vector<16xi32>
    tpu.vector_store_idx %arg9[%shift_right_logical3A_278, %and3A_281], %broadcast_in_dim3A_283 : memref<88x128xi32, #tpu.memory_space<vmem>>[vector<16xi32>, vector<16xi32>], vector<16xi32>,
    %broadcast_in_dim3A_284 = arith.constant 2559 : i32
    %broadcast_in_dim3A_285 = vector.broadcast %broadcast_in_dim3A_284 : i32 to vector<16xi32>
    tpu.vector_store_idx %arg10[%shift_right_logical3A_278, %and3A_281], %broadcast_in_dim3A_285 : memref<88x128xi32, #tpu.memory_space<vmem>>[vector<16xi32>, vector<16xi32>], vector<16xi32>,
    %add3A_286 = arith.constant 320 : i32
    %add3A_287 = arith.addi %scan3A_7, %add3A_286 : i32
    %broadcast_in_dim3A_288 = vector.broadcast %add3A_287 : i32 to vector<16xi32>
    %add3A_289 = arith.addi %broadcast_in_dim3A_288, %iota3A : vector<16xi32>
    %shift_right_logical3A_290 = arith.constant 7 : i32
    %shift_right_logical3A_291 = vector.broadcast %shift_right_logical3A_290 : i32 to vector<16xi32>
    %shift_right_logical3A_292 = arith.shrui %add3A_289, %shift_right_logical3A_291 : vector<16xi32>
    %and3A_293 = arith.constant 127 : i32
    %and3A_294 = vector.broadcast %and3A_293 : i32 to vector<16xi32>
    %and3A_295 = arith.andi %add3A_289, %and3A_294 : vector<16xi32>
    %broadcast_in_dim3A_296 = arith.constant 0 : i32
    %broadcast_in_dim3A_297 = vector.broadcast %broadcast_in_dim3A_296 : i32 to vector<16xi32>
    tpu.vector_store_idx %arg9[%shift_right_logical3A_292, %and3A_295], %broadcast_in_dim3A_297 : memref<88x128xi32, #tpu.memory_space<vmem>>[vector<16xi32>, vector<16xi32>], vector<16xi32>,
    %broadcast_in_dim3A_298 = arith.constant 2559 : i32
    %broadcast_in_dim3A_299 = vector.broadcast %broadcast_in_dim3A_298 : i32 to vector<16xi32>
    tpu.vector_store_idx %arg10[%shift_right_logical3A_292, %and3A_295], %broadcast_in_dim3A_299 : memref<88x128xi32, #tpu.memory_space<vmem>>[vector<16xi32>, vector<16xi32>], vector<16xi32>,
    %add3A_300 = arith.constant 336 : i32
    %add3A_301 = arith.addi %scan3A_7, %add3A_300 : i32
    %broadcast_in_dim3A_302 = vector.broadcast %add3A_301 : i32 to vector<16xi32>
    %add3A_303 = arith.addi %broadcast_in_dim3A_302, %iota3A : vector<16xi32>
    %shift_right_logical3A_304 = arith.constant 7 : i32
    %shift_right_logical3A_305 = vector.broadcast %shift_right_logical3A_304 : i32 to vector<16xi32>
    %shift_right_logical3A_306 = arith.shrui %add3A_303, %shift_right_logical3A_305 : vector<16xi32>
    %and3A_307 = arith.constant 127 : i32
    %and3A_308 = vector.broadcast %and3A_307 : i32 to vector<16xi32>
    %and3A_309 = arith.andi %add3A_303, %and3A_308 : vector<16xi32>
    %broadcast_in_dim3A_310 = arith.constant 0 : i32
    %broadcast_in_dim3A_311 = vector.broadcast %broadcast_in_dim3A_310 : i32 to vector<16xi32>
    tpu.vector_store_idx %arg9[%shift_right_logical3A_306, %and3A_309], %broadcast_in_dim3A_311 : memref<88x128xi32, #tpu.memory_space<vmem>>[vector<16xi32>, vector<16xi32>], vector<16xi32>,
    %broadcast_in_dim3A_312 = arith.constant 2559 : i32
    %broadcast_in_dim3A_313 = vector.broadcast %broadcast_in_dim3A_312 : i32 to vector<16xi32>
    tpu.vector_store_idx %arg10[%shift_right_logical3A_306, %and3A_309], %broadcast_in_dim3A_313 : memref<88x128xi32, #tpu.memory_space<vmem>>[vector<16xi32>, vector<16xi32>], vector<16xi32>,
    %add3A_314 = arith.constant 352 : i32
    %add3A_315 = arith.addi %scan3A_7, %add3A_314 : i32
    %broadcast_in_dim3A_316 = vector.broadcast %add3A_315 : i32 to vector<16xi32>
    %add3A_317 = arith.addi %broadcast_in_dim3A_316, %iota3A : vector<16xi32>
    %shift_right_logical3A_318 = arith.constant 7 : i32
    %shift_right_logical3A_319 = vector.broadcast %shift_right_logical3A_318 : i32 to vector<16xi32>
    %shift_right_logical3A_320 = arith.shrui %add3A_317, %shift_right_logical3A_319 : vector<16xi32>
    %and3A_321 = arith.constant 127 : i32
    %and3A_322 = vector.broadcast %and3A_321 : i32 to vector<16xi32>
    %and3A_323 = arith.andi %add3A_317, %and3A_322 : vector<16xi32>
    %broadcast_in_dim3A_324 = arith.constant 0 : i32
    %broadcast_in_dim3A_325 = vector.broadcast %broadcast_in_dim3A_324 : i32 to vector<16xi32>
    tpu.vector_store_idx %arg9[%shift_right_logical3A_320, %and3A_323], %broadcast_in_dim3A_325 : memref<88x128xi32, #tpu.memory_space<vmem>>[vector<16xi32>, vector<16xi32>], vector<16xi32>,
    %broadcast_in_dim3A_326 = arith.constant 2559 : i32
    %broadcast_in_dim3A_327 = vector.broadcast %broadcast_in_dim3A_326 : i32 to vector<16xi32>
    tpu.vector_store_idx %arg10[%shift_right_logical3A_320, %and3A_323], %broadcast_in_dim3A_327 : memref<88x128xi32, #tpu.memory_space<vmem>>[vector<16xi32>, vector<16xi32>], vector<16xi32>,
    %add3A_328 = arith.constant 368 : i32
    %add3A_329 = arith.addi %scan3A_7, %add3A_328 : i32
    %broadcast_in_dim3A_330 = vector.broadcast %add3A_329 : i32 to vector<16xi32>
    %add3A_331 = arith.addi %broadcast_in_dim3A_330, %iota3A : vector<16xi32>
    %shift_right_logical3A_332 = arith.constant 7 : i32
    %shift_right_logical3A_333 = vector.broadcast %shift_right_logical3A_332 : i32 to vector<16xi32>
    %shift_right_logical3A_334 = arith.shrui %add3A_331, %shift_right_logical3A_333 : vector<16xi32>
    %and3A_335 = arith.constant 127 : i32
    %and3A_336 = vector.broadcast %and3A_335 : i32 to vector<16xi32>
    %and3A_337 = arith.andi %add3A_331, %and3A_336 : vector<16xi32>
    %broadcast_in_dim3A_338 = arith.constant 0 : i32
    %broadcast_in_dim3A_339 = vector.broadcast %broadcast_in_dim3A_338 : i32 to vector<16xi32>
    tpu.vector_store_idx %arg9[%shift_right_logical3A_334, %and3A_337], %broadcast_in_dim3A_339 : memref<88x128xi32, #tpu.memory_space<vmem>>[vector<16xi32>, vector<16xi32>], vector<16xi32>,
    %broadcast_in_dim3A_340 = arith.constant 2559 : i32
    %broadcast_in_dim3A_341 = vector.broadcast %broadcast_in_dim3A_340 : i32 to vector<16xi32>
    tpu.vector_store_idx %arg10[%shift_right_logical3A_334, %and3A_337], %broadcast_in_dim3A_341 : memref<88x128xi32, #tpu.memory_space<vmem>>[vector<16xi32>, vector<16xi32>], vector<16xi32>,
    %add3A_342 = arith.constant 384 : i32
    %add3A_343 = arith.addi %scan3A_7, %add3A_342 : i32
    %broadcast_in_dim3A_344 = vector.broadcast %add3A_343 : i32 to vector<16xi32>
    %add3A_345 = arith.addi %broadcast_in_dim3A_344, %iota3A : vector<16xi32>
    %shift_right_logical3A_346 = arith.constant 7 : i32
    %shift_right_logical3A_347 = vector.broadcast %shift_right_logical3A_346 : i32 to vector<16xi32>
    %shift_right_logical3A_348 = arith.shrui %add3A_345, %shift_right_logical3A_347 : vector<16xi32>
    %and3A_349 = arith.constant 127 : i32
    %and3A_350 = vector.broadcast %and3A_349 : i32 to vector<16xi32>
    %and3A_351 = arith.andi %add3A_345, %and3A_350 : vector<16xi32>
    %broadcast_in_dim3A_352 = arith.constant 0 : i32
    %broadcast_in_dim3A_353 = vector.broadcast %broadcast_in_dim3A_352 : i32 to vector<16xi32>
    tpu.vector_store_idx %arg9[%shift_right_logical3A_348, %and3A_351], %broadcast_in_dim3A_353 : memref<88x128xi32, #tpu.memory_space<vmem>>[vector<16xi32>, vector<16xi32>], vector<16xi32>,
    %broadcast_in_dim3A_354 = arith.constant 2559 : i32
    %broadcast_in_dim3A_355 = vector.broadcast %broadcast_in_dim3A_354 : i32 to vector<16xi32>
    tpu.vector_store_idx %arg10[%shift_right_logical3A_348, %and3A_351], %broadcast_in_dim3A_355 : memref<88x128xi32, #tpu.memory_space<vmem>>[vector<16xi32>, vector<16xi32>], vector<16xi32>,
    %add3A_356 = arith.constant 400 : i32
    %add3A_357 = arith.addi %scan3A_7, %add3A_356 : i32
    %broadcast_in_dim3A_358 = vector.broadcast %add3A_357 : i32 to vector<16xi32>
    %add3A_359 = arith.addi %broadcast_in_dim3A_358, %iota3A : vector<16xi32>
    %shift_right_logical3A_360 = arith.constant 7 : i32
    %shift_right_logical3A_361 = vector.broadcast %shift_right_logical3A_360 : i32 to vector<16xi32>
    %shift_right_logical3A_362 = arith.shrui %add3A_359, %shift_right_logical3A_361 : vector<16xi32>
    %and3A_363 = arith.constant 127 : i32
    %and3A_364 = vector.broadcast %and3A_363 : i32 to vector<16xi32>
    %and3A_365 = arith.andi %add3A_359, %and3A_364 : vector<16xi32>
    %broadcast_in_dim3A_366 = arith.constant 0 : i32
    %broadcast_in_dim3A_367 = vector.broadcast %broadcast_in_dim3A_366 : i32 to vector<16xi32>
    tpu.vector_store_idx %arg9[%shift_right_logical3A_362, %and3A_365], %broadcast_in_dim3A_367 : memref<88x128xi32, #tpu.memory_space<vmem>>[vector<16xi32>, vector<16xi32>], vector<16xi32>,
    %broadcast_in_dim3A_368 = arith.constant 2559 : i32
    %broadcast_in_dim3A_369 = vector.broadcast %broadcast_in_dim3A_368 : i32 to vector<16xi32>
    tpu.vector_store_idx %arg10[%shift_right_logical3A_362, %and3A_365], %broadcast_in_dim3A_369 : memref<88x128xi32, #tpu.memory_space<vmem>>[vector<16xi32>, vector<16xi32>], vector<16xi32>,
    %add3A_370 = arith.constant 416 : i32
    %add3A_371 = arith.addi %scan3A_7, %add3A_370 : i32
    %broadcast_in_dim3A_372 = vector.broadcast %add3A_371 : i32 to vector<16xi32>
    %add3A_373 = arith.addi %broadcast_in_dim3A_372, %iota3A : vector<16xi32>
    %shift_right_logical3A_374 = arith.constant 7 : i32
    %shift_right_logical3A_375 = vector.broadcast %shift_right_logical3A_374 : i32 to vector<16xi32>
    %shift_right_logical3A_376 = arith.shrui %add3A_373, %shift_right_logical3A_375 : vector<16xi32>
    %and3A_377 = arith.constant 127 : i32
    %and3A_378 = vector.broadcast %and3A_377 : i32 to vector<16xi32>
    %and3A_379 = arith.andi %add3A_373, %and3A_378 : vector<16xi32>
    %broadcast_in_dim3A_380 = arith.constant 0 : i32
    %broadcast_in_dim3A_381 = vector.broadcast %broadcast_in_dim3A_380 : i32 to vector<16xi32>
    tpu.vector_store_idx %arg9[%shift_right_logical3A_376, %and3A_379], %broadcast_in_dim3A_381 : memref<88x128xi32, #tpu.memory_space<vmem>>[vector<16xi32>, vector<16xi32>], vector<16xi32>,
    %broadcast_in_dim3A_382 = arith.constant 2559 : i32
    %broadcast_in_dim3A_383 = vector.broadcast %broadcast_in_dim3A_382 : i32 to vector<16xi32>
    tpu.vector_store_idx %arg10[%shift_right_logical3A_376, %and3A_379], %broadcast_in_dim3A_383 : memref<88x128xi32, #tpu.memory_space<vmem>>[vector<16xi32>, vector<16xi32>], vector<16xi32>,
    %add3A_384 = arith.constant 432 : i32
    %add3A_385 = arith.addi %scan3A_7, %add3A_384 : i32
    %broadcast_in_dim3A_386 = vector.broadcast %add3A_385 : i32 to vector<16xi32>
    %add3A_387 = arith.addi %broadcast_in_dim3A_386, %iota3A : vector<16xi32>
    %shift_right_logical3A_388 = arith.constant 7 : i32
    %shift_right_logical3A_389 = vector.broadcast %shift_right_logical3A_388 : i32 to vector<16xi32>
    %shift_right_logical3A_390 = arith.shrui %add3A_387, %shift_right_logical3A_389 : vector<16xi32>
    %and3A_391 = arith.constant 127 : i32
    %and3A_392 = vector.broadcast %and3A_391 : i32 to vector<16xi32>
    %and3A_393 = arith.andi %add3A_387, %and3A_392 : vector<16xi32>
    %broadcast_in_dim3A_394 = arith.constant 0 : i32
    %broadcast_in_dim3A_395 = vector.broadcast %broadcast_in_dim3A_394 : i32 to vector<16xi32>
    tpu.vector_store_idx %arg9[%shift_right_logical3A_390, %and3A_393], %broadcast_in_dim3A_395 : memref<88x128xi32, #tpu.memory_space<vmem>>[vector<16xi32>, vector<16xi32>], vector<16xi32>,
    %broadcast_in_dim3A_396 = arith.constant 2559 : i32
    %broadcast_in_dim3A_397 = vector.broadcast %broadcast_in_dim3A_396 : i32 to vector<16xi32>
    tpu.vector_store_idx %arg10[%shift_right_logical3A_390, %and3A_393], %broadcast_in_dim3A_397 : memref<88x128xi32, #tpu.memory_space<vmem>>[vector<16xi32>, vector<16xi32>], vector<16xi32>,
    %add3A_398 = arith.constant 448 : i32
    %add3A_399 = arith.addi %scan3A_7, %add3A_398 : i32
    %broadcast_in_dim3A_400 = vector.broadcast %add3A_399 : i32 to vector<16xi32>
    %add3A_401 = arith.addi %broadcast_in_dim3A_400, %iota3A : vector<16xi32>
    %shift_right_logical3A_402 = arith.constant 7 : i32
    %shift_right_logical3A_403 = vector.broadcast %shift_right_logical3A_402 : i32 to vector<16xi32>
    %shift_right_logical3A_404 = arith.shrui %add3A_401, %shift_right_logical3A_403 : vector<16xi32>
    %and3A_405 = arith.constant 127 : i32
    %and3A_406 = vector.broadcast %and3A_405 : i32 to vector<16xi32>
    %and3A_407 = arith.andi %add3A_401, %and3A_406 : vector<16xi32>
    %broadcast_in_dim3A_408 = arith.constant 0 : i32
    %broadcast_in_dim3A_409 = vector.broadcast %broadcast_in_dim3A_408 : i32 to vector<16xi32>
    tpu.vector_store_idx %arg9[%shift_right_logical3A_404, %and3A_407], %broadcast_in_dim3A_409 : memref<88x128xi32, #tpu.memory_space<vmem>>[vector<16xi32>, vector<16xi32>], vector<16xi32>,
    %broadcast_in_dim3A_410 = arith.constant 2559 : i32
    %broadcast_in_dim3A_411 = vector.broadcast %broadcast_in_dim3A_410 : i32 to vector<16xi32>
    tpu.vector_store_idx %arg10[%shift_right_logical3A_404, %and3A_407], %broadcast_in_dim3A_411 : memref<88x128xi32, #tpu.memory_space<vmem>>[vector<16xi32>, vector<16xi32>], vector<16xi32>,
    %add3A_412 = arith.constant 464 : i32
    %add3A_413 = arith.addi %scan3A_7, %add3A_412 : i32
    %broadcast_in_dim3A_414 = vector.broadcast %add3A_413 : i32 to vector<16xi32>
    %add3A_415 = arith.addi %broadcast_in_dim3A_414, %iota3A : vector<16xi32>
    %shift_right_logical3A_416 = arith.constant 7 : i32
    %shift_right_logical3A_417 = vector.broadcast %shift_right_logical3A_416 : i32 to vector<16xi32>
    %shift_right_logical3A_418 = arith.shrui %add3A_415, %shift_right_logical3A_417 : vector<16xi32>
    %and3A_419 = arith.constant 127 : i32
    %and3A_420 = vector.broadcast %and3A_419 : i32 to vector<16xi32>
    %and3A_421 = arith.andi %add3A_415, %and3A_420 : vector<16xi32>
    %broadcast_in_dim3A_422 = arith.constant 0 : i32
    %broadcast_in_dim3A_423 = vector.broadcast %broadcast_in_dim3A_422 : i32 to vector<16xi32>
    tpu.vector_store_idx %arg9[%shift_right_logical3A_418, %and3A_421], %broadcast_in_dim3A_423 : memref<88x128xi32, #tpu.memory_space<vmem>>[vector<16xi32>, vector<16xi32>], vector<16xi32>,
    %broadcast_in_dim3A_424 = arith.constant 2559 : i32
    %broadcast_in_dim3A_425 = vector.broadcast %broadcast_in_dim3A_424 : i32 to vector<16xi32>
    tpu.vector_store_idx %arg10[%shift_right_logical3A_418, %and3A_421], %broadcast_in_dim3A_425 : memref<88x128xi32, #tpu.memory_space<vmem>>[vector<16xi32>, vector<16xi32>], vector<16xi32>,
    %add3A_426 = arith.constant 480 : i32
    %add3A_427 = arith.addi %scan3A_7, %add3A_426 : i32
    %broadcast_in_dim3A_428 = vector.broadcast %add3A_427 : i32 to vector<16xi32>
    %add3A_429 = arith.addi %broadcast_in_dim3A_428, %iota3A : vector<16xi32>
    %shift_right_logical3A_430 = arith.constant 7 : i32
    %shift_right_logical3A_431 = vector.broadcast %shift_right_logical3A_430 : i32 to vector<16xi32>
    %shift_right_logical3A_432 = arith.shrui %add3A_429, %shift_right_logical3A_431 : vector<16xi32>
    %and3A_433 = arith.constant 127 : i32
    %and3A_434 = vector.broadcast %and3A_433 : i32 to vector<16xi32>
    %and3A_435 = arith.andi %add3A_429, %and3A_434 : vector<16xi32>
    %broadcast_in_dim3A_436 = arith.constant 0 : i32
    %broadcast_in_dim3A_437 = vector.broadcast %broadcast_in_dim3A_436 : i32 to vector<16xi32>
    tpu.vector_store_idx %arg9[%shift_right_logical3A_432, %and3A_435], %broadcast_in_dim3A_437 : memref<88x128xi32, #tpu.memory_space<vmem>>[vector<16xi32>, vector<16xi32>], vector<16xi32>,
    %broadcast_in_dim3A_438 = arith.constant 2559 : i32
    %broadcast_in_dim3A_439 = vector.broadcast %broadcast_in_dim3A_438 : i32 to vector<16xi32>
    tpu.vector_store_idx %arg10[%shift_right_logical3A_432, %and3A_435], %broadcast_in_dim3A_439 : memref<88x128xi32, #tpu.memory_space<vmem>>[vector<16xi32>, vector<16xi32>], vector<16xi32>,
    %add3A_440 = arith.constant 496 : i32
    %add3A_441 = arith.addi %scan3A_7, %add3A_440 : i32
    %broadcast_in_dim3A_442 = vector.broadcast %add3A_441 : i32 to vector<16xi32>
    %add3A_443 = arith.addi %broadcast_in_dim3A_442, %iota3A : vector<16xi32>
    %shift_right_logical3A_444 = arith.constant 7 : i32
    %shift_right_logical3A_445 = vector.broadcast %shift_right_logical3A_444 : i32 to vector<16xi32>
    %shift_right_logical3A_446 = arith.shrui %add3A_443, %shift_right_logical3A_445 : vector<16xi32>
    %and3A_447 = arith.constant 127 : i32
    %and3A_448 = vector.broadcast %and3A_447 : i32 to vector<16xi32>
    %and3A_449 = arith.andi %add3A_443, %and3A_448 : vector<16xi32>
    %broadcast_in_dim3A_450 = arith.constant 0 : i32
    %broadcast_in_dim3A_451 = vector.broadcast %broadcast_in_dim3A_450 : i32 to vector<16xi32>
    tpu.vector_store_idx %arg9[%shift_right_logical3A_446, %and3A_449], %broadcast_in_dim3A_451 : memref<88x128xi32, #tpu.memory_space<vmem>>[vector<16xi32>, vector<16xi32>], vector<16xi32>,
    %broadcast_in_dim3A_452 = arith.constant 2559 : i32
    %broadcast_in_dim3A_453 = vector.broadcast %broadcast_in_dim3A_452 : i32 to vector<16xi32>
    tpu.vector_store_idx %arg10[%shift_right_logical3A_446, %and3A_449], %broadcast_in_dim3A_453 : memref<88x128xi32, #tpu.memory_space<vmem>>[vector<16xi32>, vector<16xi32>], vector<16xi32>,
    %add3A_454 = arith.constant 256 : i32
    %add3A_455 = arith.addi %scan3A_7, %add3A_454 : i32
    %sub3A = arith.constant 1 : i32
    %sub3A_456 = arith.subi %add3A_455, %sub3A : i32
    %shift_right_logical3A_457 = arith.constant 8 : i32
    %shift_right_logical3A_458 = arith.shrui %sub3A_456, %shift_right_logical3A_457 : i32
    %broadcast_in_dim3A_459 = vector.broadcast %shift_right_logical3A_458 : i32 to vector<16xi32>
    %swap3A = arith.constant 0 : index
    %swap3A_460 = tpu.vector_load %arg11[%swap3A] {strides = array<i32>} : memref<16xi32, #tpu.memory_space<vmem>>, vector<16xi32>,
    tpu.vector_store %arg11[%swap3A], %broadcast_in_dim3A_459 {strides = array<i32>} : memref<16xi32, #tpu.memory_space<vmem>>, vector<16xi32>,
    %mul3A_461 = arith.constant 88 : i32
    %mul3A_462 = arith.muli %add3A, %mul3A_461 : i32
    "tpu.region"() ({
      %run_scoped3A = tpu.sem_alloc : memref<!tpu.dma_semaphore, #tpu.memory_space<semaphore_mem>>
      %dma_start3A = arith.constant 0 : i32
      %dma_start3A_467 = tpu.memref_slice %arg4[%mul3A_462, %dma_start3A] : memref<2816x128xi32, #tpu.memory_space<hbm>> -> memref<88x128xi32, #tpu.memory_space<hbm>>
      %dma_start3A_468 = arith.constant 0 : i32
      %dma_start3A_469 = tpu.memref_slice %arg4[%mul3A_462, %dma_start3A_468] : memref<2816x128xi32, #tpu.memory_space<hbm>> -> memref<88x128xi32, #tpu.memory_space<hbm>>
      tpu.enqueue_dma source(%arg9 : memref<88x128xi32, #tpu.memory_space<vmem>>) target(%dma_start3A_469 : memref<88x128xi32, #tpu.memory_space<hbm>>) target_semaphore(%run_scoped3A : memref<!tpu.dma_semaphore, #tpu.memory_space<semaphore_mem>>)
      %dma_wait3A = arith.constant 0 : i32
      %dma_wait3A_470 = tpu.memref_slice %arg4[%mul3A_462, %dma_wait3A] : memref<2816x128xi32, #tpu.memory_space<hbm>> -> memref<88x128xi32, #tpu.memory_space<hbm>>
      %dma_wait3A_471 = arith.constant 0 : i32
      %dma_wait3A_472 = tpu.memref_slice %arg4[%mul3A_462, %dma_wait3A_471] : memref<2816x128xi32, #tpu.memory_space<hbm>> -> memref<88x128xi32, #tpu.memory_space<hbm>>
      tpu.wait_dma2 semaphore(%run_scoped3A : memref<!tpu.dma_semaphore, #tpu.memory_space<semaphore_mem>>) src(%arg9 : memref<88x128xi32, #tpu.memory_space<vmem>>) dst(%dma_wait3A_472 : memref<88x128xi32, #tpu.memory_space<hbm>>)
      tpu.yield
    }) : () -> ()
    %mul3A_463 = arith.constant 88 : i32
    %mul3A_464 = arith.muli %add3A, %mul3A_463 : i32
    "tpu.region"() ({
      %run_scoped3A = tpu.sem_alloc : memref<!tpu.dma_semaphore, #tpu.memory_space<semaphore_mem>>
      %dma_start3A = arith.constant 0 : i32
      %dma_start3A_467 = tpu.memref_slice %arg5[%mul3A_464, %dma_start3A] : memref<2816x128xi32, #tpu.memory_space<hbm>> -> memref<88x128xi32, #tpu.memory_space<hbm>>
      %dma_start3A_468 = arith.constant 0 : i32
      %dma_start3A_469 = tpu.memref_slice %arg5[%mul3A_464, %dma_start3A_468] : memref<2816x128xi32, #tpu.memory_space<hbm>> -> memref<88x128xi32, #tpu.memory_space<hbm>>
      tpu.enqueue_dma source(%arg10 : memref<88x128xi32, #tpu.memory_space<vmem>>) target(%dma_start3A_469 : memref<88x128xi32, #tpu.memory_space<hbm>>) target_semaphore(%run_scoped3A : memref<!tpu.dma_semaphore, #tpu.memory_space<semaphore_mem>>)
      %dma_wait3A = arith.constant 0 : i32
      %dma_wait3A_470 = tpu.memref_slice %arg5[%mul3A_464, %dma_wait3A] : memref<2816x128xi32, #tpu.memory_space<hbm>> -> memref<88x128xi32, #tpu.memory_space<hbm>>
      %dma_wait3A_471 = arith.constant 0 : i32
      %dma_wait3A_472 = tpu.memref_slice %arg5[%mul3A_464, %dma_wait3A_471] : memref<2816x128xi32, #tpu.memory_space<hbm>> -> memref<88x128xi32, #tpu.memory_space<hbm>>
      tpu.wait_dma2 semaphore(%run_scoped3A : memref<!tpu.dma_semaphore, #tpu.memory_space<semaphore_mem>>) src(%arg10 : memref<88x128xi32, #tpu.memory_space<vmem>>) dst(%dma_wait3A_472 : memref<88x128xi32, #tpu.memory_space<hbm>>)
      tpu.yield
    }) : () -> ()
    %mul3A_465 = arith.constant 16 : i32
    %mul3A_466 = arith.muli %add3A, %mul3A_465 : i32
    "tpu.region"() ({
      %run_scoped3A = tpu.sem_alloc : memref<!tpu.dma_semaphore, #tpu.memory_space<semaphore_mem>>
      %dma_start3A = tpu.memref_slice %arg6[%mul3A_466] : memref<512xi32, #tpu.memory_space<hbm>> -> memref<16xi32, #tpu.memory_space<hbm>>
      %dma_start3A_467 = tpu.memref_slice %arg6[%mul3A_466] : memref<512xi32, #tpu.memory_space<hbm>> -> memref<16xi32, #tpu.memory_space<hbm>>
      tpu.enqueue_dma source(%arg11 : memref<16xi32, #tpu.memory_space<vmem>>) target(%dma_start3A_467 : memref<16xi32, #tpu.memory_space<hbm>>) target_semaphore(%run_scoped3A : memref<!tpu.dma_semaphore, #tpu.memory_space<semaphore_mem>>)
      %dma_wait3A = tpu.memref_slice %arg6[%mul3A_466] : memref<512xi32, #tpu.memory_space<hbm>> -> memref<16xi32, #tpu.memory_space<hbm>>
      %dma_wait3A_468 = tpu.memref_slice %arg6[%mul3A_466] : memref<512xi32, #tpu.memory_space<hbm>> -> memref<16xi32, #tpu.memory_space<hbm>>
      tpu.wait_dma2 semaphore(%run_scoped3A : memref<!tpu.dma_semaphore, #tpu.memory_space<semaphore_mem>>) src(%arg11 : memref<16xi32, #tpu.memory_space<vmem>>) dst(%dma_wait3A_468 : memref<16xi32, #tpu.memory_space<hbm>>)
      tpu.yield
    }) : () -> ()
    return
  }
}

#map = affine_map<(d0, d1) -> (0, 0)>
#map1 = affine_map<(d0, d1) -> (0)>
#map2 = affine_map<(d0, d1) -> (0, 0, 0)>
module attributes {stable_mosaic.version = 14 : i64} {
  func.func @body(%arg0: i32, %arg1: i32, %arg2: memref<2560x128xf32, #tpu.memory_space<hbm>>, %arg3: memref<1536x128xi32, #tpu.memory_space<hbm>>, %arg4: memref<1536x128xi32, #tpu.memory_space<hbm>>, %arg5: memref<512xi32, #tpu.memory_space<hbm>>, %arg6: memref<2x2560x128xf32, #tpu.memory_space<hbm>>, %arg7: memref<5120xf32, #tpu.memory_space<hbm>>, %arg8: memref<48x128xi32, #tpu.memory_space<vmem>>, %arg9: memref<48x128xi32, #tpu.memory_space<vmem>>, %arg10: memref<16xi32, #tpu.memory_space<vmem>>, %arg11: memref<128x128xf32, #tpu.memory_space<vmem>>, %arg12: memref<128x128xf32, #tpu.memory_space<vmem>>, %arg13: memref<128xf32, #tpu.memory_space<vmem>>, %arg14: memref<160xf32, #tpu.memory_space<vmem>>, %arg15: memref<2560x128xf32, #tpu.memory_space<vmem_shared>>, %arg16: memref<2560x128xf32, #tpu.memory_space<vmem_shared>>, %arg17: memref<2560xf32, #tpu.memory_space<vmem_shared>>, %arg18: memref<!tpu.dma_semaphore, #tpu.memory_space<semaphore_mem>>, %arg19: memref<!tpu.dma_semaphore, #tpu.memory_space<semaphore_mem>>, %arg20: memref<!tpu.dma_semaphore, #tpu.memory_space<semaphore_mem>>) attributes {dimension_semantics = [#tpu.dimension_semantics<core_parallel>, #tpu.dimension_semantics<subcore_parallel>], iteration_bounds = array<i64: 2, 16>, scalar_prefetch = 0 : i64, scratch_operands = 13 : i64, tpu.core_type = #tpu.core_type<sc_vector_subcore>, window_params = [{transform_indices = #map}, {transform_indices = #map}, {transform_indices = #map}, {transform_indices = #map1}, {transform_indices = #map2}, {transform_indices = #map1}]} {
    %mul3A = arith.constant 2 : i32
    %mul3A_0 = arith.muli %arg1, %mul3A : i32
    %add3A = arith.addi %mul3A_0, %arg0 : i32
    %mul3A_1 = arith.constant 48 : i32
    %mul3A_2 = arith.muli %add3A, %mul3A_1 : i32
    "tpu.region"() ({
      %run_scoped3A = tpu.sem_alloc : memref<!tpu.dma_semaphore, #tpu.memory_space<semaphore_mem>>
      %dma_start3A_102 = arith.constant 0 : i32
      %dma_start3A_103 = tpu.memref_slice %arg3[%mul3A_2, %dma_start3A_102] : memref<1536x128xi32, #tpu.memory_space<hbm>> -> memref<48x128xi32, #tpu.memory_space<hbm>>
      %dma_start3A_104 = arith.constant 0 : i32
      %dma_start3A_105 = tpu.memref_slice %arg3[%mul3A_2, %dma_start3A_104] : memref<1536x128xi32, #tpu.memory_space<hbm>> -> memref<48x128xi32, #tpu.memory_space<hbm>>
      tpu.enqueue_dma source(%dma_start3A_105 : memref<48x128xi32, #tpu.memory_space<hbm>>) target(%arg8 : memref<48x128xi32, #tpu.memory_space<vmem>>) target_semaphore(%run_scoped3A : memref<!tpu.dma_semaphore, #tpu.memory_space<semaphore_mem>>)
      %dma_wait3A_106 = arith.constant 0 : i32
      %dma_wait3A_107 = tpu.memref_slice %arg3[%mul3A_2, %dma_wait3A_106] : memref<1536x128xi32, #tpu.memory_space<hbm>> -> memref<48x128xi32, #tpu.memory_space<hbm>>
      %dma_wait3A_108 = arith.constant 0 : i32
      %dma_wait3A_109 = tpu.memref_slice %arg3[%mul3A_2, %dma_wait3A_108] : memref<1536x128xi32, #tpu.memory_space<hbm>> -> memref<48x128xi32, #tpu.memory_space<hbm>>
      tpu.wait_dma2 semaphore(%run_scoped3A : memref<!tpu.dma_semaphore, #tpu.memory_space<semaphore_mem>>) src(%dma_wait3A_109 : memref<48x128xi32, #tpu.memory_space<hbm>>) dst(%arg8 : memref<48x128xi32, #tpu.memory_space<vmem>>)
      tpu.yield
    }) : () -> ()
    %mul3A_3 = arith.constant 48 : i32
    %mul3A_4 = arith.muli %add3A, %mul3A_3 : i32
    "tpu.region"() ({
      %run_scoped3A = tpu.sem_alloc : memref<!tpu.dma_semaphore, #tpu.memory_space<semaphore_mem>>
      %dma_start3A_102 = arith.constant 0 : i32
      %dma_start3A_103 = tpu.memref_slice %arg4[%mul3A_4, %dma_start3A_102] : memref<1536x128xi32, #tpu.memory_space<hbm>> -> memref<48x128xi32, #tpu.memory_space<hbm>>
      %dma_start3A_104 = arith.constant 0 : i32
      %dma_start3A_105 = tpu.memref_slice %arg4[%mul3A_4, %dma_start3A_104] : memref<1536x128xi32, #tpu.memory_space<hbm>> -> memref<48x128xi32, #tpu.memory_space<hbm>>
      tpu.enqueue_dma source(%dma_start3A_105 : memref<48x128xi32, #tpu.memory_space<hbm>>) target(%arg9 : memref<48x128xi32, #tpu.memory_space<vmem>>) target_semaphore(%run_scoped3A : memref<!tpu.dma_semaphore, #tpu.memory_space<semaphore_mem>>)
      %dma_wait3A_106 = arith.constant 0 : i32
      %dma_wait3A_107 = tpu.memref_slice %arg4[%mul3A_4, %dma_wait3A_106] : memref<1536x128xi32, #tpu.memory_space<hbm>> -> memref<48x128xi32, #tpu.memory_space<hbm>>
      %dma_wait3A_108 = arith.constant 0 : i32
      %dma_wait3A_109 = tpu.memref_slice %arg4[%mul3A_4, %dma_wait3A_108] : memref<1536x128xi32, #tpu.memory_space<hbm>> -> memref<48x128xi32, #tpu.memory_space<hbm>>
      tpu.wait_dma2 semaphore(%run_scoped3A : memref<!tpu.dma_semaphore, #tpu.memory_space<semaphore_mem>>) src(%dma_wait3A_109 : memref<48x128xi32, #tpu.memory_space<hbm>>) dst(%arg9 : memref<48x128xi32, #tpu.memory_space<vmem>>)
      tpu.yield
    }) : () -> ()
    %mul3A_5 = arith.constant 16 : i32
    %mul3A_6 = arith.muli %add3A, %mul3A_5 : i32
    "tpu.region"() ({
      %run_scoped3A = tpu.sem_alloc : memref<!tpu.dma_semaphore, #tpu.memory_space<semaphore_mem>>
      %dma_start3A_102 = tpu.memref_slice %arg5[%mul3A_6] : memref<512xi32, #tpu.memory_space<hbm>> -> memref<16xi32, #tpu.memory_space<hbm>>
      %dma_start3A_103 = tpu.memref_slice %arg5[%mul3A_6] : memref<512xi32, #tpu.memory_space<hbm>> -> memref<16xi32, #tpu.memory_space<hbm>>
      tpu.enqueue_dma source(%dma_start3A_103 : memref<16xi32, #tpu.memory_space<hbm>>) target(%arg10 : memref<16xi32, #tpu.memory_space<vmem>>) target_semaphore(%run_scoped3A : memref<!tpu.dma_semaphore, #tpu.memory_space<semaphore_mem>>)
      %dma_wait3A_104 = tpu.memref_slice %arg5[%mul3A_6] : memref<512xi32, #tpu.memory_space<hbm>> -> memref<16xi32, #tpu.memory_space<hbm>>
      %dma_wait3A_105 = tpu.memref_slice %arg5[%mul3A_6] : memref<512xi32, #tpu.memory_space<hbm>> -> memref<16xi32, #tpu.memory_space<hbm>>
      tpu.wait_dma2 semaphore(%run_scoped3A : memref<!tpu.dma_semaphore, #tpu.memory_space<semaphore_mem>>) src(%dma_wait3A_105 : memref<16xi32, #tpu.memory_space<hbm>>) dst(%arg10 : memref<16xi32, #tpu.memory_space<vmem>>)
      tpu.yield
    }) : () -> ()
    %broadcast_in_dim3A = arith.constant 1.000000e+00 : f32
    %broadcast_in_dim3A_7 = vector.broadcast %broadcast_in_dim3A : f32 to vector<16xf32>
    %swap3A = arith.constant 0 : index
    %swap3A_8 = tpu.vector_load %arg13[%swap3A] {strides = array<i32>} : memref<128xf32, #tpu.memory_space<vmem>>, vector<16xf32>,
    %swap3A_9 = vector.shape_cast %swap3A_8 : vector<16xf32> to vector<16xf32>
    %swap3A_10 = vector.shape_cast %broadcast_in_dim3A_7 : vector<16xf32> to vector<16xf32>
    tpu.vector_store %arg13[%swap3A], %swap3A_10 {strides = array<i32>} : memref<128xf32, #tpu.memory_space<vmem>>, vector<16xf32>,
    %broadcast_in_dim3A_11 = arith.constant 1.000000e+00 : f32
    %broadcast_in_dim3A_12 = vector.broadcast %broadcast_in_dim3A_11 : f32 to vector<16xf32>
    %swap3A_13 = arith.constant 16 : index
    %swap3A_14 = tpu.vector_load %arg13[%swap3A_13] {strides = array<i32>} : memref<128xf32, #tpu.memory_space<vmem>>, vector<16xf32>,
    %swap3A_15 = vector.shape_cast %swap3A_14 : vector<16xf32> to vector<16xf32>
    %swap3A_16 = vector.shape_cast %broadcast_in_dim3A_12 : vector<16xf32> to vector<16xf32>
    tpu.vector_store %arg13[%swap3A_13], %swap3A_16 {strides = array<i32>} : memref<128xf32, #tpu.memory_space<vmem>>, vector<16xf32>,
    %broadcast_in_dim3A_17 = arith.constant 1.000000e+00 : f32
    %broadcast_in_dim3A_18 = vector.broadcast %broadcast_in_dim3A_17 : f32 to vector<16xf32>
    %swap3A_19 = arith.constant 32 : index
    %swap3A_20 = tpu.vector_load %arg13[%swap3A_19] {strides = array<i32>} : memref<128xf32, #tpu.memory_space<vmem>>, vector<16xf32>,
    %swap3A_21 = vector.shape_cast %swap3A_20 : vector<16xf32> to vector<16xf32>
    %swap3A_22 = vector.shape_cast %broadcast_in_dim3A_18 : vector<16xf32> to vector<16xf32>
    tpu.vector_store %arg13[%swap3A_19], %swap3A_22 {strides = array<i32>} : memref<128xf32, #tpu.memory_space<vmem>>, vector<16xf32>,
    %broadcast_in_dim3A_23 = arith.constant 1.000000e+00 : f32
    %broadcast_in_dim3A_24 = vector.broadcast %broadcast_in_dim3A_23 : f32 to vector<16xf32>
    %swap3A_25 = arith.constant 48 : index
    %swap3A_26 = tpu.vector_load %arg13[%swap3A_25] {strides = array<i32>} : memref<128xf32, #tpu.memory_space<vmem>>, vector<16xf32>,
    %swap3A_27 = vector.shape_cast %swap3A_26 : vector<16xf32> to vector<16xf32>
    %swap3A_28 = vector.shape_cast %broadcast_in_dim3A_24 : vector<16xf32> to vector<16xf32>
    tpu.vector_store %arg13[%swap3A_25], %swap3A_28 {strides = array<i32>} : memref<128xf32, #tpu.memory_space<vmem>>, vector<16xf32>,
    %broadcast_in_dim3A_29 = arith.constant 1.000000e+00 : f32
    %broadcast_in_dim3A_30 = vector.broadcast %broadcast_in_dim3A_29 : f32 to vector<16xf32>
    %swap3A_31 = arith.constant 64 : index
    %swap3A_32 = tpu.vector_load %arg13[%swap3A_31] {strides = array<i32>} : memref<128xf32, #tpu.memory_space<vmem>>, vector<16xf32>,
    %swap3A_33 = vector.shape_cast %swap3A_32 : vector<16xf32> to vector<16xf32>
    %swap3A_34 = vector.shape_cast %broadcast_in_dim3A_30 : vector<16xf32> to vector<16xf32>
    tpu.vector_store %arg13[%swap3A_31], %swap3A_34 {strides = array<i32>} : memref<128xf32, #tpu.memory_space<vmem>>, vector<16xf32>,
    %broadcast_in_dim3A_35 = arith.constant 1.000000e+00 : f32
    %broadcast_in_dim3A_36 = vector.broadcast %broadcast_in_dim3A_35 : f32 to vector<16xf32>
    %swap3A_37 = arith.constant 80 : index
    %swap3A_38 = tpu.vector_load %arg13[%swap3A_37] {strides = array<i32>} : memref<128xf32, #tpu.memory_space<vmem>>, vector<16xf32>,
    %swap3A_39 = vector.shape_cast %swap3A_38 : vector<16xf32> to vector<16xf32>
    %swap3A_40 = vector.shape_cast %broadcast_in_dim3A_36 : vector<16xf32> to vector<16xf32>
    tpu.vector_store %arg13[%swap3A_37], %swap3A_40 {strides = array<i32>} : memref<128xf32, #tpu.memory_space<vmem>>, vector<16xf32>,
    %broadcast_in_dim3A_41 = arith.constant 1.000000e+00 : f32
    %broadcast_in_dim3A_42 = vector.broadcast %broadcast_in_dim3A_41 : f32 to vector<16xf32>
    %swap3A_43 = arith.constant 96 : index
    %swap3A_44 = tpu.vector_load %arg13[%swap3A_43] {strides = array<i32>} : memref<128xf32, #tpu.memory_space<vmem>>, vector<16xf32>,
    %swap3A_45 = vector.shape_cast %swap3A_44 : vector<16xf32> to vector<16xf32>
    %swap3A_46 = vector.shape_cast %broadcast_in_dim3A_42 : vector<16xf32> to vector<16xf32>
    tpu.vector_store %arg13[%swap3A_43], %swap3A_46 {strides = array<i32>} : memref<128xf32, #tpu.memory_space<vmem>>, vector<16xf32>,
    %broadcast_in_dim3A_47 = arith.constant 1.000000e+00 : f32
    %broadcast_in_dim3A_48 = vector.broadcast %broadcast_in_dim3A_47 : f32 to vector<16xf32>
    %swap3A_49 = arith.constant 112 : index
    %swap3A_50 = tpu.vector_load %arg13[%swap3A_49] {strides = array<i32>} : memref<128xf32, #tpu.memory_space<vmem>>, vector<16xf32>,
    %swap3A_51 = vector.shape_cast %swap3A_50 : vector<16xf32> to vector<16xf32>
    %swap3A_52 = vector.shape_cast %broadcast_in_dim3A_48 : vector<16xf32> to vector<16xf32>
    tpu.vector_store %arg13[%swap3A_49], %swap3A_52 {strides = array<i32>} : memref<128xf32, #tpu.memory_space<vmem>>, vector<16xf32>,
    %scan3A = arith.constant 0 : i32
    %scan3A_53 = arith.constant 128 : i32
    %scan3A_54 = arith.addi %scan3A, %scan3A_53 : i32
    %scan3A_55 = arith.constant 1 : i32
    scf.for %scan3A_102 = %scan3A to %scan3A_54 step %scan3A_55  : i32 {
      %mul3A_103 = arith.constant 1 : i32
      %mul3A_104 = arith.muli %scan3A_102, %mul3A_103 : i32
      %add3A_105 = arith.constant 0 : i32
      %add3A_106 = arith.addi %add3A_105, %mul3A_104 : i32
      %broadcast_in_dim3A_107 = arith.constant 0.000000e+00 : f32
      %broadcast_in_dim3A_108 = vector.broadcast %broadcast_in_dim3A_107 : f32 to vector<16xf32>
      %swap3A_109 = arith.index_cast %add3A_106 : i32 to index
      %swap3A_110 = arith.constant 0 : index
      %swap3A_111 = tpu.vector_load %arg11[%swap3A_109, %swap3A_110] {strides = array<i32>} : memref<128x128xf32, #tpu.memory_space<vmem>>, vector<1x16xf32>,
      %swap3A_112 = vector.shape_cast %swap3A_111 : vector<1x16xf32> to vector<16xf32>
      %swap3A_113 = vector.shape_cast %broadcast_in_dim3A_108 : vector<16xf32> to vector<1x16xf32>
      tpu.vector_store %arg11[%swap3A_109, %swap3A_110], %swap3A_113 {strides = array<i32>} : memref<128x128xf32, #tpu.memory_space<vmem>>, vector<1x16xf32>,
      %broadcast_in_dim3A_114 = arith.constant 0.000000e+00 : f32
      %broadcast_in_dim3A_115 = vector.broadcast %broadcast_in_dim3A_114 : f32 to vector<16xf32>
      %swap3A_116 = arith.index_cast %add3A_106 : i32 to index
      %swap3A_117 = arith.constant 16 : index
      %swap3A_118 = tpu.vector_load %arg11[%swap3A_116, %swap3A_117] {strides = array<i32>} : memref<128x128xf32, #tpu.memory_space<vmem>>, vector<1x16xf32>,
      %swap3A_119 = vector.shape_cast %swap3A_118 : vector<1x16xf32> to vector<16xf32>
      %swap3A_120 = vector.shape_cast %broadcast_in_dim3A_115 : vector<16xf32> to vector<1x16xf32>
      tpu.vector_store %arg11[%swap3A_116, %swap3A_117], %swap3A_120 {strides = array<i32>} : memref<128x128xf32, #tpu.memory_space<vmem>>, vector<1x16xf32>,
      %broadcast_in_dim3A_121 = arith.constant 0.000000e+00 : f32
      %broadcast_in_dim3A_122 = vector.broadcast %broadcast_in_dim3A_121 : f32 to vector<16xf32>
      %swap3A_123 = arith.index_cast %add3A_106 : i32 to index
      %swap3A_124 = arith.constant 32 : index
      %swap3A_125 = tpu.vector_load %arg11[%swap3A_123, %swap3A_124] {strides = array<i32>} : memref<128x128xf32, #tpu.memory_space<vmem>>, vector<1x16xf32>,
      %swap3A_126 = vector.shape_cast %swap3A_125 : vector<1x16xf32> to vector<16xf32>
      %swap3A_127 = vector.shape_cast %broadcast_in_dim3A_122 : vector<16xf32> to vector<1x16xf32>
      tpu.vector_store %arg11[%swap3A_123, %swap3A_124], %swap3A_127 {strides = array<i32>} : memref<128x128xf32, #tpu.memory_space<vmem>>, vector<1x16xf32>,
      %broadcast_in_dim3A_128 = arith.constant 0.000000e+00 : f32
      %broadcast_in_dim3A_129 = vector.broadcast %broadcast_in_dim3A_128 : f32 to vector<16xf32>
      %swap3A_130 = arith.index_cast %add3A_106 : i32 to index
      %swap3A_131 = arith.constant 48 : index
      %swap3A_132 = tpu.vector_load %arg11[%swap3A_130, %swap3A_131] {strides = array<i32>} : memref<128x128xf32, #tpu.memory_space<vmem>>, vector<1x16xf32>,
      %swap3A_133 = vector.shape_cast %swap3A_132 : vector<1x16xf32> to vector<16xf32>
      %swap3A_134 = vector.shape_cast %broadcast_in_dim3A_129 : vector<16xf32> to vector<1x16xf32>
      tpu.vector_store %arg11[%swap3A_130, %swap3A_131], %swap3A_134 {strides = array<i32>} : memref<128x128xf32, #tpu.memory_space<vmem>>, vector<1x16xf32>,
      %broadcast_in_dim3A_135 = arith.constant 0.000000e+00 : f32
      %broadcast_in_dim3A_136 = vector.broadcast %broadcast_in_dim3A_135 : f32 to vector<16xf32>
      %swap3A_137 = arith.index_cast %add3A_106 : i32 to index
      %swap3A_138 = arith.constant 64 : index
      %swap3A_139 = tpu.vector_load %arg11[%swap3A_137, %swap3A_138] {strides = array<i32>} : memref<128x128xf32, #tpu.memory_space<vmem>>, vector<1x16xf32>,
      %swap3A_140 = vector.shape_cast %swap3A_139 : vector<1x16xf32> to vector<16xf32>
      %swap3A_141 = vector.shape_cast %broadcast_in_dim3A_136 : vector<16xf32> to vector<1x16xf32>
      tpu.vector_store %arg11[%swap3A_137, %swap3A_138], %swap3A_141 {strides = array<i32>} : memref<128x128xf32, #tpu.memory_space<vmem>>, vector<1x16xf32>,
      %broadcast_in_dim3A_142 = arith.constant 0.000000e+00 : f32
      %broadcast_in_dim3A_143 = vector.broadcast %broadcast_in_dim3A_142 : f32 to vector<16xf32>
      %swap3A_144 = arith.index_cast %add3A_106 : i32 to index
      %swap3A_145 = arith.constant 80 : index
      %swap3A_146 = tpu.vector_load %arg11[%swap3A_144, %swap3A_145] {strides = array<i32>} : memref<128x128xf32, #tpu.memory_space<vmem>>, vector<1x16xf32>,
      %swap3A_147 = vector.shape_cast %swap3A_146 : vector<1x16xf32> to vector<16xf32>
      %swap3A_148 = vector.shape_cast %broadcast_in_dim3A_143 : vector<16xf32> to vector<1x16xf32>
      tpu.vector_store %arg11[%swap3A_144, %swap3A_145], %swap3A_148 {strides = array<i32>} : memref<128x128xf32, #tpu.memory_space<vmem>>, vector<1x16xf32>,
      %broadcast_in_dim3A_149 = arith.constant 0.000000e+00 : f32
      %broadcast_in_dim3A_150 = vector.broadcast %broadcast_in_dim3A_149 : f32 to vector<16xf32>
      %swap3A_151 = arith.index_cast %add3A_106 : i32 to index
      %swap3A_152 = arith.constant 96 : index
      %swap3A_153 = tpu.vector_load %arg11[%swap3A_151, %swap3A_152] {strides = array<i32>} : memref<128x128xf32, #tpu.memory_space<vmem>>, vector<1x16xf32>,
      %swap3A_154 = vector.shape_cast %swap3A_153 : vector<1x16xf32> to vector<16xf32>
      %swap3A_155 = vector.shape_cast %broadcast_in_dim3A_150 : vector<16xf32> to vector<1x16xf32>
      tpu.vector_store %arg11[%swap3A_151, %swap3A_152], %swap3A_155 {strides = array<i32>} : memref<128x128xf32, #tpu.memory_space<vmem>>, vector<1x16xf32>,
      %broadcast_in_dim3A_156 = arith.constant 0.000000e+00 : f32
      %broadcast_in_dim3A_157 = vector.broadcast %broadcast_in_dim3A_156 : f32 to vector<16xf32>
      %swap3A_158 = arith.index_cast %add3A_106 : i32 to index
      %swap3A_159 = arith.constant 112 : index
      %swap3A_160 = tpu.vector_load %arg11[%swap3A_158, %swap3A_159] {strides = array<i32>} : memref<128x128xf32, #tpu.memory_space<vmem>>, vector<1x16xf32>,
      %swap3A_161 = vector.shape_cast %swap3A_160 : vector<1x16xf32> to vector<16xf32>
      %swap3A_162 = vector.shape_cast %broadcast_in_dim3A_157 : vector<16xf32> to vector<1x16xf32>
      tpu.vector_store %arg11[%swap3A_158, %swap3A_159], %swap3A_162 {strides = array<i32>} : memref<128x128xf32, #tpu.memory_space<vmem>>, vector<1x16xf32>,
    }
    %scan3A_56 = arith.constant 128 : i32
    %scan3A_57 = arith.constant 0 : i32
    %scan3A_58 = arith.constant 5 : i32
    %scan3A_59 = arith.addi %scan3A_57, %scan3A_58 : i32
    %scan3A_60 = arith.constant 1 : i32
    scf.for %scan3A_102 = %scan3A_57 to %scan3A_59 step %scan3A_60  : i32 {
      %mul3A_103 = arith.constant 1 : i32
      %mul3A_104 = arith.muli %scan3A_102, %mul3A_103 : i32
      %add3A_105 = arith.constant 0 : i32
      %add3A_106 = arith.addi %add3A_105, %mul3A_104 : i32
      %mul3A_107 = arith.constant 160 : i32
      %mul3A_108 = arith.muli %arg1, %mul3A_107 : i32
      %mul3A_109 = arith.constant 32 : i32
      %mul3A_110 = arith.muli %add3A_106, %mul3A_109 : i32
      %add3A_111 = arith.addi %mul3A_108, %mul3A_110 : i32
      "tpu.region"() ({
        %run_scoped3A_117 = tpu.sem_alloc : memref<!tpu.dma_semaphore, #tpu.memory_space<semaphore_mem>>
        %dma_start3A_118 = arith.constant 0 : i32
        %dma_start3A_119 = arith.constant 0 : i32
        %dma_start3A_120 = tpu.memref_slice %arg11[%dma_start3A_118, %dma_start3A_119] : memref<128x128xf32, #tpu.memory_space<vmem>> -> memref<32x128xf32, #tpu.memory_space<vmem>>
        %dma_start3A_121 = arith.constant 0 : i32
        %dma_start3A_122 = tpu.memref_slice %arg16[%add3A_111, %dma_start3A_121] : memref<2560x128xf32, #tpu.memory_space<vmem_shared>> -> memref<32x128xf32, #tpu.memory_space<vmem_shared>>
        %dma_start3A_123 = arith.constant 0 : i32
        %dma_start3A_124 = tpu.memref_slice %arg16[%add3A_111, %dma_start3A_123] : memref<2560x128xf32, #tpu.memory_space<vmem_shared>> -> memref<32x128xf32, #tpu.memory_space<vmem_shared>>
        %dma_start3A_125 = arith.constant 0 : i32
        %dma_start3A_126 = arith.constant 0 : i32
        %dma_start3A_127 = tpu.memref_slice %arg11[%dma_start3A_125, %dma_start3A_126] : memref<128x128xf32, #tpu.memory_space<vmem>> -> memref<32x128xf32, #tpu.memory_space<vmem>>
        tpu.enqueue_dma source(%dma_start3A_127 : memref<32x128xf32, #tpu.memory_space<vmem>>) target(%dma_start3A_124 : memref<32x128xf32, #tpu.memory_space<vmem_shared>>) target_semaphore(%run_scoped3A_117 : memref<!tpu.dma_semaphore, #tpu.memory_space<semaphore_mem>>)
        %dma_wait3A_128 = arith.constant 0 : i32
        %dma_wait3A_129 = arith.constant 0 : i32
        %dma_wait3A_130 = tpu.memref_slice %arg11[%dma_wait3A_128, %dma_wait3A_129] : memref<128x128xf32, #tpu.memory_space<vmem>> -> memref<32x128xf32, #tpu.memory_space<vmem>>
        %dma_wait3A_131 = arith.constant 0 : i32
        %dma_wait3A_132 = tpu.memref_slice %arg16[%add3A_111, %dma_wait3A_131] : memref<2560x128xf32, #tpu.memory_space<vmem_shared>> -> memref<32x128xf32, #tpu.memory_space<vmem_shared>>
        %dma_wait3A_133 = arith.constant 0 : i32
        %dma_wait3A_134 = tpu.memref_slice %arg16[%add3A_111, %dma_wait3A_133] : memref<2560x128xf32, #tpu.memory_space<vmem_shared>> -> memref<32x128xf32, #tpu.memory_space<vmem_shared>>
        %dma_wait3A_135 = arith.constant 0 : i32
        %dma_wait3A_136 = arith.constant 0 : i32
        %dma_wait3A_137 = tpu.memref_slice %arg11[%dma_wait3A_135, %dma_wait3A_136] : memref<128x128xf32, #tpu.memory_space<vmem>> -> memref<32x128xf32, #tpu.memory_space<vmem>>
        tpu.wait_dma2 semaphore(%run_scoped3A_117 : memref<!tpu.dma_semaphore, #tpu.memory_space<semaphore_mem>>) src(%dma_wait3A_137 : memref<32x128xf32, #tpu.memory_space<vmem>>) dst(%dma_wait3A_134 : memref<32x128xf32, #tpu.memory_space<vmem_shared>>)
        tpu.yield
      }) : () -> ()
      %mul3A_112 = arith.constant 160 : i32
      %mul3A_113 = arith.muli %arg1, %mul3A_112 : i32
      %mul3A_114 = arith.constant 32 : i32
      %mul3A_115 = arith.muli %add3A_106, %mul3A_114 : i32
      %add3A_116 = arith.addi %mul3A_113, %mul3A_115 : i32
      %run_scoped3A = arith.constant 0 : i32
      "tpu.region"() ({
        %run_scoped3A_117 = tpu.sem_alloc : memref<!tpu.dma_semaphore, #tpu.memory_space<semaphore_mem>>
        %dma_start3A_118 = arith.constant 0 : i32
        %dma_start3A_119 = tpu.memref_slice %arg11[%run_scoped3A, %dma_start3A_118] : memref<128x128xf32, #tpu.memory_space<vmem>> -> memref<1x32xf32, #tpu.memory_space<vmem>>
        %dma_start3A_120 = tpu.memref_squeeze %dma_start3A_119 : memref<1x32xf32, #tpu.memory_space<vmem>> -> memref<32xf32, #tpu.memory_space<vmem>>
        %dma_start3A_121 = tpu.memref_slice %arg17[%add3A_116] : memref<2560xf32, #tpu.memory_space<vmem_shared>> -> memref<32xf32, #tpu.memory_space<vmem_shared>>
        %dma_start3A_122 = tpu.memref_slice %arg17[%add3A_116] : memref<2560xf32, #tpu.memory_space<vmem_shared>> -> memref<32xf32, #tpu.memory_space<vmem_shared>>
        %dma_start3A_123 = arith.constant 0 : i32
        %dma_start3A_124 = tpu.memref_slice %arg11[%run_scoped3A, %dma_start3A_123] : memref<128x128xf32, #tpu.memory_space<vmem>> -> memref<1x32xf32, #tpu.memory_space<vmem>>
        %dma_start3A_125 = tpu.memref_squeeze %dma_start3A_124 : memref<1x32xf32, #tpu.memory_space<vmem>> -> memref<32xf32, #tpu.memory_space<vmem>>
        tpu.enqueue_dma source(%dma_start3A_125 : memref<32xf32, #tpu.memory_space<vmem>>) target(%dma_start3A_122 : memref<32xf32, #tpu.memory_space<vmem_shared>>) target_semaphore(%run_scoped3A_117 : memref<!tpu.dma_semaphore, #tpu.memory_space<semaphore_mem>>)
        %dma_wait3A_126 = arith.constant 0 : i32
        %dma_wait3A_127 = tpu.memref_slice %arg11[%run_scoped3A, %dma_wait3A_126] : memref<128x128xf32, #tpu.memory_space<vmem>> -> memref<1x32xf32, #tpu.memory_space<vmem>>
        %dma_wait3A_128 = tpu.memref_squeeze %dma_wait3A_127 : memref<1x32xf32, #tpu.memory_space<vmem>> -> memref<32xf32, #tpu.memory_space<vmem>>
        %dma_wait3A_129 = tpu.memref_slice %arg17[%add3A_116] : memref<2560xf32, #tpu.memory_space<vmem_shared>> -> memref<32xf32, #tpu.memory_space<vmem_shared>>
        %dma_wait3A_130 = tpu.memref_slice %arg17[%add3A_116] : memref<2560xf32, #tpu.memory_space<vmem_shared>> -> memref<32xf32, #tpu.memory_space<vmem_shared>>
        %dma_wait3A_131 = arith.constant 0 : i32
        %dma_wait3A_132 = tpu.memref_slice %arg11[%run_scoped3A, %dma_wait3A_131] : memref<128x128xf32, #tpu.memory_space<vmem>> -> memref<1x32xf32, #tpu.memory_space<vmem>>
        %dma_wait3A_133 = tpu.memref_squeeze %dma_wait3A_132 : memref<1x32xf32, #tpu.memory_space<vmem>> -> memref<32xf32, #tpu.memory_space<vmem>>
        tpu.wait_dma2 semaphore(%run_scoped3A_117 : memref<!tpu.dma_semaphore, #tpu.memory_space<semaphore_mem>>) src(%dma_wait3A_133 : memref<32xf32, #tpu.memory_space<vmem>>) dst(%dma_wait3A_130 : memref<32xf32, #tpu.memory_space<vmem_shared>>)
        tpu.yield
      }) : () -> ()
    }
    %scan3A_61 = arith.constant 5 : i32
    %mul3A_62 = arith.constant 160 : i32
    %mul3A_63 = arith.muli %arg1, %mul3A_62 : i32
    "tpu.region"() ({
      %run_scoped3A = tpu.sem_alloc : memref<!tpu.dma_semaphore, #tpu.memory_space<semaphore_mem>>
      %dma_start3A_102 = arith.constant 0 : i32
      %dma_start3A_103 = tpu.memref_slice %arg15[%mul3A_63, %dma_start3A_102] : memref<2560x128xf32, #tpu.memory_space<vmem_shared>> -> memref<160x128xf32, #tpu.memory_space<vmem_shared>>
      %dma_start3A_104 = arith.constant 0 : i32
      %dma_start3A_105 = tpu.memref_slice %arg2[%mul3A_63, %dma_start3A_104] : memref<2560x128xf32, #tpu.memory_space<hbm>> -> memref<160x128xf32, #tpu.memory_space<hbm>>
      tpu.enqueue_dma source(%dma_start3A_105 : memref<160x128xf32, #tpu.memory_space<hbm>>) target(%dma_start3A_103 : memref<160x128xf32, #tpu.memory_space<vmem_shared>>) target_semaphore(%run_scoped3A : memref<!tpu.dma_semaphore, #tpu.memory_space<semaphore_mem>>)
      %dma_wait3A_106 = arith.constant 0 : i32
      %dma_wait3A_107 = tpu.memref_slice %arg15[%mul3A_63, %dma_wait3A_106] : memref<2560x128xf32, #tpu.memory_space<vmem_shared>> -> memref<160x128xf32, #tpu.memory_space<vmem_shared>>
      %dma_wait3A_108 = arith.constant 0 : i32
      %dma_wait3A_109 = tpu.memref_slice %arg2[%mul3A_63, %dma_wait3A_108] : memref<2560x128xf32, #tpu.memory_space<hbm>> -> memref<160x128xf32, #tpu.memory_space<hbm>>
      tpu.wait_dma2 semaphore(%run_scoped3A : memref<!tpu.dma_semaphore, #tpu.memory_space<semaphore_mem>>) src(%dma_wait3A_109 : memref<160x128xf32, #tpu.memory_space<hbm>>) dst(%dma_wait3A_107 : memref<160x128xf32, #tpu.memory_space<vmem_shared>>)
      tpu.yield
    }) : () -> ()
    %barrier3A = arith.constant 0 : index
    tpu.barrier barrier_id(%barrier3A)
    %get3A = arith.constant 0 : index
    %get3A_64 = tpu.vector_load %arg10[%get3A] {strides = array<i32>} : memref<16xi32, #tpu.memory_space<vmem>>, vector<16xi32>,
    %get3A_65 = vector.shape_cast %get3A_64 : vector<16xi32> to vector<16xi32>
    %slice3A = vector.extract_strided_slice %get3A_65 {offsets = [0], sizes = [1], strides = [1]} : vector<16xi32> to vector<1xi32>
    %squeeze3A = vector.extract %slice3A[0] : i32 from vector<1xi32>
    %dma_start3A = arith.constant 0 : i32
    %dma_start3A_66 = arith.constant 0 : i32
    %dma_start3A_67 = tpu.memref_slice %arg8[%dma_start3A, %dma_start3A_66] : memref<48x128xi32, #tpu.memory_space<vmem>> -> memref<1x128xi32, #tpu.memory_space<vmem>>
    %dma_start3A_68 = tpu.memref_squeeze %dma_start3A_67 : memref<1x128xi32, #tpu.memory_space<vmem>> -> memref<128xi32, #tpu.memory_space<vmem>>
    %dma_start3A_69 = arith.constant 0 : i32
    %dma_start3A_70 = arith.constant 0 : i32
    %dma_start3A_71 = tpu.memref_slice %arg15[%dma_start3A_69, %dma_start3A_70] : memref<2560x128xf32, #tpu.memory_space<vmem_shared>> -> memref<2560x128xf32, #tpu.memory_space<vmem_shared>>
    tpu.enqueue_indirect_dma source(%dma_start3A_71 : memref<2560x128xf32, #tpu.memory_space<vmem_shared>>) target(%arg11 : memref<128x128xf32, #tpu.memory_space<vmem>>) offsets(%dma_start3A_68 : memref<128xi32, #tpu.memory_space<vmem>>) semaphore(%arg18 : memref<!tpu.dma_semaphore, #tpu.memory_space<semaphore_mem>>)
    %sub3A = arith.constant 0 : i32
    %sub3A_72 = arith.subi %squeeze3A, %sub3A : i32
    %sub3A_73 = arith.constant 1 : i32
    %sub3A_74 = arith.constant 1 : i32
    %sub3A_75 = arith.subi %sub3A_73, %sub3A_74 : i32
    %add3A_76 = arith.addi %sub3A_72, %sub3A_75 : i32
    %div3A = arith.constant 1 : i32
    %div3A_77 = arith.divsi %add3A_76, %div3A : i32
    %while3A = arith.constant 1 : i32
    %while3A_78 = arith.constant 0 : i32
    %while3A_79 = arith.constant 0 : i32
    %while3A_80 = arith.subi %div3A_77, %while3A_79 : i32
    %while3A_81 = arith.addi %while3A_79, %while3A_80 : i32
    %while3A_82 = arith.constant 1 : i32
    %while3A_83 = arith.divsi %while3A_80, %while3A_82 : i32
    %while3A_84 = arith.muli %while3A_83, %while3A_82 : i32
    %while3A_85 = arith.addi %while3A_79, %while3A_84 : i32
    %while3A_86 = arith.constant 1 : i32
    scf.for %while3A_102 = %while3A_79 to %while3A_85 step %while3A_86  : i32 {
      %mul3A_103 = arith.muli %while3A_102, %while3A : i32
      %add3A_104 = arith.addi %while3A_78, %mul3A_103 : i32
      %mul3A_105 = arith.constant 2 : i32
      %mul3A_106 = arith.muli %mul3A_105, %add3A_104 : i32
      %add3A_107 = arith.constant 1 : i32
      %add3A_108 = arith.addi %mul3A_106, %add3A_107 : i32
      %dma_start3A_109 = arith.constant 0 : i32
      %dma_start3A_110 = tpu.memref_slice %arg8[%add3A_108, %dma_start3A_109] : memref<48x128xi32, #tpu.memory_space<vmem>> -> memref<1x128xi32, #tpu.memory_space<vmem>>
      %dma_start3A_111 = tpu.memref_squeeze %dma_start3A_110 : memref<1x128xi32, #tpu.memory_space<vmem>> -> memref<128xi32, #tpu.memory_space<vmem>>
      %dma_start3A_112 = arith.constant 0 : i32
      %dma_start3A_113 = arith.constant 0 : i32
      %dma_start3A_114 = tpu.memref_slice %arg15[%dma_start3A_112, %dma_start3A_113] : memref<2560x128xf32, #tpu.memory_space<vmem_shared>> -> memref<2560x128xf32, #tpu.memory_space<vmem_shared>>
      tpu.enqueue_indirect_dma source(%dma_start3A_114 : memref<2560x128xf32, #tpu.memory_space<vmem_shared>>) target(%arg12 : memref<128x128xf32, #tpu.memory_space<vmem>>) offsets(%dma_start3A_111 : memref<128xi32, #tpu.memory_space<vmem>>) semaphore(%arg19 : memref<!tpu.dma_semaphore, #tpu.memory_space<semaphore_mem>>)
      %dma_wait3A_115 = arith.constant 0 : i32
      %dma_wait3A_116 = tpu.memref_slice %arg8[%mul3A_106, %dma_wait3A_115] : memref<48x128xi32, #tpu.memory_space<vmem>> -> memref<1x128xi32, #tpu.memory_space<vmem>>
      %dma_wait3A_117 = tpu.memref_squeeze %dma_wait3A_116 : memref<1x128xi32, #tpu.memory_space<vmem>> -> memref<128xi32, #tpu.memory_space<vmem>>
      %dma_wait3A_118 = arith.constant 0 : i32
      %dma_wait3A_119 = arith.constant 0 : i32
      %dma_wait3A_120 = tpu.memref_slice %arg15[%dma_wait3A_118, %dma_wait3A_119] : memref<2560x128xf32, #tpu.memory_space<vmem_shared>> -> memref<2560x128xf32, #tpu.memory_space<vmem_shared>>
      tpu.wait_indirect_dma semaphore(%arg18 : memref<!tpu.dma_semaphore, #tpu.memory_space<semaphore_mem>>) src(%dma_wait3A_120 : memref<2560x128xf32, #tpu.memory_space<vmem_shared>>) dst(%arg11 : memref<128x128xf32, #tpu.memory_space<vmem>>)
      %dma_start3A_121 = arith.constant 0 : i32
      %dma_start3A_122 = tpu.memref_slice %arg9[%mul3A_106, %dma_start3A_121] : memref<48x128xi32, #tpu.memory_space<vmem>> -> memref<1x128xi32, #tpu.memory_space<vmem>>
      %dma_start3A_123 = tpu.memref_squeeze %dma_start3A_122 : memref<1x128xi32, #tpu.memory_space<vmem>> -> memref<128xi32, #tpu.memory_space<vmem>>
      %dma_start3A_124 = arith.constant 0 : i32
      %dma_start3A_125 = tpu.memref_slice %arg17[%dma_start3A_124] : memref<2560xf32, #tpu.memory_space<vmem_shared>> -> memref<2560xf32, #tpu.memory_space<vmem_shared>>
      tpu.enqueue_indirect_dma source(%arg13 : memref<128xf32, #tpu.memory_space<vmem>>) target(%dma_start3A_125 : memref<2560xf32, #tpu.memory_space<vmem_shared>>) offsets(%dma_start3A_123 : memref<128xi32, #tpu.memory_space<vmem>>) semaphore(%arg20 : memref<!tpu.dma_semaphore, #tpu.memory_space<semaphore_mem>>) {add = true}
      "tpu.region"() ({
        %run_scoped3A = tpu.sem_alloc : memref<!tpu.dma_semaphore, #tpu.memory_space<semaphore_mem>>
        %dma_start3A_161 = arith.constant 0 : i32
        %dma_start3A_162 = tpu.memref_slice %arg9[%mul3A_106, %dma_start3A_161] : memref<48x128xi32, #tpu.memory_space<vmem>> -> memref<1x128xi32, #tpu.memory_space<vmem>>
        %dma_start3A_163 = tpu.memref_squeeze %dma_start3A_162 : memref<1x128xi32, #tpu.memory_space<vmem>> -> memref<128xi32, #tpu.memory_space<vmem>>
        %dma_start3A_164 = arith.constant 0 : i32
        %dma_start3A_165 = arith.constant 0 : i32
        %dma_start3A_166 = tpu.memref_slice %arg16[%dma_start3A_164, %dma_start3A_165] : memref<2560x128xf32, #tpu.memory_space<vmem_shared>> -> memref<2560x128xf32, #tpu.memory_space<vmem_shared>>
        tpu.enqueue_indirect_dma source(%arg11 : memref<128x128xf32, #tpu.memory_space<vmem>>) target(%dma_start3A_166 : memref<2560x128xf32, #tpu.memory_space<vmem_shared>>) offsets(%dma_start3A_163 : memref<128xi32, #tpu.memory_space<vmem>>) semaphore(%run_scoped3A : memref<!tpu.dma_semaphore, #tpu.memory_space<semaphore_mem>>) {add = true}
        %dma_wait3A_167 = arith.constant 0 : i32
        %dma_wait3A_168 = tpu.memref_slice %arg9[%mul3A_106, %dma_wait3A_167] : memref<48x128xi32, #tpu.memory_space<vmem>> -> memref<1x128xi32, #tpu.memory_space<vmem>>
        %dma_wait3A_169 = tpu.memref_squeeze %dma_wait3A_168 : memref<1x128xi32, #tpu.memory_space<vmem>> -> memref<128xi32, #tpu.memory_space<vmem>>
        %dma_wait3A_170 = arith.constant 0 : i32
        %dma_wait3A_171 = arith.constant 0 : i32
        %dma_wait3A_172 = tpu.memref_slice %arg16[%dma_wait3A_170, %dma_wait3A_171] : memref<2560x128xf32, #tpu.memory_space<vmem_shared>> -> memref<2560x128xf32, #tpu.memory_space<vmem_shared>>
        tpu.wait_indirect_dma semaphore(%run_scoped3A : memref<!tpu.dma_semaphore, #tpu.memory_space<semaphore_mem>>) src(%arg11 : memref<128x128xf32, #tpu.memory_space<vmem>>) dst(%dma_wait3A_172 : memref<2560x128xf32, #tpu.memory_space<vmem_shared>>)
        tpu.yield
      }) : () -> ()
      %add3A_126 = arith.constant 2 : i32
      %add3A_127 = arith.addi %mul3A_106, %add3A_126 : i32
      %dma_start3A_128 = arith.constant 0 : i32
      %dma_start3A_129 = tpu.memref_slice %arg8[%add3A_127, %dma_start3A_128] : memref<48x128xi32, #tpu.memory_space<vmem>> -> memref<1x128xi32, #tpu.memory_space<vmem>>
      %dma_start3A_130 = tpu.memref_squeeze %dma_start3A_129 : memref<1x128xi32, #tpu.memory_space<vmem>> -> memref<128xi32, #tpu.memory_space<vmem>>
      %dma_start3A_131 = arith.constant 0 : i32
      %dma_start3A_132 = arith.constant 0 : i32
      %dma_start3A_133 = tpu.memref_slice %arg15[%dma_start3A_131, %dma_start3A_132] : memref<2560x128xf32, #tpu.memory_space<vmem_shared>> -> memref<2560x128xf32, #tpu.memory_space<vmem_shared>>
      tpu.enqueue_indirect_dma source(%dma_start3A_133 : memref<2560x128xf32, #tpu.memory_space<vmem_shared>>) target(%arg11 : memref<128x128xf32, #tpu.memory_space<vmem>>) offsets(%dma_start3A_130 : memref<128xi32, #tpu.memory_space<vmem>>) semaphore(%arg18 : memref<!tpu.dma_semaphore, #tpu.memory_space<semaphore_mem>>)
      %add3A_134 = arith.constant 1 : i32
      %add3A_135 = arith.addi %mul3A_106, %add3A_134 : i32
      %dma_wait3A_136 = arith.constant 0 : i32
      %dma_wait3A_137 = tpu.memref_slice %arg8[%add3A_135, %dma_wait3A_136] : memref<48x128xi32, #tpu.memory_space<vmem>> -> memref<1x128xi32, #tpu.memory_space<vmem>>
      %dma_wait3A_138 = tpu.memref_squeeze %dma_wait3A_137 : memref<1x128xi32, #tpu.memory_space<vmem>> -> memref<128xi32, #tpu.memory_space<vmem>>
      %dma_wait3A_139 = arith.constant 0 : i32
      %dma_wait3A_140 = arith.constant 0 : i32
      %dma_wait3A_141 = tpu.memref_slice %arg15[%dma_wait3A_139, %dma_wait3A_140] : memref<2560x128xf32, #tpu.memory_space<vmem_shared>> -> memref<2560x128xf32, #tpu.memory_space<vmem_shared>>
      tpu.wait_indirect_dma semaphore(%arg19 : memref<!tpu.dma_semaphore, #tpu.memory_space<semaphore_mem>>) src(%dma_wait3A_141 : memref<2560x128xf32, #tpu.memory_space<vmem_shared>>) dst(%arg12 : memref<128x128xf32, #tpu.memory_space<vmem>>)
      %add3A_142 = arith.constant 1 : i32
      %add3A_143 = arith.addi %mul3A_106, %add3A_142 : i32
      %dma_start3A_144 = arith.constant 0 : i32
      %dma_start3A_145 = tpu.memref_slice %arg9[%add3A_143, %dma_start3A_144] : memref<48x128xi32, #tpu.memory_space<vmem>> -> memref<1x128xi32, #tpu.memory_space<vmem>>
      %dma_start3A_146 = tpu.memref_squeeze %dma_start3A_145 : memref<1x128xi32, #tpu.memory_space<vmem>> -> memref<128xi32, #tpu.memory_space<vmem>>
      %dma_start3A_147 = arith.constant 0 : i32
      %dma_start3A_148 = tpu.memref_slice %arg17[%dma_start3A_147] : memref<2560xf32, #tpu.memory_space<vmem_shared>> -> memref<2560xf32, #tpu.memory_space<vmem_shared>>
      tpu.enqueue_indirect_dma source(%arg13 : memref<128xf32, #tpu.memory_space<vmem>>) target(%dma_start3A_148 : memref<2560xf32, #tpu.memory_space<vmem_shared>>) offsets(%dma_start3A_146 : memref<128xi32, #tpu.memory_space<vmem>>) semaphore(%arg20 : memref<!tpu.dma_semaphore, #tpu.memory_space<semaphore_mem>>) {add = true}
      %add3A_149 = arith.constant 1 : i32
      %add3A_150 = arith.addi %mul3A_106, %add3A_149 : i32
      "tpu.region"() ({
        %run_scoped3A = tpu.sem_alloc : memref<!tpu.dma_semaphore, #tpu.memory_space<semaphore_mem>>
        %dma_start3A_161 = arith.constant 0 : i32
        %dma_start3A_162 = tpu.memref_slice %arg9[%add3A_150, %dma_start3A_161] : memref<48x128xi32, #tpu.memory_space<vmem>> -> memref<1x128xi32, #tpu.memory_space<vmem>>
        %dma_start3A_163 = tpu.memref_squeeze %dma_start3A_162 : memref<1x128xi32, #tpu.memory_space<vmem>> -> memref<128xi32, #tpu.memory_space<vmem>>
        %dma_start3A_164 = arith.constant 0 : i32
        %dma_start3A_165 = arith.constant 0 : i32
        %dma_start3A_166 = tpu.memref_slice %arg16[%dma_start3A_164, %dma_start3A_165] : memref<2560x128xf32, #tpu.memory_space<vmem_shared>> -> memref<2560x128xf32, #tpu.memory_space<vmem_shared>>
        tpu.enqueue_indirect_dma source(%arg12 : memref<128x128xf32, #tpu.memory_space<vmem>>) target(%dma_start3A_166 : memref<2560x128xf32, #tpu.memory_space<vmem_shared>>) offsets(%dma_start3A_163 : memref<128xi32, #tpu.memory_space<vmem>>) semaphore(%run_scoped3A : memref<!tpu.dma_semaphore, #tpu.memory_space<semaphore_mem>>) {add = true}
        %dma_wait3A_167 = arith.constant 0 : i32
        %dma_wait3A_168 = tpu.memref_slice %arg9[%add3A_150, %dma_wait3A_167] : memref<48x128xi32, #tpu.memory_space<vmem>> -> memref<1x128xi32, #tpu.memory_space<vmem>>
        %dma_wait3A_169 = tpu.memref_squeeze %dma_wait3A_168 : memref<1x128xi32, #tpu.memory_space<vmem>> -> memref<128xi32, #tpu.memory_space<vmem>>
        %dma_wait3A_170 = arith.constant 0 : i32
        %dma_wait3A_171 = arith.constant 0 : i32
        %dma_wait3A_172 = tpu.memref_slice %arg16[%dma_wait3A_170, %dma_wait3A_171] : memref<2560x128xf32, #tpu.memory_space<vmem_shared>> -> memref<2560x128xf32, #tpu.memory_space<vmem_shared>>
        tpu.wait_indirect_dma semaphore(%run_scoped3A : memref<!tpu.dma_semaphore, #tpu.memory_space<semaphore_mem>>) src(%arg12 : memref<128x128xf32, #tpu.memory_space<vmem>>) dst(%dma_wait3A_172 : memref<2560x128xf32, #tpu.memory_space<vmem_shared>>)
        tpu.yield
      }) : () -> ()
      %dma_wait3A_151 = arith.constant 0 : i32
      %dma_wait3A_152 = tpu.memref_slice %arg9[%mul3A_106, %dma_wait3A_151] : memref<48x128xi32, #tpu.memory_space<vmem>> -> memref<1x128xi32, #tpu.memory_space<vmem>>
      %dma_wait3A_153 = tpu.memref_squeeze %dma_wait3A_152 : memref<1x128xi32, #tpu.memory_space<vmem>> -> memref<128xi32, #tpu.memory_space<vmem>>
      %dma_wait3A_154 = arith.constant 0 : i32
      %dma_wait3A_155 = tpu.memref_slice %arg17[%dma_wait3A_154] : memref<2560xf32, #tpu.memory_space<vmem_shared>> -> memref<2560xf32, #tpu.memory_space<vmem_shared>>
      tpu.wait_indirect_dma semaphore(%arg20 : memref<!tpu.dma_semaphore, #tpu.memory_space<semaphore_mem>>) src(%arg13 : memref<128xf32, #tpu.memory_space<vmem>>) dst(%dma_wait3A_155 : memref<2560xf32, #tpu.memory_space<vmem_shared>>)
      %dma_wait3A_156 = arith.constant 0 : i32
      %dma_wait3A_157 = tpu.memref_slice %arg9[%add3A_143, %dma_wait3A_156] : memref<48x128xi32, #tpu.memory_space<vmem>> -> memref<1x128xi32, #tpu.memory_space<vmem>>
      %dma_wait3A_158 = tpu.memref_squeeze %dma_wait3A_157 : memref<1x128xi32, #tpu.memory_space<vmem>> -> memref<128xi32, #tpu.memory_space<vmem>>
      %dma_wait3A_159 = arith.constant 0 : i32
      %dma_wait3A_160 = tpu.memref_slice %arg17[%dma_wait3A_159] : memref<2560xf32, #tpu.memory_space<vmem_shared>> -> memref<2560xf32, #tpu.memory_space<vmem_shared>>
      tpu.wait_indirect_dma semaphore(%arg20 : memref<!tpu.dma_semaphore, #tpu.memory_space<semaphore_mem>>) src(%arg13 : memref<128xf32, #tpu.memory_space<vmem>>) dst(%dma_wait3A_160 : memref<2560xf32, #tpu.memory_space<vmem_shared>>)
    }
    %while3A_87 = arith.constant 1 : i32
    scf.for %while3A_102 = %while3A_85 to %while3A_81 step %while3A_87  : i32 {
      %mul3A_103 = arith.muli %while3A_102, %while3A : i32
      %add3A_104 = arith.addi %while3A_78, %mul3A_103 : i32
      %mul3A_105 = arith.constant 2 : i32
      %mul3A_106 = arith.muli %mul3A_105, %add3A_104 : i32
      %add3A_107 = arith.constant 1 : i32
      %add3A_108 = arith.addi %mul3A_106, %add3A_107 : i32
      %dma_start3A_109 = arith.constant 0 : i32
      %dma_start3A_110 = tpu.memref_slice %arg8[%add3A_108, %dma_start3A_109] : memref<48x128xi32, #tpu.memory_space<vmem>> -> memref<1x128xi32, #tpu.memory_space<vmem>>
      %dma_start3A_111 = tpu.memref_squeeze %dma_start3A_110 : memref<1x128xi32, #tpu.memory_space<vmem>> -> memref<128xi32, #tpu.memory_space<vmem>>
      %dma_start3A_112 = arith.constant 0 : i32
      %dma_start3A_113 = arith.constant 0 : i32
      %dma_start3A_114 = tpu.memref_slice %arg15[%dma_start3A_112, %dma_start3A_113] : memref<2560x128xf32, #tpu.memory_space<vmem_shared>> -> memref<2560x128xf32, #tpu.memory_space<vmem_shared>>
      tpu.enqueue_indirect_dma source(%dma_start3A_114 : memref<2560x128xf32, #tpu.memory_space<vmem_shared>>) target(%arg12 : memref<128x128xf32, #tpu.memory_space<vmem>>) offsets(%dma_start3A_111 : memref<128xi32, #tpu.memory_space<vmem>>) semaphore(%arg19 : memref<!tpu.dma_semaphore, #tpu.memory_space<semaphore_mem>>)
      %dma_wait3A_115 = arith.constant 0 : i32
      %dma_wait3A_116 = tpu.memref_slice %arg8[%mul3A_106, %dma_wait3A_115] : memref<48x128xi32, #tpu.memory_space<vmem>> -> memref<1x128xi32, #tpu.memory_space<vmem>>
      %dma_wait3A_117 = tpu.memref_squeeze %dma_wait3A_116 : memref<1x128xi32, #tpu.memory_space<vmem>> -> memref<128xi32, #tpu.memory_space<vmem>>
      %dma_wait3A_118 = arith.constant 0 : i32
      %dma_wait3A_119 = arith.constant 0 : i32
      %dma_wait3A_120 = tpu.memref_slice %arg15[%dma_wait3A_118, %dma_wait3A_119] : memref<2560x128xf32, #tpu.memory_space<vmem_shared>> -> memref<2560x128xf32, #tpu.memory_space<vmem_shared>>
      tpu.wait_indirect_dma semaphore(%arg18 : memref<!tpu.dma_semaphore, #tpu.memory_space<semaphore_mem>>) src(%dma_wait3A_120 : memref<2560x128xf32, #tpu.memory_space<vmem_shared>>) dst(%arg11 : memref<128x128xf32, #tpu.memory_space<vmem>>)
      %dma_start3A_121 = arith.constant 0 : i32
      %dma_start3A_122 = tpu.memref_slice %arg9[%mul3A_106, %dma_start3A_121] : memref<48x128xi32, #tpu.memory_space<vmem>> -> memref<1x128xi32, #tpu.memory_space<vmem>>
      %dma_start3A_123 = tpu.memref_squeeze %dma_start3A_122 : memref<1x128xi32, #tpu.memory_space<vmem>> -> memref<128xi32, #tpu.memory_space<vmem>>
      %dma_start3A_124 = arith.constant 0 : i32
      %dma_start3A_125 = tpu.memref_slice %arg17[%dma_start3A_124] : memref<2560xf32, #tpu.memory_space<vmem_shared>> -> memref<2560xf32, #tpu.memory_space<vmem_shared>>
      tpu.enqueue_indirect_dma source(%arg13 : memref<128xf32, #tpu.memory_space<vmem>>) target(%dma_start3A_125 : memref<2560xf32, #tpu.memory_space<vmem_shared>>) offsets(%dma_start3A_123 : memref<128xi32, #tpu.memory_space<vmem>>) semaphore(%arg20 : memref<!tpu.dma_semaphore, #tpu.memory_space<semaphore_mem>>) {add = true}
      "tpu.region"() ({
        %run_scoped3A = tpu.sem_alloc : memref<!tpu.dma_semaphore, #tpu.memory_space<semaphore_mem>>
        %dma_start3A_161 = arith.constant 0 : i32
        %dma_start3A_162 = tpu.memref_slice %arg9[%mul3A_106, %dma_start3A_161] : memref<48x128xi32, #tpu.memory_space<vmem>> -> memref<1x128xi32, #tpu.memory_space<vmem>>
        %dma_start3A_163 = tpu.memref_squeeze %dma_start3A_162 : memref<1x128xi32, #tpu.memory_space<vmem>> -> memref<128xi32, #tpu.memory_space<vmem>>
        %dma_start3A_164 = arith.constant 0 : i32
        %dma_start3A_165 = arith.constant 0 : i32
        %dma_start3A_166 = tpu.memref_slice %arg16[%dma_start3A_164, %dma_start3A_165] : memref<2560x128xf32, #tpu.memory_space<vmem_shared>> -> memref<2560x128xf32, #tpu.memory_space<vmem_shared>>
        tpu.enqueue_indirect_dma source(%arg11 : memref<128x128xf32, #tpu.memory_space<vmem>>) target(%dma_start3A_166 : memref<2560x128xf32, #tpu.memory_space<vmem_shared>>) offsets(%dma_start3A_163 : memref<128xi32, #tpu.memory_space<vmem>>) semaphore(%run_scoped3A : memref<!tpu.dma_semaphore, #tpu.memory_space<semaphore_mem>>) {add = true}
        %dma_wait3A_167 = arith.constant 0 : i32
        %dma_wait3A_168 = tpu.memref_slice %arg9[%mul3A_106, %dma_wait3A_167] : memref<48x128xi32, #tpu.memory_space<vmem>> -> memref<1x128xi32, #tpu.memory_space<vmem>>
        %dma_wait3A_169 = tpu.memref_squeeze %dma_wait3A_168 : memref<1x128xi32, #tpu.memory_space<vmem>> -> memref<128xi32, #tpu.memory_space<vmem>>
        %dma_wait3A_170 = arith.constant 0 : i32
        %dma_wait3A_171 = arith.constant 0 : i32
        %dma_wait3A_172 = tpu.memref_slice %arg16[%dma_wait3A_170, %dma_wait3A_171] : memref<2560x128xf32, #tpu.memory_space<vmem_shared>> -> memref<2560x128xf32, #tpu.memory_space<vmem_shared>>
        tpu.wait_indirect_dma semaphore(%run_scoped3A : memref<!tpu.dma_semaphore, #tpu.memory_space<semaphore_mem>>) src(%arg11 : memref<128x128xf32, #tpu.memory_space<vmem>>) dst(%dma_wait3A_172 : memref<2560x128xf32, #tpu.memory_space<vmem_shared>>)
        tpu.yield
      }) : () -> ()
      %add3A_126 = arith.constant 2 : i32
      %add3A_127 = arith.addi %mul3A_106, %add3A_126 : i32
      %dma_start3A_128 = arith.constant 0 : i32
      %dma_start3A_129 = tpu.memref_slice %arg8[%add3A_127, %dma_start3A_128] : memref<48x128xi32, #tpu.memory_space<vmem>> -> memref<1x128xi32, #tpu.memory_space<vmem>>
      %dma_start3A_130 = tpu.memref_squeeze %dma_start3A_129 : memref<1x128xi32, #tpu.memory_space<vmem>> -> memref<128xi32, #tpu.memory_space<vmem>>
      %dma_start3A_131 = arith.constant 0 : i32
      %dma_start3A_132 = arith.constant 0 : i32
      %dma_start3A_133 = tpu.memref_slice %arg15[%dma_start3A_131, %dma_start3A_132] : memref<2560x128xf32, #tpu.memory_space<vmem_shared>> -> memref<2560x128xf32, #tpu.memory_space<vmem_shared>>
      tpu.enqueue_indirect_dma source(%dma_start3A_133 : memref<2560x128xf32, #tpu.memory_space<vmem_shared>>) target(%arg11 : memref<128x128xf32, #tpu.memory_space<vmem>>) offsets(%dma_start3A_130 : memref<128xi32, #tpu.memory_space<vmem>>) semaphore(%arg18 : memref<!tpu.dma_semaphore, #tpu.memory_space<semaphore_mem>>)
      %add3A_134 = arith.constant 1 : i32
      %add3A_135 = arith.addi %mul3A_106, %add3A_134 : i32
      %dma_wait3A_136 = arith.constant 0 : i32
      %dma_wait3A_137 = tpu.memref_slice %arg8[%add3A_135, %dma_wait3A_136] : memref<48x128xi32, #tpu.memory_space<vmem>> -> memref<1x128xi32, #tpu.memory_space<vmem>>
      %dma_wait3A_138 = tpu.memref_squeeze %dma_wait3A_137 : memref<1x128xi32, #tpu.memory_space<vmem>> -> memref<128xi32, #tpu.memory_space<vmem>>
      %dma_wait3A_139 = arith.constant 0 : i32
      %dma_wait3A_140 = arith.constant 0 : i32
      %dma_wait3A_141 = tpu.memref_slice %arg15[%dma_wait3A_139, %dma_wait3A_140] : memref<2560x128xf32, #tpu.memory_space<vmem_shared>> -> memref<2560x128xf32, #tpu.memory_space<vmem_shared>>
      tpu.wait_indirect_dma semaphore(%arg19 : memref<!tpu.dma_semaphore, #tpu.memory_space<semaphore_mem>>) src(%dma_wait3A_141 : memref<2560x128xf32, #tpu.memory_space<vmem_shared>>) dst(%arg12 : memref<128x128xf32, #tpu.memory_space<vmem>>)
      %add3A_142 = arith.constant 1 : i32
      %add3A_143 = arith.addi %mul3A_106, %add3A_142 : i32
      %dma_start3A_144 = arith.constant 0 : i32
      %dma_start3A_145 = tpu.memref_slice %arg9[%add3A_143, %dma_start3A_144] : memref<48x128xi32, #tpu.memory_space<vmem>> -> memref<1x128xi32, #tpu.memory_space<vmem>>
      %dma_start3A_146 = tpu.memref_squeeze %dma_start3A_145 : memref<1x128xi32, #tpu.memory_space<vmem>> -> memref<128xi32, #tpu.memory_space<vmem>>
      %dma_start3A_147 = arith.constant 0 : i32
      %dma_start3A_148 = tpu.memref_slice %arg17[%dma_start3A_147] : memref<2560xf32, #tpu.memory_space<vmem_shared>> -> memref<2560xf32, #tpu.memory_space<vmem_shared>>
      tpu.enqueue_indirect_dma source(%arg13 : memref<128xf32, #tpu.memory_space<vmem>>) target(%dma_start3A_148 : memref<2560xf32, #tpu.memory_space<vmem_shared>>) offsets(%dma_start3A_146 : memref<128xi32, #tpu.memory_space<vmem>>) semaphore(%arg20 : memref<!tpu.dma_semaphore, #tpu.memory_space<semaphore_mem>>) {add = true}
      %add3A_149 = arith.constant 1 : i32
      %add3A_150 = arith.addi %mul3A_106, %add3A_149 : i32
      "tpu.region"() ({
        %run_scoped3A = tpu.sem_alloc : memref<!tpu.dma_semaphore, #tpu.memory_space<semaphore_mem>>
        %dma_start3A_161 = arith.constant 0 : i32
        %dma_start3A_162 = tpu.memref_slice %arg9[%add3A_150, %dma_start3A_161] : memref<48x128xi32, #tpu.memory_space<vmem>> -> memref<1x128xi32, #tpu.memory_space<vmem>>
        %dma_start3A_163 = tpu.memref_squeeze %dma_start3A_162 : memref<1x128xi32, #tpu.memory_space<vmem>> -> memref<128xi32, #tpu.memory_space<vmem>>
        %dma_start3A_164 = arith.constant 0 : i32
        %dma_start3A_165 = arith.constant 0 : i32
        %dma_start3A_166 = tpu.memref_slice %arg16[%dma_start3A_164, %dma_start3A_165] : memref<2560x128xf32, #tpu.memory_space<vmem_shared>> -> memref<2560x128xf32, #tpu.memory_space<vmem_shared>>
        tpu.enqueue_indirect_dma source(%arg12 : memref<128x128xf32, #tpu.memory_space<vmem>>) target(%dma_start3A_166 : memref<2560x128xf32, #tpu.memory_space<vmem_shared>>) offsets(%dma_start3A_163 : memref<128xi32, #tpu.memory_space<vmem>>) semaphore(%run_scoped3A : memref<!tpu.dma_semaphore, #tpu.memory_space<semaphore_mem>>) {add = true}
        %dma_wait3A_167 = arith.constant 0 : i32
        %dma_wait3A_168 = tpu.memref_slice %arg9[%add3A_150, %dma_wait3A_167] : memref<48x128xi32, #tpu.memory_space<vmem>> -> memref<1x128xi32, #tpu.memory_space<vmem>>
        %dma_wait3A_169 = tpu.memref_squeeze %dma_wait3A_168 : memref<1x128xi32, #tpu.memory_space<vmem>> -> memref<128xi32, #tpu.memory_space<vmem>>
        %dma_wait3A_170 = arith.constant 0 : i32
        %dma_wait3A_171 = arith.constant 0 : i32
        %dma_wait3A_172 = tpu.memref_slice %arg16[%dma_wait3A_170, %dma_wait3A_171] : memref<2560x128xf32, #tpu.memory_space<vmem_shared>> -> memref<2560x128xf32, #tpu.memory_space<vmem_shared>>
        tpu.wait_indirect_dma semaphore(%run_scoped3A : memref<!tpu.dma_semaphore, #tpu.memory_space<semaphore_mem>>) src(%arg12 : memref<128x128xf32, #tpu.memory_space<vmem>>) dst(%dma_wait3A_172 : memref<2560x128xf32, #tpu.memory_space<vmem_shared>>)
        tpu.yield
      }) : () -> ()
      %dma_wait3A_151 = arith.constant 0 : i32
      %dma_wait3A_152 = tpu.memref_slice %arg9[%mul3A_106, %dma_wait3A_151] : memref<48x128xi32, #tpu.memory_space<vmem>> -> memref<1x128xi32, #tpu.memory_space<vmem>>
      %dma_wait3A_153 = tpu.memref_squeeze %dma_wait3A_152 : memref<1x128xi32, #tpu.memory_space<vmem>> -> memref<128xi32, #tpu.memory_space<vmem>>
      %dma_wait3A_154 = arith.constant 0 : i32
      %dma_wait3A_155 = tpu.memref_slice %arg17[%dma_wait3A_154] : memref<2560xf32, #tpu.memory_space<vmem_shared>> -> memref<2560xf32, #tpu.memory_space<vmem_shared>>
      tpu.wait_indirect_dma semaphore(%arg20 : memref<!tpu.dma_semaphore, #tpu.memory_space<semaphore_mem>>) src(%arg13 : memref<128xf32, #tpu.memory_space<vmem>>) dst(%dma_wait3A_155 : memref<2560xf32, #tpu.memory_space<vmem_shared>>)
      %dma_wait3A_156 = arith.constant 0 : i32
      %dma_wait3A_157 = tpu.memref_slice %arg9[%add3A_143, %dma_wait3A_156] : memref<48x128xi32, #tpu.memory_space<vmem>> -> memref<1x128xi32, #tpu.memory_space<vmem>>
      %dma_wait3A_158 = tpu.memref_squeeze %dma_wait3A_157 : memref<1x128xi32, #tpu.memory_space<vmem>> -> memref<128xi32, #tpu.memory_space<vmem>>
      %dma_wait3A_159 = arith.constant 0 : i32
      %dma_wait3A_160 = tpu.memref_slice %arg17[%dma_wait3A_159] : memref<2560xf32, #tpu.memory_space<vmem_shared>> -> memref<2560xf32, #tpu.memory_space<vmem_shared>>
      tpu.wait_indirect_dma semaphore(%arg20 : memref<!tpu.dma_semaphore, #tpu.memory_space<semaphore_mem>>) src(%arg13 : memref<128xf32, #tpu.memory_space<vmem>>) dst(%dma_wait3A_160 : memref<2560xf32, #tpu.memory_space<vmem_shared>>)
    }
    %dma_wait3A = arith.constant 0 : i32
    %dma_wait3A_88 = arith.constant 0 : i32
    %dma_wait3A_89 = tpu.memref_slice %arg8[%dma_wait3A, %dma_wait3A_88] : memref<48x128xi32, #tpu.memory_space<vmem>> -> memref<1x128xi32, #tpu.memory_space<vmem>>
    %dma_wait3A_90 = tpu.memref_squeeze %dma_wait3A_89 : memref<1x128xi32, #tpu.memory_space<vmem>> -> memref<128xi32, #tpu.memory_space<vmem>>
    %dma_wait3A_91 = arith.constant 0 : i32
    %dma_wait3A_92 = arith.constant 0 : i32
    %dma_wait3A_93 = tpu.memref_slice %arg15[%dma_wait3A_91, %dma_wait3A_92] : memref<2560x128xf32, #tpu.memory_space<vmem_shared>> -> memref<2560x128xf32, #tpu.memory_space<vmem_shared>>
    tpu.wait_indirect_dma semaphore(%arg18 : memref<!tpu.dma_semaphore, #tpu.memory_space<semaphore_mem>>) src(%dma_wait3A_93 : memref<2560x128xf32, #tpu.memory_space<vmem_shared>>) dst(%arg11 : memref<128x128xf32, #tpu.memory_space<vmem>>)
    %barrier3A_94 = arith.constant 0 : index
    tpu.barrier barrier_id(%barrier3A_94)
    %mul3A_95 = arith.constant 160 : i32
    %mul3A_96 = arith.muli %arg1, %mul3A_95 : i32
    "tpu.region"() ({
      %run_scoped3A = tpu.sem_alloc : memref<!tpu.dma_semaphore, #tpu.memory_space<semaphore_mem>>
      %dma_start3A_102 = arith.constant 0 : i32
      %dma_start3A_103 = tpu.memref_slice %arg6[%arg0, %mul3A_96, %dma_start3A_102] : memref<2x2560x128xf32, #tpu.memory_space<hbm>> -> memref<1x160x128xf32, #tpu.memory_space<hbm>>
      %dma_start3A_104 = tpu.memref_squeeze %dma_start3A_103 : memref<1x160x128xf32, #tpu.memory_space<hbm>> -> memref<160x128xf32, #tpu.memory_space<hbm>>
      %dma_start3A_105 = arith.constant 0 : i32
      %dma_start3A_106 = tpu.memref_slice %arg16[%mul3A_96, %dma_start3A_105] : memref<2560x128xf32, #tpu.memory_space<vmem_shared>> -> memref<160x128xf32, #tpu.memory_space<vmem_shared>>
      tpu.enqueue_dma source(%dma_start3A_106 : memref<160x128xf32, #tpu.memory_space<vmem_shared>>) target(%dma_start3A_104 : memref<160x128xf32, #tpu.memory_space<hbm>>) target_semaphore(%run_scoped3A : memref<!tpu.dma_semaphore, #tpu.memory_space<semaphore_mem>>)
      %dma_wait3A_107 = arith.constant 0 : i32
      %dma_wait3A_108 = tpu.memref_slice %arg6[%arg0, %mul3A_96, %dma_wait3A_107] : memref<2x2560x128xf32, #tpu.memory_space<hbm>> -> memref<1x160x128xf32, #tpu.memory_space<hbm>>
      %dma_wait3A_109 = tpu.memref_squeeze %dma_wait3A_108 : memref<1x160x128xf32, #tpu.memory_space<hbm>> -> memref<160x128xf32, #tpu.memory_space<hbm>>
      %dma_wait3A_110 = arith.constant 0 : i32
      %dma_wait3A_111 = tpu.memref_slice %arg16[%mul3A_96, %dma_wait3A_110] : memref<2560x128xf32, #tpu.memory_space<vmem_shared>> -> memref<160x128xf32, #tpu.memory_space<vmem_shared>>
      tpu.wait_dma2 semaphore(%run_scoped3A : memref<!tpu.dma_semaphore, #tpu.memory_space<semaphore_mem>>) src(%dma_wait3A_111 : memref<160x128xf32, #tpu.memory_space<vmem_shared>>) dst(%dma_wait3A_109 : memref<160x128xf32, #tpu.memory_space<hbm>>)
      tpu.yield
    }) : () -> ()
    "tpu.region"() ({
      %run_scoped3A = tpu.sem_alloc : memref<!tpu.dma_semaphore, #tpu.memory_space<semaphore_mem>>
      %dma_start3A_102 = tpu.memref_slice %arg17[%mul3A_96] : memref<2560xf32, #tpu.memory_space<vmem_shared>> -> memref<160xf32, #tpu.memory_space<vmem_shared>>
      %dma_start3A_103 = tpu.memref_slice %arg17[%mul3A_96] : memref<2560xf32, #tpu.memory_space<vmem_shared>> -> memref<160xf32, #tpu.memory_space<vmem_shared>>
      tpu.enqueue_dma source(%dma_start3A_103 : memref<160xf32, #tpu.memory_space<vmem_shared>>) target(%arg14 : memref<160xf32, #tpu.memory_space<vmem>>) target_semaphore(%run_scoped3A : memref<!tpu.dma_semaphore, #tpu.memory_space<semaphore_mem>>)
      %dma_wait3A_104 = tpu.memref_slice %arg17[%mul3A_96] : memref<2560xf32, #tpu.memory_space<vmem_shared>> -> memref<160xf32, #tpu.memory_space<vmem_shared>>
      %dma_wait3A_105 = tpu.memref_slice %arg17[%mul3A_96] : memref<2560xf32, #tpu.memory_space<vmem_shared>> -> memref<160xf32, #tpu.memory_space<vmem_shared>>
      tpu.wait_dma2 semaphore(%run_scoped3A : memref<!tpu.dma_semaphore, #tpu.memory_space<semaphore_mem>>) src(%dma_wait3A_105 : memref<160xf32, #tpu.memory_space<vmem_shared>>) dst(%arg14 : memref<160xf32, #tpu.memory_space<vmem>>)
      tpu.yield
    }) : () -> ()
    %mul3A_97 = arith.constant 2560 : i32
    %mul3A_98 = arith.muli %arg0, %mul3A_97 : i32
    %mul3A_99 = arith.constant 160 : i32
    %mul3A_100 = arith.muli %arg1, %mul3A_99 : i32
    %add3A_101 = arith.addi %mul3A_98, %mul3A_100 : i32
    "tpu.region"() ({
      %run_scoped3A = tpu.sem_alloc : memref<!tpu.dma_semaphore, #tpu.memory_space<semaphore_mem>>
      %dma_start3A_102 = tpu.memref_slice %arg7[%add3A_101] : memref<5120xf32, #tpu.memory_space<hbm>> -> memref<160xf32, #tpu.memory_space<hbm>>
      %dma_start3A_103 = tpu.memref_slice %arg7[%add3A_101] : memref<5120xf32, #tpu.memory_space<hbm>> -> memref<160xf32, #tpu.memory_space<hbm>>
      tpu.enqueue_dma source(%arg14 : memref<160xf32, #tpu.memory_space<vmem>>) target(%dma_start3A_103 : memref<160xf32, #tpu.memory_space<hbm>>) target_semaphore(%run_scoped3A : memref<!tpu.dma_semaphore, #tpu.memory_space<semaphore_mem>>)
      %dma_wait3A_104 = tpu.memref_slice %arg7[%add3A_101] : memref<5120xf32, #tpu.memory_space<hbm>> -> memref<160xf32, #tpu.memory_space<hbm>>
      %dma_wait3A_105 = tpu.memref_slice %arg7[%add3A_101] : memref<5120xf32, #tpu.memory_space<hbm>> -> memref<160xf32, #tpu.memory_space<hbm>>
      tpu.wait_dma2 semaphore(%run_scoped3A : memref<!tpu.dma_semaphore, #tpu.memory_space<semaphore_mem>>) src(%arg14 : memref<160xf32, #tpu.memory_space<vmem>>) dst(%dma_wait3A_105 : memref<160xf32, #tpu.memory_space<hbm>>)
      tpu.yield
    }) : () -> ()
    return
  }
}

module attributes {stable_mosaic.version = 14 : i64} {
  func.func @_tc_mid_body(%arg0: memref<2500x128xf32, #tpu.memory_space<vmem>>, %arg1: memref<2x2560x128xf32, #tpu.memory_space<vmem>>, %arg2: memref<2x2560x1xf32, #tpu.memory_space<vmem>>, %arg3: memref<128x128xf32, #tpu.memory_space<vmem>>, %arg4: memref<128x128xf32, #tpu.memory_space<vmem>>, %arg5: memref<1x128xf32, #tpu.memory_space<vmem>>, %arg6: memref<128x128xf32, #tpu.memory_space<vmem>>, %arg7: memref<1x128xf32, #tpu.memory_space<vmem>>, %arg8: memref<2500x128xf32, #tpu.memory_space<vmem>>, %arg9: memref<2500x128xf32, #tpu.memory_space<vmem>>) attributes {dimension_semantics = [], scalar_prefetch = 0 : i64, scratch_operands = 0 : i64, tpu.core_type = #tpu.core_type<tc>} {
    %get3A = arith.constant 0 : index
    %get3A_0 = arith.constant 0 : index
    %get3A_1 = arith.constant 0 : index
    %get3A_2 = vector.load %arg1[%get3A, %get3A_0, %get3A_1] : memref<2x2560x128xf32, #tpu.memory_space<vmem>>, vector<1x2500x128xf32>
    %get3A_3 = vector.shape_cast %get3A_2 : vector<1x2500x128xf32> to vector<2500x128xf32>
    %get3A_4 = arith.constant 1 : index
    %get3A_5 = arith.constant 0 : index
    %get3A_6 = arith.constant 0 : index
    %get3A_7 = vector.load %arg1[%get3A_4, %get3A_5, %get3A_6] : memref<2x2560x128xf32, #tpu.memory_space<vmem>>, vector<1x2500x128xf32>
    %get3A_8 = vector.shape_cast %get3A_7 : vector<1x2500x128xf32> to vector<2500x128xf32>
    %add3A = arith.addf %get3A_3, %get3A_8 : vector<2500x128xf32>
    %get3A_9 = arith.constant 0 : index
    %get3A_10 = arith.constant 0 : index
    %get3A_11 = arith.constant 0 : index
    %get3A_12 = vector.load %arg2[%get3A_9, %get3A_10, %get3A_11] : memref<2x2560x1xf32, #tpu.memory_space<vmem>>, vector<1x2500x1xf32>
    %get3A_13 = vector.shape_cast %get3A_12 : vector<1x2500x1xf32> to vector<2500x1xf32>
    %get3A_14 = arith.constant 1 : index
    %get3A_15 = arith.constant 0 : index
    %get3A_16 = arith.constant 0 : index
    %get3A_17 = vector.load %arg2[%get3A_14, %get3A_15, %get3A_16] : memref<2x2560x1xf32, #tpu.memory_space<vmem>>, vector<1x2500x1xf32>
    %get3A_18 = vector.shape_cast %get3A_17 : vector<1x2500x1xf32> to vector<2500x1xf32>
    %add3A_19 = arith.addf %get3A_13, %get3A_18 : vector<2500x1xf32>
    %max3A = arith.constant 1.000000e+00 : f32
    %max3A_20 = vector.broadcast %max3A : f32 to vector<2500x1xf32>
    %max3A_21 = arith.maximumf %add3A_19, %max3A_20 : vector<2500x1xf32>
    %div3A = vector.broadcast %max3A_21 : vector<2500x1xf32> to vector<2500x128xf32>
    %div3A_22 = arith.divf %add3A, %div3A : vector<2500x128xf32>
    %get3A_23 = arith.constant 0 : index
    %get3A_24 = arith.constant 0 : index
    %get3A_25 = vector.load %arg3[%get3A_23, %get3A_24] : memref<128x128xf32, #tpu.memory_space<vmem>>, vector<128x128xf32>
    %dot_general3A = arith.constant dense<0.000000e+00> : vector<2500x128xf32>
    %dot_general3A_26 = tpu.matmul %div3A_22, %get3A_25, %dot_general3A {dimension_numbers = #tpu.dot_dimension_numbers<[1], [1], [0], [0], [0, 0, 1, 0], [], []>, transpose_lhs_hint = false} : vector<2500x128xf32>, vector<128x128xf32>, vector<2500x128xf32> -> vector<2500x128xf32>
    %get3A_27 = arith.constant 0 : index
    %get3A_28 = arith.constant 0 : index
    %get3A_29 = vector.load %arg0[%get3A_27, %get3A_28] : memref<2500x128xf32, #tpu.memory_space<vmem>>, vector<2500x128xf32>
    %get3A_30 = arith.constant 0 : index
    %get3A_31 = arith.constant 0 : index
    %get3A_32 = vector.load %arg4[%get3A_30, %get3A_31] : memref<128x128xf32, #tpu.memory_space<vmem>>, vector<128x128xf32>
    %dot_general3A_33 = arith.constant dense<0.000000e+00> : vector<2500x128xf32>
    %dot_general3A_34 = tpu.matmul %get3A_29, %get3A_32, %dot_general3A_33 {dimension_numbers = #tpu.dot_dimension_numbers<[1], [1], [0], [0], [0, 0, 1, 0], [], []>, transpose_lhs_hint = false} : vector<2500x128xf32>, vector<128x128xf32>, vector<2500x128xf32> -> vector<2500x128xf32>
    %add3A_35 = arith.addf %dot_general3A_26, %dot_general3A_34 : vector<2500x128xf32>
    %get3A_36 = arith.constant 0 : index
    %get3A_37 = arith.constant 0 : index
    %get3A_38 = vector.load %arg5[%get3A_36, %get3A_37] : memref<1x128xf32, #tpu.memory_space<vmem>>, vector<1x128xf32>
    %add3A_39 = vector.broadcast %get3A_38 : vector<1x128xf32> to vector<2500x128xf32>
    %add3A_40 = arith.addf %add3A_35, %add3A_39 : vector<2500x128xf32>
    %max3A_41 = arith.constant 0.000000e+00 : f32
    %max3A_42 = vector.broadcast %max3A_41 : f32 to vector<2500x128xf32>
    %max3A_43 = arith.maximumf %add3A_40, %max3A_42 : vector<2500x128xf32>
    %swap3A = arith.constant 0 : index
    %swap3A_44 = arith.constant 0 : index
    %swap3A_45 = vector.load %arg8[%swap3A, %swap3A_44] : memref<2500x128xf32, #tpu.memory_space<vmem>>, vector<2500x128xf32>
    tpu.vector_store %arg8[%swap3A, %swap3A_44], %max3A_43 {strides = array<i32>} : memref<2500x128xf32, #tpu.memory_space<vmem>>, vector<2500x128xf32>,
    %get3A_46 = arith.constant 0 : index
    %get3A_47 = arith.constant 0 : index
    %get3A_48 = vector.load %arg6[%get3A_46, %get3A_47] : memref<128x128xf32, #tpu.memory_space<vmem>>, vector<128x128xf32>
    %dot_general3A_49 = arith.constant dense<0.000000e+00> : vector<2500x128xf32>
    %dot_general3A_50 = tpu.matmul %max3A_43, %get3A_48, %dot_general3A_49 {dimension_numbers = #tpu.dot_dimension_numbers<[1], [1], [0], [0], [0, 0, 1, 0], [], []>, transpose_lhs_hint = false} : vector<2500x128xf32>, vector<128x128xf32>, vector<2500x128xf32> -> vector<2500x128xf32>
    %get3A_51 = arith.constant 0 : index
    %get3A_52 = arith.constant 0 : index
    %get3A_53 = vector.load %arg7[%get3A_51, %get3A_52] : memref<1x128xf32, #tpu.memory_space<vmem>>, vector<1x128xf32>
    %add3A_54 = vector.broadcast %get3A_53 : vector<1x128xf32> to vector<2500x128xf32>
    %add3A_55 = arith.addf %dot_general3A_50, %add3A_54 : vector<2500x128xf32>
    %swap3A_56 = arith.constant 0 : index
    %swap3A_57 = arith.constant 0 : index
    %swap3A_58 = vector.load %arg9[%swap3A_56, %swap3A_57] : memref<2500x128xf32, #tpu.memory_space<vmem>>, vector<2500x128xf32>
    tpu.vector_store %arg9[%swap3A_56, %swap3A_57], %add3A_55 {strides = array<i32>} : memref<2500x128xf32, #tpu.memory_space<vmem>>, vector<2500x128xf32>,
    return
  }
}

module attributes {stable_mosaic.version = 14 : i64} {
  func.func @_tc_post_body(%arg0: memref<2x2560x128xf32, #tpu.memory_space<vmem>>, %arg1: memref<2x2560x1xf32, #tpu.memory_space<vmem>>, %arg2: memref<2500x128xf32, #tpu.memory_space<vmem>>, %arg3: memref<128x128xf32, #tpu.memory_space<vmem>>, %arg4: memref<2500x128xf32, #tpu.memory_space<vmem>>) attributes {dimension_semantics = [], scalar_prefetch = 0 : i64, scratch_operands = 0 : i64, tpu.core_type = #tpu.core_type<tc>} {
    %get3A = arith.constant 0 : index
    %get3A_0 = arith.constant 0 : index
    %get3A_1 = arith.constant 0 : index
    %get3A_2 = vector.load %arg0[%get3A, %get3A_0, %get3A_1] : memref<2x2560x128xf32, #tpu.memory_space<vmem>>, vector<1x2500x128xf32>
    %get3A_3 = vector.shape_cast %get3A_2 : vector<1x2500x128xf32> to vector<2500x128xf32>
    %get3A_4 = arith.constant 1 : index
    %get3A_5 = arith.constant 0 : index
    %get3A_6 = arith.constant 0 : index
    %get3A_7 = vector.load %arg0[%get3A_4, %get3A_5, %get3A_6] : memref<2x2560x128xf32, #tpu.memory_space<vmem>>, vector<1x2500x128xf32>
    %get3A_8 = vector.shape_cast %get3A_7 : vector<1x2500x128xf32> to vector<2500x128xf32>
    %add3A = arith.addf %get3A_3, %get3A_8 : vector<2500x128xf32>
    %get3A_9 = arith.constant 0 : index
    %get3A_10 = arith.constant 0 : index
    %get3A_11 = arith.constant 0 : index
    %get3A_12 = vector.load %arg1[%get3A_9, %get3A_10, %get3A_11] : memref<2x2560x1xf32, #tpu.memory_space<vmem>>, vector<1x2500x1xf32>
    %get3A_13 = vector.shape_cast %get3A_12 : vector<1x2500x1xf32> to vector<2500x1xf32>
    %get3A_14 = arith.constant 1 : index
    %get3A_15 = arith.constant 0 : index
    %get3A_16 = arith.constant 0 : index
    %get3A_17 = vector.load %arg1[%get3A_14, %get3A_15, %get3A_16] : memref<2x2560x1xf32, #tpu.memory_space<vmem>>, vector<1x2500x1xf32>
    %get3A_18 = vector.shape_cast %get3A_17 : vector<1x2500x1xf32> to vector<2500x1xf32>
    %add3A_19 = arith.addf %get3A_13, %get3A_18 : vector<2500x1xf32>
    %max3A = arith.constant 1.000000e+00 : f32
    %max3A_20 = vector.broadcast %max3A : f32 to vector<2500x1xf32>
    %max3A_21 = arith.maximumf %add3A_19, %max3A_20 : vector<2500x1xf32>
    %div3A = vector.broadcast %max3A_21 : vector<2500x1xf32> to vector<2500x128xf32>
    %div3A_22 = arith.divf %add3A, %div3A : vector<2500x128xf32>
    %get3A_23 = arith.constant 0 : index
    %get3A_24 = arith.constant 0 : index
    %get3A_25 = vector.load %arg3[%get3A_23, %get3A_24] : memref<128x128xf32, #tpu.memory_space<vmem>>, vector<128x128xf32>
    %dot_general3A = arith.constant dense<0.000000e+00> : vector<2500x128xf32>
    %dot_general3A_26 = tpu.matmul %div3A_22, %get3A_25, %dot_general3A {dimension_numbers = #tpu.dot_dimension_numbers<[1], [1], [0], [0], [0, 0, 1, 0], [], []>, transpose_lhs_hint = false} : vector<2500x128xf32>, vector<128x128xf32>, vector<2500x128xf32> -> vector<2500x128xf32>
    %get3A_27 = arith.constant 0 : index
    %get3A_28 = arith.constant 0 : index
    %get3A_29 = vector.load %arg2[%get3A_27, %get3A_28] : memref<2500x128xf32, #tpu.memory_space<vmem>>, vector<2500x128xf32>
    %add3A_30 = arith.addf %dot_general3A_26, %get3A_29 : vector<2500x128xf32>
    %reduce_max3A = arith.constant dense<0xFF800000> : vector<2500xf32>
    %reduce_max3A_31 = vector.multi_reduction <maximumf>, %add3A_30, %reduce_max3A [1] : vector<2500x128xf32> to vector<2500xf32>
    %broadcast_in_dim3A = vector.shape_cast %reduce_max3A_31 : vector<2500xf32> to vector<2500x1xf32>
    %sub3A = vector.broadcast %broadcast_in_dim3A : vector<2500x1xf32> to vector<2500x128xf32>
    %sub3A_32 = arith.subf %add3A_30, %sub3A : vector<2500x128xf32>
    %exp3A = math.exp %sub3A_32 : vector<2500x128xf32>
    %reduce_sum3A = arith.constant dense<0.000000e+00> : vector<2500xf32>
    %reduce_sum3A_33 = vector.multi_reduction <add>, %exp3A, %reduce_sum3A [1] : vector<2500x128xf32> to vector<2500xf32>
    %broadcast_in_dim3A_34 = vector.shape_cast %reduce_sum3A_33 : vector<2500xf32> to vector<2500x1xf32>
    %log3A = math.log %broadcast_in_dim3A_34 : vector<2500x1xf32>
    %sub3A_35 = vector.broadcast %log3A : vector<2500x1xf32> to vector<2500x128xf32>
    %sub3A_36 = arith.subf %sub3A_32, %sub3A_35 : vector<2500x128xf32>
    %swap3A = arith.constant 0 : index
    %swap3A_37 = arith.constant 0 : index
    %swap3A_38 = vector.load %arg4[%swap3A, %swap3A_37] : memref<2500x128xf32, #tpu.memory_space<vmem>>, vector<2500x128xf32>
    tpu.vector_store %arg4[%swap3A, %swap3A_37], %sub3A_36 {strides = array<i32>} : memref<2500x128xf32, #tpu.memory_space<vmem>>, vector<2500x128xf32>,
    return
  }
}

</mosaic_0001>

<sc_bundles>
// kernel: kernel.10.cloned.1.call-start
scs
__scs_entry_jumppad:
0x0: {  	(pc) =	sbr.rel $0x88, $3  }
0x1: {  	(tag) =	ssettag $0x0;
	lr =	simm.s32 $0x1  }
0x2: {  	[smem:$0x3F96] =	sst lr;
	_ =	strace $0xD0000000  }
0x3: {  	_ = 	snop  }
0x4: {  	_ = 	snop  }
0x5: {  	_ = 	snop  }
0x6: {  	_ = 	snop  }
0x7: {  	_ = 	snop  }
__scs_overlays_trampoline_lowered:
0x8: {  	[smem:$0x3FA5] =	sst s0  }
0x9: {  	[smem:$0x3FA6] =	sst s1  }
0xa: {  	[smem:$0x3FA7] =	sst s2  }
0xb: {  	[smem:$0x3FA8] =	sst s3  }
0xc: {  	[smem:$0x3FA9] =	sst s4  }
0xd: {  	[smem:$0x3FAA] =	sst s5  }
0xe: {  	[smem:$0x3FAB] =	sst s6  }
0xf: {  	[smem:$0x3FAC] =	sst s7  }
0x10: {  	[smem:$0x3FAD] =	sst s8  }
0x11: {  	[smem:$0x3FAE] =	sst s9;
	s0 =	simm.s32 @!p0 $0x0  }
0x12: {  	s1 =	sld [smem:$0x3F94];
	s0 =	simm.s32 @p0 $0x1  }
0x13: {  	[smem:$0x3FAF] =	sst s0;
	s0 =	simm.s32 @!p1 $0x0  }
0x14: {  	s2 =	sld [smem:$0x3F93];
	s0 =	simm.s32 @p1 $0x1  }
0x15: {  	[smem:$0x3FB0] =	sst s0;
	s0 =	simm.s32 @!p2 $0x0  }
0x16: {  	s3 =	sld [smem:$0x3FDB];
	s0 =	simm.s32 @p2 $0x1  }
0x17: {  	s4 =	simm.s32 $0x1BF5;
	[smem:$0x3FB2] =	sst s0  }
0x18: {  	s0 =	sld [smem:$0x3F95];
	_ =	swait.ge [sflag:s4], $0x0  }
0x19: {  	s7 =	sld [smem:$0x3F96]  }
0x1a: {  	s8 =	sadd.s32 $0xFFFFE003, lr  }
0x1b: {  	s9 =	sadd.s32 $0xFFFFFEF7, lr;
	s5 =	simm.s32 $0xFFFFFFFF;
	p2 =	slt.u32 s8, $0xFFFFF086  }
0x1c: {  	p1 =	slt.u32 s9, $0xF7A;
	s5 =	simm.s32 @!p2 $0x0  }
0x1d: {  	s5 =	simm.s32 @p1 $0x1;
	p0 =	seq.s32 s7, s2  }
0x1e: {  	s7 =	smul.u32 @!p0 $0xF7A, s2;
	p2 =	seq.s32 @!p0 s5, $0x0  }
0x1f: {  	s9 =	smul.u32 $0xF7A, s1;
	s8 =	simm.s32 @!p0 $0x1BF5;
	p2 =	por !p2, p0  }
0x20: {  	[sflag:s8] =	ssyncset.s32 @!p0 $0xFFFFF086;
	s6 =	sadd.s32 @!p0 s3, s7;
	s7 =	simm.s32 @!p0 $0x108  }
0x21: {  	s3 =	sadd.s32 s3, s9;
	s6 =	sadd.s32 @!p0 $0x88, s6;
	s7 =	simm.s32 @p2 $0x1082  }
0x22: {  	[simem:s7], [sflag:s8] =	dma.local @!p0 [hbm:s6], $0xF7A  }
0x23: {  	s9 =	sor.u32 $0xD0000000, s2;
	s6 =	simm.s32 $0x108;
	_ =	swait.ge @!p0 [sflag:s8], $0x0  }
0x24: {  	s3 =	sadd.s32 $0x88, s3;
	s6 =	simm.s32 @!p1 $0x1082;
	[sflag:s4] =	ssyncset.s32 $0xFFFFF086  }
0x25: {  	[simem:s6], [sflag:s4] =	dma.local [hbm:s3], $0xF7A  }
0x26: {  	[smem:$0x3F96] =	sst s1;
	(tag) =	ssettag s2;
	_ =	strace s9  }
0x27: {  	s1 =	sld [smem:$0x3FA6]  }
0x28: {  	s2 =	sld [smem:$0x3FA7]  }
0x29: {  	s4 =	sld [smem:$0x3FA9]  }
0x2a: {  	p0 =	seq.s32 s5, $0x0;
	s5 =	sld [smem:$0x3FAA]  }
0x2b: {  	s6 =	sld [smem:$0x3FAB]  }
0x2c: {  	s7 =	sld [smem:$0x3FAC]  }
0x2d: {  	s3 =	simm.s32 $0x108;
	s8 =	sld [smem:$0x3FAD]  }
0x2e: {  	s3 =	simm.s32 @!p0 $0x1082;
	s9 =	sld [smem:$0x3FAE]  }
0x2f: {  	lr =	sadd.s32 s0, s3;
	s0 =	sld [smem:$0x3FA5]  }
0x30: {  	s3 =	sld [smem:$0x3FA8]  }
0x31: {  	[smem:$0x3FB1] =	sst s10  }
0x32: {  	s10 =	sld [smem:$0x3FAF];
	_ =	sdelay $0x3  }
0x33: {  	p0 =	seq.s32 s10, $0x1;
	s10 =	sld [smem:$0x3FB1];
	_ =	sdelay $0x3  }
0x34: {  	[smem:$0x3FB1] =	sst s10  }
0x35: {  	s10 =	sld [smem:$0x3FB0];
	_ =	sdelay $0x3  }
0x36: {  	p1 =	seq.s32 s10, $0x1;
	s10 =	sld [smem:$0x3FB1];
	_ =	sdelay $0x3  }
0x37: {  	[smem:$0x3FB1] =	sst s10  }
0x38: {  	s10 =	sld [smem:$0x3FB2]  }
0x39: {  	_ = 	snop;
	(pc) =	sbr.ind lr, $3  }
0x3a: {  	_ = 	snop  }
0x3b: {  	_ = 	snop  }
0x3c: {  	p2 =	seq.s32 s10, $0x1;
	s10 =	sld [smem:$0x3FB1]  }
0x3d: {  	_ =	shalt  }
0x3e: {  	_ =	shalt  }
0x3f: {  	_ =	shalt  }
0x40: {  	_ =	shalt  }
0x41: {  	_ =	shalt  }
0x42: {  	_ =	shalt  }
0x43: {  	_ =	shalt  }
0x44: {  	_ =	shalt  }
0x45: {  	_ =	shalt  }
0x46: {  	_ =	shalt  }
0x47: {  	_ =	shalt  }
0x48: {  	_ =	shalt  }
0x49: {  	_ =	shalt  }
0x4a: {  	_ =	shalt  }
0x4b: {  	_ =	shalt  }
0x4c: {  	_ =	shalt  }
0x4d: {  	_ =	shalt  }
0x4e: {  	_ =	shalt  }
0x4f: {  	_ =	shalt  }
0x50: {  	_ =	shalt  }
0x51: {  	_ =	shalt  }
0x52: {  	_ =	shalt  }
0x53: {  	_ =	shalt  }
0x54: {  	_ =	shalt  }
0x55: {  	_ =	shalt  }
0x56: {  	_ =	shalt  }
0x57: {  	_ =	shalt  }
0x58: {  	_ =	shalt  }
0x59: {  	_ =	shalt  }
0x5a: {  	_ =	shalt  }
0x5b: {  	_ =	shalt  }
0x5c: {  	_ =	shalt  }
0x5d: {  	_ =	shalt  }
0x5e: {  	_ =	shalt  }
0x5f: {  	_ =	shalt  }
0x60: {  	_ =	shalt  }
0x61: {  	_ =	shalt  }
0x62: {  	_ =	shalt  }
0x63: {  	_ =	shalt  }
0x64: {  	_ =	shalt  }
0x65: {  	_ =	shalt  }
0x66: {  	_ =	shalt  }
0x67: {  	_ =	shalt  }
0x68: {  	_ =	shalt  }
0x69: {  	_ =	shalt  }
0x6a: {  	_ =	shalt  }
0x6b: {  	_ =	shalt  }
0x6c: {  	_ =	shalt  }
0x6d: {  	_ =	shalt  }
0x6e: {  	_ =	shalt  }
0x6f: {  	_ =	shalt  }
0x70: {  	_ =	shalt  }
0x71: {  	_ =	shalt  }
0x72: {  	_ =	shalt  }
0x73: {  	_ =	shalt  }
0x74: {  	_ =	shalt  }
0x75: {  	_ =	shalt  }
0x76: {  	_ =	shalt  }
0x77: {  	_ =	shalt  }
0x78: {  	_ =	shalt  }
0x79: {  	_ =	shalt  }
0x7a: {  	_ =	shalt  }
0x7b: {  	_ =	shalt  }
0x7c: {  	_ =	shalt  }
0x7d: {  	_ =	shalt  }
0x7e: {  	_ =	shalt  }
0x7f: {  	_ =	shalt  }
0x80: {  	_ =	shalt  }
0x81: {  	_ =	shalt  }
0x82: {  	_ =	shalt  }
0x83: {  	_ =	shalt  }
0x84: {  	_ =	shalt  }
0x85: {  	_ =	shalt  }
0x86: {  	_ =	shalt  }
0x87: {  	_ =	shalt  }
.Lfunc_end0:
.L_simem_size_0:
called_computation.1_lowered:
.L_overlay_start_0:
0x88: {  	s2 =	sld [smem:$0x3FD9]  }
0x89: {  	s3 =	sld [smem:$0x3FFE];
	_ =	sdelay $0x1  }
0x8a: {  	s1 =	srdreg.scid  }
0x8b: {  	s0 =	sand.u32 $0x1, s1  }
0x8c: {  	s16 =	sshll.u32 s0, $0xA;
	s2 =	sadd.s32 s3, s2  }
0x8d: {  	s2 =	sadd.s32 s2, s16  }
0x8e: {  	[smem:$0x3FBD] =	sst s2  }
0x8f: {  	_ = 	snop  }
0x90: {  	(tm) =	ssettm $0x1  }
0x91: {  	s17 =	sld [smem:$0x3FFB];
	_ =	sdelay $0x3  }
0x92: {  	_ =	strace s17  }
0x93: {  	s2 =	sld [smem:$0x3FFC];
	_ =	sdelay $0x3  }
0x94: {  	_ =	strace s2  }
0x95: {  	s2 =	sld [smem:$0x3FFD];
	_ =	sdelay $0x3  }
0x96: {  	_ =	strace s2  }
0x97: {  	_ =	strace $0x8FFFFFFF  }
0x98: {  	s18 =	sld [smem:$0x3FDB];
	_ =	sdelay $0x1  }
0x99: {  	s19 =	simm.s32 $_scs_section_size  }
0x9a: {  	s4 =	simm.s32 $_size__tile_overlayer_lowered;
	s5 =	simm.s32 $_tile_overlayer_lowered  }
0x9b: {  	s22 =	simm.s32 $0x1BFF;
	s21 =	sshll.u32 s5, $0x1;
	s2 =	sadd.s32 s19, s18  }
0x9c: {  	s6 =	simm.s32 $0x0;
	s20 =	sshll.u32 s4, $0x1;
	s4 =	sadd.s32 s21, s2  }
0x9d: {  	[timem:s6], [sflag:s22] =	dma.local [hbm:s4], s20  }
0x9e: {  	_ =	swait.ge [sflag:s22], s20  }
0x9f: {  	s3 =	ssub.s32 $0x0, s20;
	[sflag:s22] =	ssyncset.done $0x0  }
0xa0: {  	[sflag:s22] =	ssyncadd.s32 s3;
	_ =	sdelay $0x1  }
0xa1: {  	s23 =	simm.s32 $0x1B8B  }
0xa2: {  	_ =	swait.ge [sflag:s23], $0x1  }
0xa3: {  	[sflag:s23] =	ssyncset.done $0x0  }
0xa4: {  	s25 =	simm.s32 $0x1B8E;
	s24 =	sld [smem:$0x3FFE];
	[sflag:s23] =	ssyncadd.s32 $0xFFFFFFFF  }
0xa5: {  	s26 =	simm.s32 $execute0_lowered;
	[smem:$0x3FD2] =	sst s25  }
0xa6: {  	s4 =	sshll.u32 s26, $0x1;
	_ =	strace $0x80000049;
	[dreg:$0x1] =	wrdreg $0xFFFFFFFF  }
0xa7: {  	s28 =	simm.s32 $_size_execute0_lowered;
	s2 =	sadd.s32 s2, s4;
	[dreg:$0x0] =	wrdreg $0x0  }
0xa8: {  	s4 =	sshll.u32 s28, $0x1;
	[dreg:$0x2] =	wrdreg s2  }
0xa9: {  	[dreg:$0x3] =	wrdreg s4  }
0xaa: {  	[dreg:$0x4] =	wrdreg $0xC0  }
0xab: {  	_ =	task [dreg:s6], $0x5FFFF  }
0xac: {  	[dreg:$0x1] =	wrdreg $0xFFFFFFFF  }
0xad: {  	[dreg:$0x0] =	wrdreg $0x60  }
0xae: {  	[dreg:$0x2] =	wrdreg s24  }
0xaf: {  	[dreg:$0x3] =	wrdreg $0xDA000  }
0xb0: {  	[dreg:$0x4] =	wrdreg $0x17A000  }
0xb1: {  	[dreg:$0x5] =	wrdreg $0x1CA000  }
0xb2: {  	[dreg:$0x6] =	wrdreg $0x9  }
0xb3: {  	_ =	task.clear_ibuf [dreg:s6], $0x7FFFF;
	_ =	strace $0x90000049  }
0xb4: {  	s29 =	simm.s32 $0x9;
	_ =	strace $0x8000004B  }
0xb5: {  	_ =	swait.ge [sflag:s29], $0x1  }
0xb6: {  	[sflag:s29] =	ssyncadd.s32 $0xFFFFFFFF  }
0xb7: {  	_ =	strace $0x9000004B  }
0xb8: {  	_ =	sfence  }
0xb9: {  	s30 =	sld [smem:$0x0];
	_ =	sdelay $0x2  }
0xba: {  	s31 =	sshll.u32 s1, $0xD;
	s1 =	sshrl.u32 s1, $0x2  }
0xbb: {  	s3 =	sand.u32 $0x4000, s31;
	s1 =	sadd.s32 s1, s30  }
0xbc: {  	s0 =	sor.u32 s3, s0;
	s1 =	sshll.u32 s1, $0x11  }
0xbd: {  	s0 =	sor.u32 s1, s0  }
0xbe: {  	s0 =	sadd.s32 $0x8F2B, s0  }
0xbf: {  	[sflag:s0] =	ssyncadd.remote.s32 $0x1  }
0xc0: {  	_ =	sfence.sel $0xFFFF  }
0xc1: {  	[dreg:$0x0] =	wrdreg $0xFFFFFFFF;
	(pc) =	sbr.abs _section_cstart, $3  }
0xc2: {  	[dreg:$0x1] =	wrdreg $0xFFFFFFFF  }
0xc3: {  	_ =	task.clear_ibuf [dreg:s6], $0x2FFFF;
	_ =	strace $0x9FFFFFFF  }
0xc4: {  	(tm) =	ssettm $0x7FFFFFFF  }
0xc5: {  	_ =	shalt  }
tec
execute0_lowered:
.L_overlay_start_1:
0x0: {  	(tag) =	ssettag $0x1  }
0x1: {  	s0 =	rddreg [dreg:$0x0]  }
0x2: {  	s14 =	stileid.u32;
	s1 =	rddreg [dreg:$0x1]  }
0x3: {  	s2 =	srdreg.scid;
	s3 =	rddreg [dreg:$0x2]  }
0x4: {  	s5 =	simm.s32 $0x0;
	s28 =	simm.s32 $0x5880;
	s6 =	smul.u32 $0x1400, s14  }
0x5: {  	s29 =	simm.s32 $0x80;
	s30 =	simm.s32 $0x9880;
	s10 =	smul.u32 $0x5000, s14  }
0x6: {  	s31 =	simm.s32 $0x1;
	s2 =	sand.u32 $0x1, s2;
	s13 =	smul.u32 $0xA0, s14  }
0x7: {  	s4 =	sshll.u32 s14, $0x1;
	[smem:$0x7FF] =	sst s5;
	s12 =	smul.u32 $0x28000, s14  }
0x8: {  	s7 =	sor.u32 s2, s4;
	s4 =	rddreg [dreg:$0x3];
	s9 =	smul.u32 $0x50000, s2  }
0x9: {  	_ =	strace $0x8000004A;
	s11 =	smul.u32 $0xA00, s2;
	s2 =	ssub.s32 $0x2, s2  }
0xa: {  	s8 =	smul.u32 $0x580, s7;
	s6 =	sadd.s32 s6, s0;
	s7 =	sshll.u32 s7, $0x1  }
0xb: {  	s25 =	sshrl.u32 s2, $0x1;
	s19 =	sadd.s32 $0x20, s13;
	s21 =	sadd.s32 $0x40, s13  }
0xc: {  	s23 =	sadd.s32 $0x60, s13;
	s7 =	sadd.s32 s7, s0;
	s9 =	sadd.s32 s10, s9  }
0xd: {  	s24 =	sadd.s32 s13, s11;
	s2 =	ssub.s32 s2, s25;
	s11 =	sshrl.u32 s12, $0x2  }
0xe: {  	s12 =	smul.u32 $0x14000, s14;
	s6 =	sadd.s32 $0x2CE00, s6;
	s20 =	sshll.u32 s19, $0x7  }
0xf: {  	s22 =	sshll.u32 s21, $0x7;
	s16 =	sadd.s32 s19, s4;
	s25 =	sadd.s32 $0x80, s13  }
0x10: {  	s8 =	sadd.s32 s8, s0;
	s9 =	sshrl.u32 s9, $0x3;
	s10 =	sshrl.u32 s24, $0x3  }
0x11: {  	s7 =	sadd.s32 $0x2CC00, s7;
	s14 =	sadd.s32 s11, s1;
	[dreg:$0x8] =	wrdreg s6  }
0x12: {  	s2 =	smax.u32 s2, $0x1;
	s15 =	sadd.s32 s20, s3;
	s24 =	sshll.u32 s23, $0x7  }
0x13: {  	s20 =	sadd.s32 s23, s4;
	s23 =	simm.s32 $0x4;
	s6 =	simm.s32 $0x0  }
0x14: {  	s9 =	sadd.s32 s9, s0;
	s0 =	sadd.s32 s10, s0;
	s26 =	sadd.s32 $0x16C00, s8  }
0x15: {  	s8 =	sadd.s32 $0x21C00, s8;
	[dreg:$0x7] =	wrdreg s7;
	s18 =	sshrl.u32 s12, $0x2  }
0x16: {  	s12 =	sadd.s32 s13, s4;
	[dreg:$0xb] =	wrdreg s2;
	s19 =	sadd.s32 s24, s3  }
0x17: {  	s2 =	simm.s32 $0xD880;
	s24 =	simm.s32 $0x3;
	[dreg:$0x5] =	wrdreg s26  }
.Ltmp0:
0x18: {  	[dreg:$0x6] =	wrdreg s8;
	s17 =	sadd.s32 $0x40E00, s9;
	(pc) =	sbr.rel .LBB2_1-.Ltmp0, $4  }
0x19: {  	s11 =	sadd.s32 s18, s3;
	s0 =	sadd.s32 $0x2C00, s0;
	[dreg:$0x9] =	wrdreg s17  }
0x1a: {  	s18 =	sadd.s32 s21, s4;
	s26 =	sshll.u32 s25, $0x7;
	[dreg:$0xa] =	wrdreg s0  }
0x1b: {  	s17 =	sadd.s32 s22, s3;
	s21 =	sadd.s32 s26, s3;
	s22 =	sadd.s32 s25, s4  }
0x1c: {  	v0 =	vimm.f32 $1.000000000e+00;
	v1 =	vimm.f32 $0.0e+00;
	s25 =	sshrl.u32 s14, $0x3;
	s0 =	simm.s32 $0x2;
	s26 =	simm.s32 $0xD900  }
.LBB2_5:
0x1d: {  	s10 =	simm.s32 $0x2C00  }
.LBB2_9:
0x1e: {  	s13 =	sadd.s32 $0xFFFFFF80, s9;
	[sflag:s24] =	ssyncadd.s32 @p0 $0xFFFFFF80  }
0x1f: {  	[tilespmem:s30], [sflag:$0x2] =	stream.indirect.gather [spmem:s1], $0x80, s13, s29, $0xb8;
	[tilespmem:$0x1CAA0] =	vst v63  }
0x20: {  	_ =	swait.ge [sflag:s31], $0x4000  }
0x21: {  	s10 =	sadd.s32 @p0 $0x100, s10;
	[sflag:s31] =	ssyncset.done $0x0  }
0x22: {  	s8 =	smov.u32 @p0 s10;
	[sflag:s31] =	ssyncadd.s32 $0xFFFFC000  }
0x23: {  	[spmem:s4] =	stream.indirect.scatter.add.f32 [tilespmem:s2], [sflag:$0x3], $0x1, s8, s29, $0xb8;
	[tilespmem:$0x1CAA0] =	vst v63  }
0x24: {  	_ = 	snop  }
0x25: {  	[spmem:s3] =	stream.indirect.scatter.add.f32 [tilespmem:s28], [sflag:$0x4], $0x80, s8, s29, $0xb8;
	[tilespmem:$0x1CAA0] =	vst v63  }
0x26: {  	_ =	swait.ge [sflag:s23], $0x4000  }
0x27: {  	[sflag:s23] =	ssyncset.done $0x0  }
0x28: {  	[sflag:s23] =	ssyncadd.s32 $0xFFFFC000  }
0x29: {  	[tilespmem:s28], [sflag:$0x1] =	stream.indirect.gather [spmem:s1], $0x80, s9, s29, $0xb8;
	[tilespmem:$0x1CAA0] =	vst v63  }
0x2a: {  	_ =	swait.ge [sflag:s0], $0x4000  }
0x2b: {  	[sflag:s0] =	ssyncset.done $0x0  }
0x2c: {  	s8 =	sadd.s32 $0x80, s8;
	[sflag:s0] =	ssyncadd.s32 $0xFFFFC000  }
0x2d: {  	[spmem:s4] =	stream.indirect.scatter.add.f32 [tilespmem:s2], [sflag:$0x3], $0x1, s8, s29, $0xb8;
	[tilespmem:$0x1CAA0] =	vst v63  }
0x2e: {  	_ = 	snop  }
0x2f: {  	[spmem:s3] =	stream.indirect.scatter.add.f32 [tilespmem:s30], [sflag:$0x4], $0x80, s8, s29, $0xb8;
	[tilespmem:$0x1CAA0] =	vst v63  }
0x30: {  	_ =	swait.ge [sflag:s23], $0x4000  }
0x31: {  	[sflag:s23] =	ssyncset.done $0x0  }
0x32: {  	[sflag:s23] =	ssyncadd.s32 $0xFFFFC000  }
0x33: {  	_ =	swait.ge [sflag:s24], $0x80  }
0x34: {  	[sflag:s24] =	ssyncset.done $0x0  }
0x35: {  	[sflag:s24] =	ssyncadd.s32 $0xFFFFFF80  }
0x36: {  	_ =	swait.ge [sflag:s24], $0x80  }
0x37: {  	[sflag:s24] =	ssyncset.done $0x0  }
0x38: {  	[sflag:s24] =	ssyncadd.s32 $0xFFFFFF80  }
.LBB2_10:
0x39: {  	_ =	swait.ge [sflag:s31], $0x4000  }
0x3a: {  	[sflag:s31] =	ssyncset.done $0x0  }
0x3b: {  	[sflag:s31] =	ssyncadd.s32 $0xFFFFC000  }
0x3c: {  	[bflag:$0x0] =	sbarrier.arrive $0xFFFF  }
0x3d: {  	s8 =	sshrl.u32 s11, $0x3;
	s9 =	rddreg [dreg:$0x9]  }
0x3e: {  	[hbm:s9], [sflag:s7] =	dma.local [spmem:s8], $0xA00  }
0x3f: {  	_ =	swait.ge [sflag:s23], $0xA00  }
0x40: {  	[sflag:s23] =	ssyncset.done $0x0  }
0x41: {  	[sflag:s23] =	ssyncadd.s32 $0xFFFFF600  }
0x42: {  	[tilespmem:s26], [sflag:$0x4] =	stream.linear.gather [spmem:s12], $0xA0, $0x38;
	[tilespmem:$0x1CAA0] =	vst v63  }
0x43: {  	_ =	swait.ge [sflag:s23], $0xA0  }
0x44: {  	[sflag:s23] =	ssyncset.done $0x0  }
0x45: {  	s13 =	rddreg [dreg:$0xa];
	[sflag:s23] =	ssyncadd.s32 $0xFFFFFF60  }
0x46: {  	[hbm4b:s13+s5] =	stream.linear.scatter [tilespmem:s26], [sflag:$0x4], $0xA0, $0x38;
	[tilespmem:$0x1CAA0] =	vst v63  }
0x47: {  	_ =	swait.ge [sflag:s23], $0xA0  }
0x48: {  	s6 =	sadd.s32 $0x1, s6;
	s14 =	rddreg [dreg:$0xb]  }
0x49: {  	p0 =	sne.s32 s6, s14  }
.Ltmp1:
0x4a: {  	_ = 	snop;
	(pc) =	sbr.rel @!p0 .LBB2_11-.Ltmp1, $3  }
0x4b: {  	_ =	sdelay $0x1  }
0x4c: {  	[sflag:s23] =	ssyncset.done $0x0  }
0x4d: {  	[sflag:s23] =	ssyncadd.s32 $0xFFFFFF60  }
.LBB2_1:
0x4e: {  	s7 =	rddreg [dreg:$0x5]  }
0x4f: {  	[tilespmem:s5], [sflag:$0x4] =	stream.linear.gather [hbm4b:s7+s5], $0x2C00, $0x38;
	[tilespmem:$0x1CAA0] =	vst v63  }
0x50: {  	_ =	swait.ge [sflag:s23], $0x2C00  }
0x51: {  	[sflag:s23] =	ssyncset.done $0x0  }
0x52: {  	s8 =	simm.s32 $0x2C00;
	s10 =	rddreg [dreg:$0x6];
	[sflag:s23] =	ssyncadd.s32 $0xFFFFD400  }
0x53: {  	[tilespmem:s8], [sflag:$0x4] =	stream.linear.gather [hbm4b:s10+s5], $0x2C00, $0x38;
	[tilespmem:$0x1CAA0] =	vst v63  }
0x54: {  	_ =	swait.ge [sflag:s23], $0x2C00  }
0x55: {  	[sflag:s23] =	ssyncset.done $0x0  }
0x56: {  	s14 =	simm.s32 $0x5800;
	s13 =	rddreg [dreg:$0x7];
	[sflag:s23] =	ssyncadd.s32 $0xFFFFD400  }
0x57: {  	[tilespmem:s14], [sflag:$0x4] =	stream.linear.gather [hbm4b:s13+s5], $0x10, $0x38;
	[tilespmem:$0x1CAA0] =	vst v63  }
0x58: {  	_ =	swait.ge [sflag:s23], $0x10  }
0x59: {  	[sflag:s23] =	ssyncset.done $0x0  }
0x5a: {  	[sflag:s23] =	ssyncadd.s32 $0xFFFFFFF0  }
0x5b: {  	[tilespmem:$0xD880] =	vst v0  }
0x5c: {  	[tilespmem:$0xD890] =	vst v0  }
0x5d: {  	[tilespmem:$0xD8A0] =	vst v0  }
0x5e: {  	[tilespmem:$0xD8B0] =	vst v0  }
0x5f: {  	[tilespmem:$0xD8C0] =	vst v0  }
0x60: {  	[tilespmem:$0xD8D0] =	vst v0  }
0x61: {  	[tilespmem:$0xD8E0] =	vst v0  }
0x62: {  	s7 =	simm.s32 $0x0;
	s8 =	simm.s32 $0x200;
	[tilespmem:$0xD8F0] =	vst v0  }
.LBB2_2:
0x63: {  	p0 =	sne.s32 s8, $0xFE00;
	[tilespmem:s7+$0x58F0] =	vst v1  }
0x64: {  	[tilespmem:s7+$0x5880] =	vst v1  }
0x65: {  	[tilespmem:s7+$0x5890] =	vst v1  }
.Ltmp2:
0x66: {  	[tilespmem:s7+$0x58A0] =	vst v1;
	(pc) =	sbr.rel @p0 .LBB2_2-.Ltmp2, $4  }
0x67: {  	[tilespmem:s7+$0x58B0] =	vst v1  }
0x68: {  	[tilespmem:s7+$0x58C0] =	vst v1  }
0x69: {  	[tilespmem:s7+$0x58D0] =	vst v1  }
0x6a: {  	[tilespmem:s7+$0x58E0] =	vst v1;
	s7 =	sshra.s32 s8, $0x2;
	s8 =	sadd.s32 $0x200, s8  }
0x6b: {  	[tilespmem:s7+$0x58F0] =	vst v1  }
0x6c: {  	[tilespmem:s7+$0x5880] =	vst v1  }
0x6d: {  	[tilespmem:s7+$0x5890] =	vst v1  }
0x6e: {  	[tilespmem:s7+$0x58A0] =	vst v1  }
0x6f: {  	[tilespmem:s7+$0x58B0] =	vst v1  }
0x70: {  	[tilespmem:s7+$0x58C0] =	vst v1  }
0x71: {  	[tilespmem:s7+$0x58D0] =	vst v1  }
0x72: {  	[tilespmem:s7+$0x58E0] =	vst v1  }
0x73: {  	[spmem:s11] =	stream.linear.scatter [tilespmem:s28], [sflag:$0x4], $0x1000, $0x38;
	[tilespmem:$0x1CAA0] =	vst v63  }
0x74: {  	_ =	swait.ge [sflag:s23], $0x1000  }
0x75: {  	[sflag:s23] =	ssyncset.done $0x0  }
0x76: {  	[sflag:s23] =	ssyncadd.s32 $0xFFFFF000  }
0x77: {  	[spmem:s12] =	stream.linear.scatter [tilespmem:s28], [sflag:$0x4], $0x20, $0x38;
	[tilespmem:$0x1CAA0] =	vst v63  }
0x78: {  	_ =	swait.ge [sflag:s23], $0x20  }
0x79: {  	[sflag:s23] =	ssyncset.done $0x0  }
0x7a: {  	[sflag:s23] =	ssyncadd.s32 $0xFFFFFFE0  }
0x7b: {  	[spmem:s15] =	stream.linear.scatter [tilespmem:s28], [sflag:$0x4], $0x1000, $0x38;
	[tilespmem:$0x1CAA0] =	vst v63  }
0x7c: {  	_ =	swait.ge [sflag:s23], $0x1000  }
0x7d: {  	[sflag:s23] =	ssyncset.done $0x0  }
0x7e: {  	[sflag:s23] =	ssyncadd.s32 $0xFFFFF000  }
0x7f: {  	[spmem:s16] =	stream.linear.scatter [tilespmem:s28], [sflag:$0x4], $0x20, $0x38;
	[tilespmem:$0x1CAA0] =	vst v63  }
0x80: {  	_ =	swait.ge [sflag:s23], $0x20  }
0x81: {  	[sflag:s23] =	ssyncset.done $0x0  }
0x82: {  	[sflag:s23] =	ssyncadd.s32 $0xFFFFFFE0  }
0x83: {  	[spmem:s17] =	stream.linear.scatter [tilespmem:s28], [sflag:$0x4], $0x1000, $0x38;
	[tilespmem:$0x1CAA0] =	vst v63  }
0x84: {  	_ =	swait.ge [sflag:s23], $0x1000  }
0x85: {  	[sflag:s23] =	ssyncset.done $0x0  }
0x86: {  	[sflag:s23] =	ssyncadd.s32 $0xFFFFF000  }
0x87: {  	[spmem:s18] =	stream.linear.scatter [tilespmem:s28], [sflag:$0x4], $0x20, $0x38;
	[tilespmem:$0x1CAA0] =	vst v63  }
0x88: {  	_ =	swait.ge [sflag:s23], $0x20  }
0x89: {  	[sflag:s23] =	ssyncset.done $0x0  }
0x8a: {  	[sflag:s23] =	ssyncadd.s32 $0xFFFFFFE0  }
0x8b: {  	[spmem:s19] =	stream.linear.scatter [tilespmem:s28], [sflag:$0x4], $0x1000, $0x38;
	[tilespmem:$0x1CAA0] =	vst v63  }
0x8c: {  	_ =	swait.ge [sflag:s23], $0x1000  }
0x8d: {  	[sflag:s23] =	ssyncset.done $0x0  }
0x8e: {  	[sflag:s23] =	ssyncadd.s32 $0xFFFFF000  }
0x8f: {  	[spmem:s20] =	stream.linear.scatter [tilespmem:s28], [sflag:$0x4], $0x20, $0x38;
	[tilespmem:$0x1CAA0] =	vst v63  }
0x90: {  	_ =	swait.ge [sflag:s23], $0x20  }
0x91: {  	[sflag:s23] =	ssyncset.done $0x0  }
0x92: {  	[sflag:s23] =	ssyncadd.s32 $0xFFFFFFE0  }
0x93: {  	[spmem:s21] =	stream.linear.scatter [tilespmem:s28], [sflag:$0x4], $0x1000, $0x38;
	[tilespmem:$0x1CAA0] =	vst v63  }
0x94: {  	_ =	swait.ge [sflag:s23], $0x1000  }
0x95: {  	[sflag:s23] =	ssyncset.done $0x0  }
0x96: {  	[sflag:s23] =	ssyncadd.s32 $0xFFFFF000  }
0x97: {  	[spmem:s22] =	stream.linear.scatter [tilespmem:s28], [sflag:$0x4], $0x20, $0x38;
	[tilespmem:$0x1CAA0] =	vst v63  }
0x98: {  	s14 =	stileid.u32;
	_ =	swait.ge [sflag:s23], $0x20  }
0x99: {  	s7 =	sshll.u32 s14, $0x6;
	[sflag:s23] =	ssyncset.done $0x0  }
0x9a: {  	s7 =	sor.u32 $0x1C04, s7;
	s8 =	rddreg [dreg:$0x8];
	[sflag:s23] =	ssyncadd.s32 $0xFFFFFFE0  }
0x9b: {  	[spmem:s25], [sflag:s7] =	dma.local [hbm:s8], $0x1400  }
0x9c: {  	_ =	swait.ge [sflag:s23], $0x1400  }
0x9d: {  	[sflag:s23] =	ssyncset.done $0x0  }
0x9e: {  	[sflag:s23] =	ssyncadd.s32 $0xFFFFEC00  }
0x9f: {  	[bflag:$0x0] =	sbarrier.arrive $0xFFFF  }
0xa0: {  	v2 =	vld [tilespmem:$0x5800];
	_ =	sdelay $0x4  }
0xa1: {  	(v2sf) =	vpush v2, $0x0;
	_ =	sdelay $0xe  }
0xa2: {  	s10 =	spop (v2sf)  }
0xa3: {  	p0 =	slt.s32 s10, $0x1  }
.Ltmp3:
0xa4: {  	_ = 	snop;
	(pc) =	sbr.rel @p0 .LBB2_10-.Ltmp3, $2  }
0xa5: {  	_ =	sdelay $0x2  }
0xa6: {  	[tilespmem:s28], [sflag:$0x1] =	stream.indirect.gather [spmem:s1], $0x80, s5, s29, $0xb8;
	[tilespmem:$0x1CAA0] =	vst v63  }
0xa7: {  	p1 =	sne.s32 s10, $0x1  }
.Ltmp4:
0xa8: {  	_ = 	snop;
	(pc) =	sbr.rel @!p1 .LBB2_5-.Ltmp4, $3  }
0xa9: {  	_ =	sdelay $0x1  }
0xaa: {  	s9 =	simm.s32 $0x100  }
0xab: {  	s8 =	simm.s32 $0x2C00;
	s10 =	sadd.s32 $0xFFFFFFFF, s10;
	p0 =	por $0x0, $0x0  }
0xac: {  	s13 =	simm.s32 $0x80  }
0xad: {  	[tilespmem:s30], [sflag:$0x2] =	stream.indirect.gather [spmem:s1], $0x80, s13, s29, $0xb8;
	[tilespmem:$0x1CAA0] =	vst v63  }
0xae: {  	_ =	swait.ge [sflag:s31], $0x4000  }
0xaf: {  	[sflag:s31] =	ssyncset.done $0x0  }
0xb0: {  	[sflag:s31] =	ssyncadd.s32 $0xFFFFC000  }
0xb1: {  	[spmem:s4] =	stream.indirect.scatter.add.f32 [tilespmem:s2], [sflag:$0x3], $0x1, s8, s29, $0xb8;
	[tilespmem:$0x1CAA0] =	vst v63  }
0xb2: {  	_ = 	snop  }
0xb3: {  	[spmem:s3] =	stream.indirect.scatter.add.f32 [tilespmem:s28], [sflag:$0x4], $0x80, s8, s29, $0xb8;
	[tilespmem:$0x1CAA0] =	vst v63  }
0xb4: {  	_ =	swait.ge [sflag:s23], $0x4000  }
0xb5: {  	[sflag:s23] =	ssyncset.done $0x0  }
0xb6: {  	[sflag:s23] =	ssyncadd.s32 $0xFFFFC000  }
0xb7: {  	[tilespmem:s28], [sflag:$0x1] =	stream.indirect.gather [spmem:s1], $0x80, s9, s29, $0xb8;
	[tilespmem:$0x1CAA0] =	vst v63  }
0xb8: {  	_ =	swait.ge [sflag:s0], $0x4000  }
0xb9: {  	[sflag:s0] =	ssyncset.done $0x0  }
0xba: {  	s14 =	simm.s32 $0x2C80;
	[sflag:s0] =	ssyncadd.s32 $0xFFFFC000  }
0xbb: {  	[spmem:s4] =	stream.indirect.scatter.add.f32 [tilespmem:s2], [sflag:$0x3], $0x1, s14, s29, $0xb8;
	[tilespmem:$0x1CAA0] =	vst v63  }
0xbc: {  	_ = 	snop  }
0xbd: {  	[spmem:s3] =	stream.indirect.scatter.add.f32 [tilespmem:s30], [sflag:$0x4], $0x80, s14, s29, $0xb8;
	[tilespmem:$0x1CAA0] =	vst v63  }
0xbe: {  	_ =	swait.ge [sflag:s23], $0x4000  }
0xbf: {  	[sflag:s23] =	ssyncset.done $0x0  }
0xc0: {  	p1 =	sne.s32 s10, $0x1;
	[sflag:s23] =	ssyncadd.s32 $0xFFFFC000  }
.Ltmp5:
0xc1: {  	_ =	swait.ge [sflag:s24], $0x80;
	(pc) =	sbr.rel @!p1 .LBB2_7-.Ltmp5, $4  }
0xc2: {  	[sflag:s24] =	ssyncset.done $0x0  }
0xc3: {  	[sflag:s24] =	ssyncadd.s32 $0xFFFFFF80  }
0xc4: {  	p0 =	por $0x1, $0x1;
	s13 =	sadd.s32 $0xFFFFFFFF, s10;
	_ =	swait.ge [sflag:s24], $0x80  }
0xc5: {  	s10 =	simm.s32 $0x2C00;
	s9 =	simm.s32 $0x200;
	[sflag:s24] =	ssyncset.done $0x0  }
.LBB2_8:
0xc6: {  	s14 =	sadd.s32 $0xFFFFFF80, s9;
	[sflag:s24] =	ssyncadd.s32 $0xFFFFFF80;
	s10 =	sadd.s32 $0x100, s10  }
0xc7: {  	[tilespmem:s30], [sflag:$0x2] =	stream.indirect.gather [spmem:s1], $0x80, s14, s29, $0xb8;
	[tilespmem:$0x1CAA0] =	vst v63  }
0xc8: {  	p1 =	sne.s32 s13, $0x1;
	s13 =	sadd.s32 $0xFFFFFFFF, s13;
	_ =	swait.ge [sflag:s31], $0x4000  }
0xc9: {  	[sflag:s31] =	ssyncset.done $0x0  }
0xca: {  	[sflag:s31] =	ssyncadd.s32 $0xFFFFC000  }
0xcb: {  	[spmem:s4] =	stream.indirect.scatter.add.f32 [tilespmem:s2], [sflag:$0x3], $0x1, s10, s29, $0xb8;
	[tilespmem:$0x1CAA0] =	vst v63  }
0xcc: {  	_ = 	snop  }
0xcd: {  	[spmem:s3] =	stream.indirect.scatter.add.f32 [tilespmem:s28], [sflag:$0x4], $0x80, s10, s29, $0xb8;
	[tilespmem:$0x1CAA0] =	vst v63  }
0xce: {  	_ =	swait.ge [sflag:s23], $0x4000  }
0xcf: {  	[sflag:s23] =	ssyncset.done $0x0  }
0xd0: {  	[sflag:s23] =	ssyncadd.s32 $0xFFFFC000  }
0xd1: {  	[tilespmem:s28], [sflag:$0x1] =	stream.indirect.gather [spmem:s1], $0x80, s9, s29, $0xb8;
	[tilespmem:$0x1CAA0] =	vst v63  }
0xd2: {  	_ =	swait.ge [sflag:s0], $0x4000  }
0xd3: {  	[sflag:s0] =	ssyncset.done $0x0  }
0xd4: {  	s14 =	sadd.s32 $0x80, s10;
	[sflag:s0] =	ssyncadd.s32 $0xFFFFC000  }
0xd5: {  	[spmem:s4] =	stream.indirect.scatter.add.f32 [tilespmem:s2], [sflag:$0x3], $0x1, s14, s29, $0xb8;
	[tilespmem:$0x1CAA0] =	vst v63  }
0xd6: {  	_ = 	snop  }
0xd7: {  	[spmem:s3] =	stream.indirect.scatter.add.f32 [tilespmem:s30], [sflag:$0x4], $0x80, s14, s29, $0xb8;
	[tilespmem:$0x1CAA0] =	vst v63  }
0xd8: {  	_ =	swait.ge [sflag:s23], $0x4000  }
0xd9: {  	[sflag:s23] =	ssyncset.done $0x0  }
0xda: {  	[sflag:s23] =	ssyncadd.s32 $0xFFFFC000  }
.Ltmp6:
0xdb: {  	_ =	swait.ge [sflag:s24], $0x80;
	(pc) =	sbr.rel @p1 .LBB2_8-.Ltmp6, $4  }
0xdc: {  	[sflag:s24] =	ssyncset.done $0x0  }
0xdd: {  	[sflag:s24] =	ssyncadd.s32 $0xFFFFFF80  }
0xde: {  	_ =	swait.ge [sflag:s24], $0x80  }
0xdf: {  	s9 =	sadd.s32 $0x100, s9;
	[sflag:s24] =	ssyncset.done $0x0  }
.Ltmp7:
0xe0: {  	_ = 	snop;
	(pc) =	sbr.rel .LBB2_9-.Ltmp7, $1  }
0xe1: {  	_ =	sdelay $0x3  }
.LBB2_7:
.Ltmp8:
0xe2: {  	(pc) =	sbr.rel .LBB2_9-.Ltmp8, $2  }
0xe3: {  	_ =	sdelay $0x2  }
0xe4: {  	s10 =	simm.s32 $0x2C00  }
.LBB2_11:
0xe5: {  	_ =	sfence.sel $0x180000  }
0xe6: {  	[bflag:$0x0] =	sbarrier.arrive $0xFFFF  }
0xe7: {  	_ =	strace $0x9000004A  }
0xe8: {  	s0 =	stileid.u32;
	[bflag:$0x2] =	sbarrier.arrive $0xFFFF  }
0xe9: {  	p0 =	sne.s32 s0, $0x0;
	s0 =	rddreg [dreg:$0x4]  }
0xea: {  	s0 =	sadd.s32 @!p0 $0x100000, s0  }
0xeb: {  	[sflag:s0] =	ssyncadd.tile.s32 @!p0 $0x1;
	_ =	shalt  }
.Lfunc_end2:
_tile_overlayer_lowered:
.L_overlay_start_2:
0xec: {  	(tag) =	ssettag $0x2  }
0xed: {  	s0 =	rddreg [dreg:$0x0];
	s2 =	stileid.u32  }
0xee: {  	s1 =	rddreg [dreg:$0x1];
	p0 =	sne.s32 s2, $0x0  }
0xef: {  	s3 =	rddreg [dreg:$0x2];
	[bflag:$0x3] =	sbarrier.arrive $0xFFFF;
	s2 =	simm.s32 @!p0 $0x1C04  }
0xf0: {  	[timem:s3], [sflag:s2] =	dma.local @!p0 [hbm:s0], s1  }
0xf1: {  	s0 =	simm.s32 @!p0 $0x4  }
0xf2: {  	_ =	swait.ge @!p0 [sflag:s0], s1  }
0xf3: {  	s1 =	ssub.s32 @!p0 $0x0, s1;
	[sflag:s0] =	ssyncset.done @!p0 $0x0  }
0xf4: {  	[sflag:s0] =	ssyncadd.s32 @!p0 s1  }
0xf5: {  	[bflag:$0x3] =	sbarrier.arrive $0xFFFF  }
0xf6: {  	_ =	shalt  }

// kernel: kernel.13.cloned.1.call-start
scs
__scs_entry_jumppad:
0x0: {  	(pc) =	sbr.rel $0x88, $3  }
0x1: {  	(tag) =	ssettag $0x0;
	lr =	simm.s32 $0x1  }
0x2: {  	[smem:$0x3F96] =	sst lr;
	_ =	strace $0xD0000000  }
0x3: {  	_ = 	snop  }
0x4: {  	_ = 	snop  }
0x5: {  	_ = 	snop  }
0x6: {  	_ = 	snop  }
0x7: {  	_ = 	snop  }
__scs_overlays_trampoline_lowered:
0x8: {  	[smem:$0x3FA5] =	sst s0  }
0x9: {  	[smem:$0x3FA6] =	sst s1  }
0xa: {  	[smem:$0x3FA7] =	sst s2  }
0xb: {  	[smem:$0x3FA8] =	sst s3  }
0xc: {  	[smem:$0x3FA9] =	sst s4  }
0xd: {  	[smem:$0x3FAA] =	sst s5  }
0xe: {  	[smem:$0x3FAB] =	sst s6  }
0xf: {  	[smem:$0x3FAC] =	sst s7  }
0x10: {  	[smem:$0x3FAD] =	sst s8  }
0x11: {  	[smem:$0x3FAE] =	sst s9;
	s0 =	simm.s32 @!p0 $0x0  }
0x12: {  	s1 =	sld [smem:$0x3F94];
	s0 =	simm.s32 @p0 $0x1  }
0x13: {  	[smem:$0x3FAF] =	sst s0;
	s0 =	simm.s32 @!p1 $0x0  }
0x14: {  	s2 =	sld [smem:$0x3F93];
	s0 =	simm.s32 @p1 $0x1  }
0x15: {  	[smem:$0x3FB0] =	sst s0;
	s0 =	simm.s32 @!p2 $0x0  }
0x16: {  	s3 =	sld [smem:$0x3FDB];
	s0 =	simm.s32 @p2 $0x1  }
0x17: {  	s4 =	simm.s32 $0x1BF5;
	[smem:$0x3FB2] =	sst s0  }
0x18: {  	s0 =	sld [smem:$0x3F95];
	_ =	swait.ge [sflag:s4], $0x0  }
0x19: {  	s7 =	sld [smem:$0x3F96]  }
0x1a: {  	s8 =	sadd.s32 $0xFFFFE003, lr  }
0x1b: {  	s9 =	sadd.s32 $0xFFFFFEF7, lr;
	s5 =	simm.s32 $0xFFFFFFFF;
	p2 =	slt.u32 s8, $0xFFFFF086  }
0x1c: {  	p1 =	slt.u32 s9, $0xF7A;
	s5 =	simm.s32 @!p2 $0x0  }
0x1d: {  	s5 =	simm.s32 @p1 $0x1;
	p0 =	seq.s32 s7, s2  }
0x1e: {  	s7 =	smul.u32 @!p0 $0xF7A, s2;
	p2 =	seq.s32 @!p0 s5, $0x0  }
0x1f: {  	s9 =	smul.u32 $0xF7A, s1;
	s8 =	simm.s32 @!p0 $0x1BF5;
	p2 =	por !p2, p0  }
0x20: {  	[sflag:s8] =	ssyncset.s32 @!p0 $0xFFFFF086;
	s6 =	sadd.s32 @!p0 s3, s7;
	s7 =	simm.s32 @!p0 $0x108  }
0x21: {  	s3 =	sadd.s32 s3, s9;
	s6 =	sadd.s32 @!p0 $0x88, s6;
	s7 =	simm.s32 @p2 $0x1082  }
0x22: {  	[simem:s7], [sflag:s8] =	dma.local @!p0 [hbm:s6], $0xF7A  }
0x23: {  	s9 =	sor.u32 $0xD0000000, s2;
	s6 =	simm.s32 $0x108;
	_ =	swait.ge @!p0 [sflag:s8], $0x0  }
0x24: {  	s3 =	sadd.s32 $0x88, s3;
	s6 =	simm.s32 @!p1 $0x1082;
	[sflag:s4] =	ssyncset.s32 $0xFFFFF086  }
0x25: {  	[simem:s6], [sflag:s4] =	dma.local [hbm:s3], $0xF7A  }
0x26: {  	[smem:$0x3F96] =	sst s1;
	(tag) =	ssettag s2;
	_ =	strace s9  }
0x27: {  	s1 =	sld [smem:$0x3FA6]  }
0x28: {  	s2 =	sld [smem:$0x3FA7]  }
0x29: {  	s4 =	sld [smem:$0x3FA9]  }
0x2a: {  	p0 =	seq.s32 s5, $0x0;
	s5 =	sld [smem:$0x3FAA]  }
0x2b: {  	s6 =	sld [smem:$0x3FAB]  }
0x2c: {  	s7 =	sld [smem:$0x3FAC]  }
0x2d: {  	s3 =	simm.s32 $0x108;
	s8 =	sld [smem:$0x3FAD]  }
0x2e: {  	s3 =	simm.s32 @!p0 $0x1082;
	s9 =	sld [smem:$0x3FAE]  }
0x2f: {  	lr =	sadd.s32 s0, s3;
	s0 =	sld [smem:$0x3FA5]  }
0x30: {  	s3 =	sld [smem:$0x3FA8]  }
0x31: {  	[smem:$0x3FB1] =	sst s10  }
0x32: {  	s10 =	sld [smem:$0x3FAF];
	_ =	sdelay $0x3  }
0x33: {  	p0 =	seq.s32 s10, $0x1;
	s10 =	sld [smem:$0x3FB1];
	_ =	sdelay $0x3  }
0x34: {  	[smem:$0x3FB1] =	sst s10  }
0x35: {  	s10 =	sld [smem:$0x3FB0];
	_ =	sdelay $0x3  }
0x36: {  	p1 =	seq.s32 s10, $0x1;
	s10 =	sld [smem:$0x3FB1];
	_ =	sdelay $0x3  }
0x37: {  	[smem:$0x3FB1] =	sst s10  }
0x38: {  	s10 =	sld [smem:$0x3FB2]  }
0x39: {  	_ = 	snop;
	(pc) =	sbr.ind lr, $3  }
0x3a: {  	_ = 	snop  }
0x3b: {  	_ = 	snop  }
0x3c: {  	p2 =	seq.s32 s10, $0x1;
	s10 =	sld [smem:$0x3FB1]  }
0x3d: {  	_ =	shalt  }
0x3e: {  	_ =	shalt  }
0x3f: {  	_ =	shalt  }
0x40: {  	_ =	shalt  }
0x41: {  	_ =	shalt  }
0x42: {  	_ =	shalt  }
0x43: {  	_ =	shalt  }
0x44: {  	_ =	shalt  }
0x45: {  	_ =	shalt  }
0x46: {  	_ =	shalt  }
0x47: {  	_ =	shalt  }
0x48: {  	_ =	shalt  }
0x49: {  	_ =	shalt  }
0x4a: {  	_ =	shalt  }
0x4b: {  	_ =	shalt  }
0x4c: {  	_ =	shalt  }
0x4d: {  	_ =	shalt  }
0x4e: {  	_ =	shalt  }
0x4f: {  	_ =	shalt  }
0x50: {  	_ =	shalt  }
0x51: {  	_ =	shalt  }
0x52: {  	_ =	shalt  }
0x53: {  	_ =	shalt  }
0x54: {  	_ =	shalt  }
0x55: {  	_ =	shalt  }
0x56: {  	_ =	shalt  }
0x57: {  	_ =	shalt  }
0x58: {  	_ =	shalt  }
0x59: {  	_ =	shalt  }
0x5a: {  	_ =	shalt  }
0x5b: {  	_ =	shalt  }
0x5c: {  	_ =	shalt  }
0x5d: {  	_ =	shalt  }
0x5e: {  	_ =	shalt  }
0x5f: {  	_ =	shalt  }
0x60: {  	_ =	shalt  }
0x61: {  	_ =	shalt  }
0x62: {  	_ =	shalt  }
0x63: {  	_ =	shalt  }
0x64: {  	_ =	shalt  }
0x65: {  	_ =	shalt  }
0x66: {  	_ =	shalt  }
0x67: {  	_ =	shalt  }
0x68: {  	_ =	shalt  }
0x69: {  	_ =	shalt  }
0x6a: {  	_ =	shalt  }
0x6b: {  	_ =	shalt  }
0x6c: {  	_ =	shalt  }
0x6d: {  	_ =	shalt  }
0x6e: {  	_ =	shalt  }
0x6f: {  	_ =	shalt  }
0x70: {  	_ =	shalt  }
0x71: {  	_ =	shalt  }
0x72: {  	_ =	shalt  }
0x73: {  	_ =	shalt  }
0x74: {  	_ =	shalt  }
0x75: {  	_ =	shalt  }
0x76: {  	_ =	shalt  }
0x77: {  	_ =	shalt  }
0x78: {  	_ =	shalt  }
0x79: {  	_ =	shalt  }
0x7a: {  	_ =	shalt  }
0x7b: {  	_ =	shalt  }
0x7c: {  	_ =	shalt  }
0x7d: {  	_ =	shalt  }
0x7e: {  	_ =	shalt  }
0x7f: {  	_ =	shalt  }
0x80: {  	_ =	shalt  }
0x81: {  	_ =	shalt  }
0x82: {  	_ =	shalt  }
0x83: {  	_ =	shalt  }
0x84: {  	_ =	shalt  }
0x85: {  	_ =	shalt  }
0x86: {  	_ =	shalt  }
0x87: {  	_ =	shalt  }
.Lfunc_end0:
.L_simem_size_0:
called_computation.2_lowered:
.L_overlay_start_0:
0x88: {  	s2 =	sld [smem:$0x3FD9]  }
0x89: {  	s3 =	sld [smem:$0x3FFE];
	_ =	sdelay $0x1  }
0x8a: {  	s1 =	srdreg.scid  }
0x8b: {  	s0 =	sand.u32 $0x1, s1  }
0x8c: {  	s17 =	sshll.u32 s0, $0xA;
	s2 =	sadd.s32 s3, s2  }
0x8d: {  	s2 =	sadd.s32 s2, s17  }
0x8e: {  	[smem:$0x3FBD] =	sst s2  }
0x8f: {  	_ = 	snop  }
0x90: {  	s2 =	sld [smem:$0x3FD0];
	(tm) =	ssettm $0x1  }
0x91: {  	s18 =	sld [smem:$0x3FFB];
	_ =	sdelay $0x3  }
0x92: {  	_ =	strace s18  }
0x93: {  	s3 =	sld [smem:$0x3FFC];
	_ =	sdelay $0x3  }
0x94: {  	_ =	strace s3  }
0x95: {  	s3 =	sld [smem:$0x3FFD];
	_ =	sdelay $0x3  }
0x96: {  	_ =	strace s3  }
0x97: {  	_ =	strace $0x8FFFFFFF  }
0x98: {  	s19 =	sld [smem:$0x3FDB];
	_ =	sdelay $0x1  }
0x99: {  	s4 =	simm.s32 $_scs_section_size  }
0x9a: {  	s5 =	simm.s32 $_size__tile_overlayer_lowered;
	s6 =	simm.s32 $_tile_overlayer_lowered  }
0x9b: {  	s22 =	simm.s32 $0x1BFF;
	s21 =	sshll.u32 s6, $0x1;
	s3 =	sadd.s32 s4, s19  }
0x9c: {  	s7 =	simm.s32 $0x0;
	s20 =	sshll.u32 s5, $0x1;
	s5 =	sadd.s32 s21, s3  }
0x9d: {  	[timem:s7], [sflag:s22] =	dma.local [hbm:s5], s20  }
0x9e: {  	_ =	swait.ge [sflag:s22], s20  }
0x9f: {  	s4 =	ssub.s32 $0x0, s20;
	[sflag:s22] =	ssyncset.done $0x0  }
0xa0: {  	[sflag:s22] =	ssyncadd.s32 s4;
	_ =	sdelay $0x1  }
0xa1: {  	s23 =	simm.s32 $0x1B8B  }
0xa2: {  	_ =	swait.ge [sflag:s23], $0x1  }
0xa3: {  	[sflag:s23] =	ssyncset.done $0x0  }
0xa4: {  	s25 =	simm.s32 $0x1B8E;
	s24 =	sld [smem:$0x3FFE];
	[sflag:s23] =	ssyncadd.s32 $0xFFFFFFFF  }
0xa5: {  	s26 =	simm.s32 $execute0_lowered;
	[smem:$0x3FD2] =	sst s25  }
0xa6: {  	s5 =	sshll.u32 s26, $0x1;
	_ =	strace $0x8000004C;
	[dreg:$0x1] =	wrdreg $0xFFFFFFFF  }
0xa7: {  	s28 =	simm.s32 $_size_execute0_lowered;
	s3 =	sadd.s32 s3, s5;
	[dreg:$0x0] =	wrdreg $0x0  }
0xa8: {  	s5 =	sshll.u32 s28, $0x1;
	[dreg:$0x2] =	wrdreg s3  }
0xa9: {  	[dreg:$0x3] =	wrdreg s5  }
0xaa: {  	[dreg:$0x4] =	wrdreg $0xC0  }
0xab: {  	_ =	task [dreg:s7], $0x5FFFF  }
0xac: {  	[dreg:$0x1] =	wrdreg $0xFFFFFFFF  }
0xad: {  	[dreg:$0x0] =	wrdreg $0x60  }
0xae: {  	[dreg:$0x2] =	wrdreg s24  }
0xaf: {  	[dreg:$0x3] =	wrdreg s2  }
0xb0: {  	[dreg:$0x4] =	wrdreg $0xB2000  }
0xb1: {  	[dreg:$0x5] =	wrdreg $0x102000  }
0xb2: {  	[dreg:$0x6] =	wrdreg $0x152000  }
0xb3: {  	[dreg:$0x7] =	wrdreg $0x9  }
0xb4: {  	_ =	task.clear_ibuf [dreg:s7], $0x8FFFF;
	_ =	strace $0x9000004C  }
0xb5: {  	s29 =	simm.s32 $0x9;
	_ =	strace $0x8000004E  }
0xb6: {  	_ =	swait.ge [sflag:s29], $0x1  }
0xb7: {  	[sflag:s29] =	ssyncadd.s32 $0xFFFFFFFF  }
0xb8: {  	_ =	strace $0x9000004E  }
0xb9: {  	_ =	sfence  }
0xba: {  	s30 =	sld [smem:$0x0];
	_ =	sdelay $0x2  }
0xbb: {  	s31 =	sshll.u32 s1, $0xD;
	s1 =	sshrl.u32 s1, $0x2  }
0xbc: {  	s3 =	sand.u32 $0x4000, s31;
	s1 =	sadd.s32 s1, s30  }
0xbd: {  	s0 =	sor.u32 s3, s0;
	s1 =	sshll.u32 s1, $0x11  }
0xbe: {  	s0 =	sor.u32 s1, s0  }
0xbf: {  	s0 =	sadd.s32 $0x8F2B, s0  }
0xc0: {  	[sflag:s0] =	ssyncadd.remote.s32 $0x1  }
0xc1: {  	_ =	sfence.sel $0xFFFF  }
0xc2: {  	[dreg:$0x0] =	wrdreg $0xFFFFFFFF;
	(pc) =	sbr.abs _section_cstart, $3  }
0xc3: {  	[dreg:$0x1] =	wrdreg $0xFFFFFFFF  }
0xc4: {  	_ =	task.clear_ibuf [dreg:s7], $0x2FFFF;
	_ =	strace $0x9FFFFFFF  }
0xc5: {  	(tm) =	ssettm $0x7FFFFFFF  }
tec
execute0_lowered:
.L_overlay_start_1:
0x0: {  	(tag) =	ssettag $0x1  }
0x1: {  	s0 =	rddreg [dreg:$0x0]  }
0x2: {  	s2 =	rddreg [dreg:$0x1]  }
0x3: {  	s1 =	rddreg [dreg:$0x2]  }
0x4: {  	s16 =	stileid.u32;
	s4 =	srdreg.scid  }
0x5: {  	s3 =	rddreg [dreg:$0x3];
	s7 =	smul.u32 $0x5000, s16  }
0x6: {  	s29 =	simm.s32 $0x3080;
	s30 =	simm.s32 $0x80;
	s12 =	smul.u32 $0xA0, s16  }
0x7: {  	s6 =	sand.u32 $0x1, s4;
	s5 =	sshll.u32 s16, $0x1;
	s16 =	smul.u32 $0x14000, s16  }
0x8: {  	s31 =	simm.s32 $0x7080;
	s28 =	simm.s32 $0x3;
	s10 =	smul.u32 $0x50000, s6  }
0x9: {  	s4 =	rddreg [dreg:$0x4];
	s8 =	sor.u32 s6, s5;
	s13 =	smul.u32 $0xA00, s6  }
0xa: {  	s5 =	simm.s32 $0x0;
	s6 =	ssub.s32 $0x2, s6;
	s9 =	smul.u32 $0x300, s8  }
0xb: {  	[smem:$0x7FF] =	sst s5;
	s11 =	sshrl.u32 s7, $0x3;
	s8 =	sshll.u32 s8, $0x1  }
0xc: {  	s15 =	sshrl.u32 s6, $0x1;
	s18 =	sshrl.u32 s16, $0x2;
	s19 =	sadd.s32 $0x20, s12  }
0xd: {  	s21 =	sadd.s32 $0x40, s12;
	s23 =	sadd.s32 $0x60, s12;
	s24 =	sadd.s32 $0x80, s12  }
0xe: {  	_ =	strace $0x8000004D;
	s11 =	sadd.s32 s11, s0;
	s8 =	sadd.s32 s8, s0  }
0xf: {  	s10 =	sadd.s32 s7, s10;
	s13 =	sadd.s32 s12, s13;
	s6 =	ssub.s32 s6, s15  }
0x10: {  	s20 =	sshll.u32 s19, $0x7;
	s16 =	sadd.s32 s19, s4;
	s22 =	sshll.u32 s21, $0x7  }
0x11: {  	s25 =	sshll.u32 s23, $0x7;
	s14 =	sadd.s32 s9, s0;
	s10 =	sshrl.u32 s10, $0x3  }
0x12: {  	s13 =	sshrl.u32 s13, $0x3;
	s2 =	sadd.s32 s2, s9;
	s9 =	sadd.s32 $0x2C00, s8  }
0x13: {  	s17 =	smax.u32 s6, $0x1;
	s19 =	sadd.s32 s25, s3;
	s6 =	simm.s32 $0xB100  }
0x14: {  	s10 =	sadd.s32 s10, s0;
	s0 =	sadd.s32 s13, s0;
	[dreg:$0x6] =	wrdreg s2  }
0x15: {  	s26 =	sadd.s32 $0x3000, s14;
	[dreg:$0x8] =	wrdreg s9;
	s13 =	sadd.s32 s7, s1  }
0x16: {  	s14 =	sadd.s32 $0x9000, s11;
	s7 =	sadd.s32 s7, s3;
	[dreg:$0xc] =	wrdreg s17  }
0x17: {  	s11 =	sadd.s32 s12, s4;
	s17 =	sadd.s32 s22, s3;
	[dreg:$0x7] =	wrdreg s26  }
0x18: {  	s22 =	sadd.s32 s24, s4;
	s2 =	simm.s32 $0x1;
	[dreg:$0x9] =	wrdreg s14  }
0x19: {  	s15 =	sadd.s32 $0x13400, s10;
	s0 =	sadd.s32 $0x13000, s0;
	s26 =	sshll.u32 s24, $0x7  }
.Ltmp0:
0x1a: {  	s24 =	sshrl.u32 s13, $0x3;
	[dreg:$0xa] =	wrdreg s15;
	(pc) =	sbr.rel .LBB2_1-.Ltmp0, $4  }
0x1b: {  	s25 =	sshrl.u32 s7, $0x3;
	s7 =	simm.s32 $0x0;
	[dreg:$0xb] =	wrdreg s0  }
0x1c: {  	s0 =	sadd.s32 s18, s3;
	s15 =	sadd.s32 s20, s3;
	s18 =	sadd.s32 s21, s4  }
0x1d: {  	s20 =	sadd.s32 s23, s4;
	s21 =	sadd.s32 s26, s3;
	s23 =	simm.s32 $0x4  }
0x1e: {  	v0 =	vimm.f32 $1.000000000e+00;
	v1 =	vimm.f32 $0.0e+00;
	s26 =	simm.s32 $0x2;
	[dreg:$0xd] =	wrdreg s0;
	s0 =	simm.s32 $0xB080  }
.LBB2_5:
0x1f: {  	s12 =	simm.s32 $0x1800  }
.LBB2_9:
0x20: {  	s13 =	sadd.s32 $0xFFFFFF80, s10;
	[sflag:s28] =	ssyncadd.s32 @p0 $0xFFFFFF80  }
0x21: {  	[tilespmem:s31], [sflag:$0x2] =	stream.indirect.gather [spmem:s1], $0x80, s13, s30, $0xb8;
	[tilespmem:$0x152A0] =	vst v63  }
0x22: {  	_ =	swait.ge [sflag:s2], $0x4000  }
0x23: {  	s12 =	sadd.s32 @p0 $0x100, s12;
	[sflag:s2] =	ssyncset.done $0x0  }
0x24: {  	s9 =	smov.u32 @p0 s12;
	[sflag:s2] =	ssyncadd.s32 $0xFFFFC000  }
0x25: {  	[spmem:s4] =	stream.indirect.scatter.add.f32 [tilespmem:s0], [sflag:$0x3], $0x1, s9, s30, $0xb8;
	[tilespmem:$0x152A0] =	vst v63  }
0x26: {  	_ = 	snop  }
0x27: {  	[spmem:s3] =	stream.indirect.scatter.add.f32 [tilespmem:s29], [sflag:$0x4], $0x80, s9, s30, $0xb8;
	[tilespmem:$0x152A0] =	vst v63  }
0x28: {  	_ =	swait.ge [sflag:s23], $0x4000  }
0x29: {  	[sflag:s23] =	ssyncset.done $0x0  }
0x2a: {  	[sflag:s23] =	ssyncadd.s32 $0xFFFFC000  }
0x2b: {  	[tilespmem:s29], [sflag:$0x1] =	stream.indirect.gather [spmem:s1], $0x80, s10, s30, $0xb8;
	[tilespmem:$0x152A0] =	vst v63  }
0x2c: {  	_ =	swait.ge [sflag:s26], $0x4000  }
0x2d: {  	[sflag:s26] =	ssyncset.done $0x0  }
0x2e: {  	s9 =	sadd.s32 $0x80, s9;
	[sflag:s26] =	ssyncadd.s32 $0xFFFFC000  }
0x2f: {  	[spmem:s4] =	stream.indirect.scatter.add.f32 [tilespmem:s0], [sflag:$0x3], $0x1, s9, s30, $0xb8;
	[tilespmem:$0x152A0] =	vst v63  }
0x30: {  	_ = 	snop  }
0x31: {  	[spmem:s3] =	stream.indirect.scatter.add.f32 [tilespmem:s31], [sflag:$0x4], $0x80, s9, s30, $0xb8;
	[tilespmem:$0x152A0] =	vst v63  }
0x32: {  	_ =	swait.ge [sflag:s23], $0x4000  }
0x33: {  	[sflag:s23] =	ssyncset.done $0x0  }
0x34: {  	[sflag:s23] =	ssyncadd.s32 $0xFFFFC000  }
0x35: {  	_ =	swait.ge [sflag:s28], $0x80  }
0x36: {  	[sflag:s28] =	ssyncset.done $0x0  }
0x37: {  	[sflag:s28] =	ssyncadd.s32 $0xFFFFFF80  }
0x38: {  	_ =	swait.ge [sflag:s28], $0x80  }
0x39: {  	[sflag:s28] =	ssyncset.done $0x0  }
0x3a: {  	[sflag:s28] =	ssyncadd.s32 $0xFFFFFF80  }
.LBB2_10:
0x3b: {  	_ =	swait.ge [sflag:s2], $0x4000  }
0x3c: {  	[sflag:s2] =	ssyncset.done $0x0  }
0x3d: {  	[sflag:s2] =	ssyncadd.s32 $0xFFFFC000  }
0x3e: {  	[bflag:$0x0] =	sbarrier.arrive $0xFFFF  }
0x3f: {  	s9 =	rddreg [dreg:$0xa]  }
0x40: {  	[hbm:s9], [sflag:s8] =	dma.local [spmem:s25], $0xA00  }
0x41: {  	_ =	swait.ge [sflag:s23], $0xA00  }
0x42: {  	[sflag:s23] =	ssyncset.done $0x0  }
0x43: {  	[sflag:s23] =	ssyncadd.s32 $0xFFFFF600  }
0x44: {  	[tilespmem:s6], [sflag:$0x4] =	stream.linear.gather [spmem:s11], $0xA0, $0x38;
	[tilespmem:$0x152A0] =	vst v63  }
0x45: {  	_ =	swait.ge [sflag:s23], $0xA0  }
0x46: {  	[sflag:s23] =	ssyncset.done $0x0  }
0x47: {  	s13 =	rddreg [dreg:$0xb];
	[sflag:s23] =	ssyncadd.s32 $0xFFFFFF60  }
0x48: {  	[hbm4b:s13+s5] =	stream.linear.scatter [tilespmem:s6], [sflag:$0x4], $0xA0, $0x38;
	[tilespmem:$0x152A0] =	vst v63  }
0x49: {  	_ =	swait.ge [sflag:s23], $0xA0  }
0x4a: {  	s7 =	sadd.s32 $0x1, s7;
	s14 =	rddreg [dreg:$0xc]  }
0x4b: {  	p0 =	sne.s32 s7, s14  }
.Ltmp1:
0x4c: {  	_ = 	snop;
	(pc) =	sbr.rel @!p0 .LBB2_11-.Ltmp1, $3  }
0x4d: {  	_ =	sdelay $0x1  }
0x4e: {  	[sflag:s23] =	ssyncset.done $0x0  }
0x4f: {  	[sflag:s23] =	ssyncadd.s32 $0xFFFFFF60  }
.LBB2_1:
0x50: {  	s8 =	rddreg [dreg:$0x6]  }
0x51: {  	[tilespmem:s5], [sflag:$0x4] =	stream.linear.gather [hbm4b:s8+s5], $0x1800, $0x38;
	[tilespmem:$0x152A0] =	vst v63  }
0x52: {  	_ =	swait.ge [sflag:s23], $0x1800  }
0x53: {  	[sflag:s23] =	ssyncset.done $0x0  }
0x54: {  	s9 =	simm.s32 $0x1800;
	s12 =	rddreg [dreg:$0x7];
	[sflag:s23] =	ssyncadd.s32 $0xFFFFE800  }
0x55: {  	[tilespmem:s9], [sflag:$0x4] =	stream.linear.gather [hbm4b:s12+s5], $0x1800, $0x38;
	[tilespmem:$0x152A0] =	vst v63  }
0x56: {  	_ =	swait.ge [sflag:s23], $0x1800  }
0x57: {  	[sflag:s23] =	ssyncset.done $0x0  }
0x58: {  	s14 =	simm.s32 $0x3000;
	s13 =	rddreg [dreg:$0x8];
	[sflag:s23] =	ssyncadd.s32 $0xFFFFE800  }
0x59: {  	[tilespmem:s14], [sflag:$0x4] =	stream.linear.gather [hbm4b:s13+s5], $0x10, $0x38;
	[tilespmem:$0x152A0] =	vst v63  }
0x5a: {  	_ =	swait.ge [sflag:s23], $0x10  }
0x5b: {  	[sflag:s23] =	ssyncset.done $0x0  }
0x5c: {  	[sflag:s23] =	ssyncadd.s32 $0xFFFFFFF0  }
0x5d: {  	[tilespmem:$0xB080] =	vst v0  }
0x5e: {  	[tilespmem:$0xB090] =	vst v0  }
0x5f: {  	[tilespmem:$0xB0A0] =	vst v0  }
0x60: {  	[tilespmem:$0xB0B0] =	vst v0  }
0x61: {  	[tilespmem:$0xB0C0] =	vst v0  }
0x62: {  	[tilespmem:$0xB0D0] =	vst v0  }
0x63: {  	[tilespmem:$0xB0E0] =	vst v0  }
0x64: {  	s8 =	simm.s32 $0x0;
	s9 =	simm.s32 $0x200;
	[tilespmem:$0xB0F0] =	vst v0  }
.LBB2_2:
0x65: {  	p0 =	sne.s32 s9, $0xFE00;
	[tilespmem:s8+$0x30F0] =	vst v1  }
0x66: {  	[tilespmem:s8+$0x3080] =	vst v1  }
0x67: {  	[tilespmem:s8+$0x3090] =	vst v1  }
.Ltmp2:
0x68: {  	[tilespmem:s8+$0x30A0] =	vst v1;
	(pc) =	sbr.rel @p0 .LBB2_2-.Ltmp2, $4  }
0x69: {  	[tilespmem:s8+$0x30B0] =	vst v1  }
0x6a: {  	[tilespmem:s8+$0x30C0] =	vst v1  }
0x6b: {  	[tilespmem:s8+$0x30D0] =	vst v1  }
0x6c: {  	[tilespmem:s8+$0x30E0] =	vst v1;
	s8 =	sshra.s32 s9, $0x2;
	s9 =	sadd.s32 $0x200, s9  }
0x6d: {  	[tilespmem:s8+$0x30F0] =	vst v1  }
0x6e: {  	[tilespmem:s8+$0x3080] =	vst v1  }
0x6f: {  	[tilespmem:s8+$0x3090] =	vst v1  }
0x70: {  	[tilespmem:s8+$0x30A0] =	vst v1  }
0x71: {  	[tilespmem:s8+$0x30B0] =	vst v1  }
0x72: {  	[tilespmem:s8+$0x30C0] =	vst v1  }
0x73: {  	[tilespmem:s8+$0x30D0] =	vst v1  }
0x74: {  	[tilespmem:s8+$0x30E0] =	vst v1;
	s13 =	rddreg [dreg:$0xd]  }
0x75: {  	[spmem:s13] =	stream.linear.scatter [tilespmem:s29], [sflag:$0x4], $0x1000, $0x38;
	[tilespmem:$0x152A0] =	vst v63  }
0x76: {  	_ =	swait.ge [sflag:s23], $0x1000  }
0x77: {  	[sflag:s23] =	ssyncset.done $0x0  }
0x78: {  	[sflag:s23] =	ssyncadd.s32 $0xFFFFF000  }
0x79: {  	[spmem:s11] =	stream.linear.scatter [tilespmem:s29], [sflag:$0x4], $0x20, $0x38;
	[tilespmem:$0x152A0] =	vst v63  }
0x7a: {  	_ =	swait.ge [sflag:s23], $0x20  }
0x7b: {  	[sflag:s23] =	ssyncset.done $0x0  }
0x7c: {  	[sflag:s23] =	ssyncadd.s32 $0xFFFFFFE0  }
0x7d: {  	[spmem:s15] =	stream.linear.scatter [tilespmem:s29], [sflag:$0x4], $0x1000, $0x38;
	[tilespmem:$0x152A0] =	vst v63  }
0x7e: {  	_ =	swait.ge [sflag:s23], $0x1000  }
0x7f: {  	[sflag:s23] =	ssyncset.done $0x0  }
0x80: {  	[sflag:s23] =	ssyncadd.s32 $0xFFFFF000  }
0x81: {  	[spmem:s16] =	stream.linear.scatter [tilespmem:s29], [sflag:$0x4], $0x20, $0x38;
	[tilespmem:$0x152A0] =	vst v63  }
0x82: {  	_ =	swait.ge [sflag:s23], $0x20  }
0x83: {  	[sflag:s23] =	ssyncset.done $0x0  }
0x84: {  	[sflag:s23] =	ssyncadd.s32 $0xFFFFFFE0  }
0x85: {  	[spmem:s17] =	stream.linear.scatter [tilespmem:s29], [sflag:$0x4], $0x1000, $0x38;
	[tilespmem:$0x152A0] =	vst v63  }
0x86: {  	_ =	swait.ge [sflag:s23], $0x1000  }
0x87: {  	[sflag:s23] =	ssyncset.done $0x0  }
0x88: {  	[sflag:s23] =	ssyncadd.s32 $0xFFFFF000  }
0x89: {  	[spmem:s18] =	stream.linear.scatter [tilespmem:s29], [sflag:$0x4], $0x20, $0x38;
	[tilespmem:$0x152A0] =	vst v63  }
0x8a: {  	_ =	swait.ge [sflag:s23], $0x20  }
0x8b: {  	[sflag:s23] =	ssyncset.done $0x0  }
0x8c: {  	[sflag:s23] =	ssyncadd.s32 $0xFFFFFFE0  }
0x8d: {  	[spmem:s19] =	stream.linear.scatter [tilespmem:s29], [sflag:$0x4], $0x1000, $0x38;
	[tilespmem:$0x152A0] =	vst v63  }
0x8e: {  	_ =	swait.ge [sflag:s23], $0x1000  }
0x8f: {  	[sflag:s23] =	ssyncset.done $0x0  }
0x90: {  	[sflag:s23] =	ssyncadd.s32 $0xFFFFF000  }
0x91: {  	[spmem:s20] =	stream.linear.scatter [tilespmem:s29], [sflag:$0x4], $0x20, $0x38;
	[tilespmem:$0x152A0] =	vst v63  }
0x92: {  	_ =	swait.ge [sflag:s23], $0x20  }
0x93: {  	[sflag:s23] =	ssyncset.done $0x0  }
0x94: {  	[sflag:s23] =	ssyncadd.s32 $0xFFFFFFE0  }
0x95: {  	[spmem:s21] =	stream.linear.scatter [tilespmem:s29], [sflag:$0x4], $0x1000, $0x38;
	[tilespmem:$0x152A0] =	vst v63  }
0x96: {  	_ =	swait.ge [sflag:s23], $0x1000  }
0x97: {  	[sflag:s23] =	ssyncset.done $0x0  }
0x98: {  	[sflag:s23] =	ssyncadd.s32 $0xFFFFF000  }
0x99: {  	[spmem:s22] =	stream.linear.scatter [tilespmem:s29], [sflag:$0x4], $0x20, $0x38;
	[tilespmem:$0x152A0] =	vst v63  }
0x9a: {  	s14 =	stileid.u32;
	_ =	swait.ge [sflag:s23], $0x20  }
0x9b: {  	s8 =	sshll.u32 s14, $0x6;
	[sflag:s23] =	ssyncset.done $0x0  }
0x9c: {  	s8 =	sor.u32 $0x1C04, s8;
	s9 =	rddreg [dreg:$0x9];
	[sflag:s23] =	ssyncadd.s32 $0xFFFFFFE0  }
0x9d: {  	[spmem:s24], [sflag:s8] =	dma.local [hbm:s9], $0xA00  }
0x9e: {  	_ =	swait.ge [sflag:s23], $0xA00  }
0x9f: {  	[sflag:s23] =	ssyncset.done $0x0  }
0xa0: {  	[sflag:s23] =	ssyncadd.s32 $0xFFFFF600  }
0xa1: {  	[bflag:$0x0] =	sbarrier.arrive $0xFFFF  }
0xa2: {  	v2 =	vld [tilespmem:$0x3000];
	_ =	sdelay $0x4  }
0xa3: {  	(v2sf) =	vpush v2, $0x0;
	_ =	sdelay $0xe  }
0xa4: {  	s12 =	spop (v2sf)  }
0xa5: {  	p0 =	slt.s32 s12, $0x1  }
.Ltmp3:
0xa6: {  	_ = 	snop;
	(pc) =	sbr.rel @p0 .LBB2_10-.Ltmp3, $2  }
0xa7: {  	_ =	sdelay $0x2  }
0xa8: {  	[tilespmem:s29], [sflag:$0x1] =	stream.indirect.gather [spmem:s1], $0x80, s5, s30, $0xb8;
	[tilespmem:$0x152A0] =	vst v63  }
0xa9: {  	p1 =	sne.s32 s12, $0x1  }
.Ltmp4:
0xaa: {  	_ = 	snop;
	(pc) =	sbr.rel @!p1 .LBB2_5-.Ltmp4, $3  }
0xab: {  	_ =	sdelay $0x1  }
0xac: {  	s10 =	simm.s32 $0x100  }
0xad: {  	s9 =	simm.s32 $0x1800;
	s12 =	sadd.s32 $0xFFFFFFFF, s12;
	p0 =	por $0x0, $0x0  }
0xae: {  	s13 =	simm.s32 $0x80  }
0xaf: {  	[tilespmem:s31], [sflag:$0x2] =	stream.indirect.gather [spmem:s1], $0x80, s13, s30, $0xb8;
	[tilespmem:$0x152A0] =	vst v63  }
0xb0: {  	_ =	swait.ge [sflag:s2], $0x4000  }
0xb1: {  	[sflag:s2] =	ssyncset.done $0x0  }
0xb2: {  	[sflag:s2] =	ssyncadd.s32 $0xFFFFC000  }
0xb3: {  	[spmem:s4] =	stream.indirect.scatter.add.f32 [tilespmem:s0], [sflag:$0x3], $0x1, s9, s30, $0xb8;
	[tilespmem:$0x152A0] =	vst v63  }
0xb4: {  	_ = 	snop  }
0xb5: {  	[spmem:s3] =	stream.indirect.scatter.add.f32 [tilespmem:s29], [sflag:$0x4], $0x80, s9, s30, $0xb8;
	[tilespmem:$0x152A0] =	vst v63  }
0xb6: {  	_ =	swait.ge [sflag:s23], $0x4000  }
0xb7: {  	[sflag:s23] =	ssyncset.done $0x0  }
0xb8: {  	[sflag:s23] =	ssyncadd.s32 $0xFFFFC000  }
0xb9: {  	[tilespmem:s29], [sflag:$0x1] =	stream.indirect.gather [spmem:s1], $0x80, s10, s30, $0xb8;
	[tilespmem:$0x152A0] =	vst v63  }
0xba: {  	_ =	swait.ge [sflag:s26], $0x4000  }
0xbb: {  	[sflag:s26] =	ssyncset.done $0x0  }
0xbc: {  	s14 =	simm.s32 $0x1880;
	[sflag:s26] =	ssyncadd.s32 $0xFFFFC000  }
0xbd: {  	[spmem:s4] =	stream.indirect.scatter.add.f32 [tilespmem:s0], [sflag:$0x3], $0x1, s14, s30, $0xb8;
	[tilespmem:$0x152A0] =	vst v63  }
0xbe: {  	_ = 	snop  }
0xbf: {  	[spmem:s3] =	stream.indirect.scatter.add.f32 [tilespmem:s31], [sflag:$0x4], $0x80, s14, s30, $0xb8;
	[tilespmem:$0x152A0] =	vst v63  }
0xc0: {  	_ =	swait.ge [sflag:s23], $0x4000  }
0xc1: {  	[sflag:s23] =	ssyncset.done $0x0  }
0xc2: {  	p1 =	sne.s32 s12, $0x1;
	[sflag:s23] =	ssyncadd.s32 $0xFFFFC000  }
.Ltmp5:
0xc3: {  	_ =	swait.ge [sflag:s28], $0x80;
	(pc) =	sbr.rel @!p1 .LBB2_7-.Ltmp5, $4  }
0xc4: {  	[sflag:s28] =	ssyncset.done $0x0  }
0xc5: {  	[sflag:s28] =	ssyncadd.s32 $0xFFFFFF80  }
0xc6: {  	p0 =	por $0x1, $0x1;
	s13 =	sadd.s32 $0xFFFFFFFF, s12;
	_ =	swait.ge [sflag:s28], $0x80  }
0xc7: {  	s12 =	simm.s32 $0x1800;
	s10 =	simm.s32 $0x200;
	[sflag:s28] =	ssyncset.done $0x0  }
.LBB2_8:
0xc8: {  	s14 =	sadd.s32 $0xFFFFFF80, s10;
	[sflag:s28] =	ssyncadd.s32 $0xFFFFFF80;
	s12 =	sadd.s32 $0x100, s12  }
0xc9: {  	[tilespmem:s31], [sflag:$0x2] =	stream.indirect.gather [spmem:s1], $0x80, s14, s30, $0xb8;
	[tilespmem:$0x152A0] =	vst v63  }
0xca: {  	p1 =	sne.s32 s13, $0x1;
	s13 =	sadd.s32 $0xFFFFFFFF, s13;
	_ =	swait.ge [sflag:s2], $0x4000  }
0xcb: {  	[sflag:s2] =	ssyncset.done $0x0  }
0xcc: {  	[sflag:s2] =	ssyncadd.s32 $0xFFFFC000  }
0xcd: {  	[spmem:s4] =	stream.indirect.scatter.add.f32 [tilespmem:s0], [sflag:$0x3], $0x1, s12, s30, $0xb8;
	[tilespmem:$0x152A0] =	vst v63  }
0xce: {  	_ = 	snop  }
0xcf: {  	[spmem:s3] =	stream.indirect.scatter.add.f32 [tilespmem:s29], [sflag:$0x4], $0x80, s12, s30, $0xb8;
	[tilespmem:$0x152A0] =	vst v63  }
0xd0: {  	_ =	swait.ge [sflag:s23], $0x4000  }
0xd1: {  	[sflag:s23] =	ssyncset.done $0x0  }
0xd2: {  	[sflag:s23] =	ssyncadd.s32 $0xFFFFC000  }
0xd3: {  	[tilespmem:s29], [sflag:$0x1] =	stream.indirect.gather [spmem:s1], $0x80, s10, s30, $0xb8;
	[tilespmem:$0x152A0] =	vst v63  }
0xd4: {  	_ =	swait.ge [sflag:s26], $0x4000  }
0xd5: {  	[sflag:s26] =	ssyncset.done $0x0  }
0xd6: {  	s14 =	sadd.s32 $0x80, s12;
	[sflag:s26] =	ssyncadd.s32 $0xFFFFC000  }
0xd7: {  	[spmem:s4] =	stream.indirect.scatter.add.f32 [tilespmem:s0], [sflag:$0x3], $0x1, s14, s30, $0xb8;
	[tilespmem:$0x152A0] =	vst v63  }
0xd8: {  	_ = 	snop  }
0xd9: {  	[spmem:s3] =	stream.indirect.scatter.add.f32 [tilespmem:s31], [sflag:$0x4], $0x80, s14, s30, $0xb8;
	[tilespmem:$0x152A0] =	vst v63  }
0xda: {  	_ =	swait.ge [sflag:s23], $0x4000  }
0xdb: {  	[sflag:s23] =	ssyncset.done $0x0  }
0xdc: {  	[sflag:s23] =	ssyncadd.s32 $0xFFFFC000  }
.Ltmp6:
0xdd: {  	_ =	swait.ge [sflag:s28], $0x80;
	(pc) =	sbr.rel @p1 .LBB2_8-.Ltmp6, $4  }
0xde: {  	[sflag:s28] =	ssyncset.done $0x0  }
0xdf: {  	[sflag:s28] =	ssyncadd.s32 $0xFFFFFF80  }
0xe0: {  	_ =	swait.ge [sflag:s28], $0x80  }
0xe1: {  	s10 =	sadd.s32 $0x100, s10;
	[sflag:s28] =	ssyncset.done $0x0  }
.Ltmp7:
0xe2: {  	_ = 	snop;
	(pc) =	sbr.rel .LBB2_9-.Ltmp7, $1  }
0xe3: {  	_ =	sdelay $0x3  }
.LBB2_7:
.Ltmp8:
0xe4: {  	(pc) =	sbr.rel .LBB2_9-.Ltmp8, $2  }
0xe5: {  	_ =	sdelay $0x2  }
0xe6: {  	s12 =	simm.s32 $0x1800  }
.LBB2_11:
0xe7: {  	_ =	sfence.sel $0x180000  }
0xe8: {  	[bflag:$0x0] =	sbarrier.arrive $0xFFFF  }
0xe9: {  	_ =	strace $0x9000004D  }
0xea: {  	s0 =	stileid.u32;
	[bflag:$0x2] =	sbarrier.arrive $0xFFFF  }
0xeb: {  	p0 =	sne.s32 s0, $0x0;
	s0 =	rddreg [dreg:$0x5]  }
0xec: {  	s0 =	sadd.s32 @!p0 $0x100000, s0  }
0xed: {  	[sflag:s0] =	ssyncadd.tile.s32 @!p0 $0x1;
	_ =	shalt  }
.Lfunc_end2:
_tile_overlayer_lowered:
.L_overlay_start_2:
0xee: {  	(tag) =	ssettag $0x2  }
0xef: {  	s0 =	rddreg [dreg:$0x0];
	s2 =	stileid.u32  }
0xf0: {  	s1 =	rddreg [dreg:$0x1];
	p0 =	sne.s32 s2, $0x0  }
0xf1: {  	s3 =	rddreg [dreg:$0x2];
	[bflag:$0x3] =	sbarrier.arrive $0xFFFF;
	s2 =	simm.s32 @!p0 $0x1C04  }
0xf2: {  	[timem:s3], [sflag:s2] =	dma.local @!p0 [hbm:s0], s1  }
0xf3: {  	s0 =	simm.s32 @!p0 $0x4  }
0xf4: {  	_ =	swait.ge @!p0 [sflag:s0], s1  }
0xf5: {  	s1 =	ssub.s32 @!p0 $0x0, s1;
	[sflag:s0] =	ssyncset.done @!p0 $0x0  }
0xf6: {  	[sflag:s0] =	ssyncadd.s32 @!p0 s1  }
0xf7: {  	[bflag:$0x3] =	sbarrier.arrive $0xFFFF  }
0xf8: {  	_ =	shalt  }

// kernel: kernel.7.cloned.1.call-start
scs
__scs_entry_jumppad:
0x0: {  	(pc) =	sbr.rel $0x88, $3  }
0x1: {  	(tag) =	ssettag $0x0;
	lr =	simm.s32 $0x1  }
0x2: {  	[smem:$0x3F96] =	sst lr;
	_ =	strace $0xD0000000  }
0x3: {  	_ = 	snop  }
0x4: {  	_ = 	snop  }
0x5: {  	_ = 	snop  }
0x6: {  	_ = 	snop  }
0x7: {  	_ = 	snop  }
__scs_overlays_trampoline_lowered:
0x8: {  	[smem:$0x3FA5] =	sst s0  }
0x9: {  	[smem:$0x3FA6] =	sst s1  }
0xa: {  	[smem:$0x3FA7] =	sst s2  }
0xb: {  	[smem:$0x3FA8] =	sst s3  }
0xc: {  	[smem:$0x3FA9] =	sst s4  }
0xd: {  	[smem:$0x3FAA] =	sst s5  }
0xe: {  	[smem:$0x3FAB] =	sst s6  }
0xf: {  	[smem:$0x3FAC] =	sst s7  }
0x10: {  	[smem:$0x3FAD] =	sst s8  }
0x11: {  	[smem:$0x3FAE] =	sst s9;
	s0 =	simm.s32 @!p0 $0x0  }
0x12: {  	s1 =	sld [smem:$0x3F94];
	s0 =	simm.s32 @p0 $0x1  }
0x13: {  	[smem:$0x3FAF] =	sst s0;
	s0 =	simm.s32 @!p1 $0x0  }
0x14: {  	s2 =	sld [smem:$0x3F93];
	s0 =	simm.s32 @p1 $0x1  }
0x15: {  	[smem:$0x3FB0] =	sst s0;
	s0 =	simm.s32 @!p2 $0x0  }
0x16: {  	s3 =	sld [smem:$0x3FDB];
	s0 =	simm.s32 @p2 $0x1  }
0x17: {  	s4 =	simm.s32 $0x1BF5;
	[smem:$0x3FB2] =	sst s0  }
0x18: {  	s0 =	sld [smem:$0x3F95];
	_ =	swait.ge [sflag:s4], $0x0  }
0x19: {  	s7 =	sld [smem:$0x3F96]  }
0x1a: {  	s8 =	sadd.s32 $0xFFFFE003, lr  }
0x1b: {  	s9 =	sadd.s32 $0xFFFFFEF7, lr;
	s5 =	simm.s32 $0xFFFFFFFF;
	p2 =	slt.u32 s8, $0xFFFFF086  }
0x1c: {  	p1 =	slt.u32 s9, $0xF7A;
	s5 =	simm.s32 @!p2 $0x0  }
0x1d: {  	s5 =	simm.s32 @p1 $0x1;
	p0 =	seq.s32 s7, s2  }
0x1e: {  	s7 =	smul.u32 @!p0 $0xF7A, s2;
	p2 =	seq.s32 @!p0 s5, $0x0  }
0x1f: {  	s9 =	smul.u32 $0xF7A, s1;
	s8 =	simm.s32 @!p0 $0x1BF5;
	p2 =	por !p2, p0  }
0x20: {  	[sflag:s8] =	ssyncset.s32 @!p0 $0xFFFFF086;
	s6 =	sadd.s32 @!p0 s3, s7;
	s7 =	simm.s32 @!p0 $0x108  }
0x21: {  	s3 =	sadd.s32 s3, s9;
	s6 =	sadd.s32 @!p0 $0x88, s6;
	s7 =	simm.s32 @p2 $0x1082  }
0x22: {  	[simem:s7], [sflag:s8] =	dma.local @!p0 [hbm:s6], $0xF7A  }
0x23: {  	s9 =	sor.u32 $0xD0000000, s2;
	s6 =	simm.s32 $0x108;
	_ =	swait.ge @!p0 [sflag:s8], $0x0  }
0x24: {  	s3 =	sadd.s32 $0x88, s3;
	s6 =	simm.s32 @!p1 $0x1082;
	[sflag:s4] =	ssyncset.s32 $0xFFFFF086  }
0x25: {  	[simem:s6], [sflag:s4] =	dma.local [hbm:s3], $0xF7A  }
0x26: {  	[smem:$0x3F96] =	sst s1;
	(tag) =	ssettag s2;
	_ =	strace s9  }
0x27: {  	s1 =	sld [smem:$0x3FA6]  }
0x28: {  	s2 =	sld [smem:$0x3FA7]  }
0x29: {  	s4 =	sld [smem:$0x3FA9]  }
0x2a: {  	p0 =	seq.s32 s5, $0x0;
	s5 =	sld [smem:$0x3FAA]  }
0x2b: {  	s6 =	sld [smem:$0x3FAB]  }
0x2c: {  	s7 =	sld [smem:$0x3FAC]  }
0x2d: {  	s3 =	simm.s32 $0x108;
	s8 =	sld [smem:$0x3FAD]  }
0x2e: {  	s3 =	simm.s32 @!p0 $0x1082;
	s9 =	sld [smem:$0x3FAE]  }
0x2f: {  	lr =	sadd.s32 s0, s3;
	s0 =	sld [smem:$0x3FA5]  }
0x30: {  	s3 =	sld [smem:$0x3FA8]  }
0x31: {  	[smem:$0x3FB1] =	sst s10  }
0x32: {  	s10 =	sld [smem:$0x3FAF];
	_ =	sdelay $0x3  }
0x33: {  	p0 =	seq.s32 s10, $0x1;
	s10 =	sld [smem:$0x3FB1];
	_ =	sdelay $0x3  }
0x34: {  	[smem:$0x3FB1] =	sst s10  }
0x35: {  	s10 =	sld [smem:$0x3FB0];
	_ =	sdelay $0x3  }
0x36: {  	p1 =	seq.s32 s10, $0x1;
	s10 =	sld [smem:$0x3FB1];
	_ =	sdelay $0x3  }
0x37: {  	[smem:$0x3FB1] =	sst s10  }
0x38: {  	s10 =	sld [smem:$0x3FB2]  }
0x39: {  	_ = 	snop;
	(pc) =	sbr.ind lr, $3  }
0x3a: {  	_ = 	snop  }
0x3b: {  	_ = 	snop  }
0x3c: {  	p2 =	seq.s32 s10, $0x1;
	s10 =	sld [smem:$0x3FB1]  }
0x3d: {  	_ =	shalt  }
0x3e: {  	_ =	shalt  }
0x3f: {  	_ =	shalt  }
0x40: {  	_ =	shalt  }
0x41: {  	_ =	shalt  }
0x42: {  	_ =	shalt  }
0x43: {  	_ =	shalt  }
0x44: {  	_ =	shalt  }
0x45: {  	_ =	shalt  }
0x46: {  	_ =	shalt  }
0x47: {  	_ =	shalt  }
0x48: {  	_ =	shalt  }
0x49: {  	_ =	shalt  }
0x4a: {  	_ =	shalt  }
0x4b: {  	_ =	shalt  }
0x4c: {  	_ =	shalt  }
0x4d: {  	_ =	shalt  }
0x4e: {  	_ =	shalt  }
0x4f: {  	_ =	shalt  }
0x50: {  	_ =	shalt  }
0x51: {  	_ =	shalt  }
0x52: {  	_ =	shalt  }
0x53: {  	_ =	shalt  }
0x54: {  	_ =	shalt  }
0x55: {  	_ =	shalt  }
0x56: {  	_ =	shalt  }
0x57: {  	_ =	shalt  }
0x58: {  	_ =	shalt  }
0x59: {  	_ =	shalt  }
0x5a: {  	_ =	shalt  }
0x5b: {  	_ =	shalt  }
0x5c: {  	_ =	shalt  }
0x5d: {  	_ =	shalt  }
0x5e: {  	_ =	shalt  }
0x5f: {  	_ =	shalt  }
0x60: {  	_ =	shalt  }
0x61: {  	_ =	shalt  }
0x62: {  	_ =	shalt  }
0x63: {  	_ =	shalt  }
0x64: {  	_ =	shalt  }
0x65: {  	_ =	shalt  }
0x66: {  	_ =	shalt  }
0x67: {  	_ =	shalt  }
0x68: {  	_ =	shalt  }
0x69: {  	_ =	shalt  }
0x6a: {  	_ =	shalt  }
0x6b: {  	_ =	shalt  }
0x6c: {  	_ =	shalt  }
0x6d: {  	_ =	shalt  }
0x6e: {  	_ =	shalt  }
0x6f: {  	_ =	shalt  }
0x70: {  	_ =	shalt  }
0x71: {  	_ =	shalt  }
0x72: {  	_ =	shalt  }
0x73: {  	_ =	shalt  }
0x74: {  	_ =	shalt  }
0x75: {  	_ =	shalt  }
0x76: {  	_ =	shalt  }
0x77: {  	_ =	shalt  }
0x78: {  	_ =	shalt  }
0x79: {  	_ =	shalt  }
0x7a: {  	_ =	shalt  }
0x7b: {  	_ =	shalt  }
0x7c: {  	_ =	shalt  }
0x7d: {  	_ =	shalt  }
0x7e: {  	_ =	shalt  }
0x7f: {  	_ =	shalt  }
0x80: {  	_ =	shalt  }
0x81: {  	_ =	shalt  }
0x82: {  	_ =	shalt  }
0x83: {  	_ =	shalt  }
0x84: {  	_ =	shalt  }
0x85: {  	_ =	shalt  }
0x86: {  	_ =	shalt  }
0x87: {  	_ =	shalt  }
.Lfunc_end0:
.L_simem_size_0:
called_computation_lowered:
.L_overlay_start_0:
0x88: {  	s2 =	sld [smem:$0x3FD9]  }
0x89: {  	s3 =	sld [smem:$0x3FFE];
	_ =	sdelay $0x1  }
0x8a: {  	s1 =	srdreg.scid  }
0x8b: {  	s0 =	sand.u32 $0x1, s1  }
0x8c: {  	s16 =	sshll.u32 s0, $0xA;
	s2 =	sadd.s32 s3, s2  }
0x8d: {  	s2 =	sadd.s32 s2, s16  }
0x8e: {  	[smem:$0x3FBD] =	sst s2  }
0x8f: {  	_ = 	snop  }
0x90: {  	(tm) =	ssettm $0x1  }
0x91: {  	s17 =	sld [smem:$0x3FFB];
	_ =	sdelay $0x3  }
0x92: {  	_ =	strace s17  }
0x93: {  	s2 =	sld [smem:$0x3FFC];
	_ =	sdelay $0x3  }
0x94: {  	_ =	strace s2  }
0x95: {  	s2 =	sld [smem:$0x3FFD];
	_ =	sdelay $0x3  }
0x96: {  	_ =	strace s2  }
0x97: {  	_ =	strace $0x8FFFFFFF  }
0x98: {  	s18 =	sld [smem:$0x3FDB];
	_ =	sdelay $0x1  }
0x99: {  	s19 =	simm.s32 $_scs_section_size  }
0x9a: {  	s4 =	simm.s32 $_size__tile_overlayer_lowered;
	s5 =	simm.s32 $_tile_overlayer_lowered  }
0x9b: {  	s22 =	simm.s32 $0x1BFF;
	s21 =	sshll.u32 s5, $0x1;
	s2 =	sadd.s32 s19, s18  }
0x9c: {  	s6 =	simm.s32 $0x0;
	s20 =	sshll.u32 s4, $0x1;
	s4 =	sadd.s32 s21, s2  }
0x9d: {  	[timem:s6], [sflag:s22] =	dma.local [hbm:s4], s20  }
0x9e: {  	_ =	swait.ge [sflag:s22], s20  }
0x9f: {  	s3 =	ssub.s32 $0x0, s20;
	[sflag:s22] =	ssyncset.done $0x0  }
0xa0: {  	[sflag:s22] =	ssyncadd.s32 s3;
	_ =	sdelay $0x1  }
0xa1: {  	s23 =	simm.s32 $0x1B8B  }
0xa2: {  	_ =	swait.ge [sflag:s23], $0x1  }
0xa3: {  	[sflag:s23] =	ssyncset.done $0x0  }
0xa4: {  	s25 =	simm.s32 $0x1B8E;
	s24 =	sld [smem:$0x3FFE];
	[sflag:s23] =	ssyncadd.s32 $0xFFFFFFFF  }
0xa5: {  	s26 =	simm.s32 $execute0_lowered;
	[smem:$0x3FD2] =	sst s25  }
0xa6: {  	s4 =	sshll.u32 s26, $0x1;
	_ =	strace $0x80000046;
	[dreg:$0x1] =	wrdreg $0xFFFFFFFF  }
0xa7: {  	s28 =	simm.s32 $_size_execute0_lowered;
	s2 =	sadd.s32 s2, s4;
	[dreg:$0x0] =	wrdreg $0x0  }
0xa8: {  	s4 =	sshll.u32 s28, $0x1;
	[dreg:$0x2] =	wrdreg s2  }
0xa9: {  	[dreg:$0x3] =	wrdreg s4  }
0xaa: {  	[dreg:$0x4] =	wrdreg $0xC0  }
0xab: {  	_ =	task [dreg:s6], $0x5FFFF  }
0xac: {  	[dreg:$0x1] =	wrdreg $0xFFFFFFFF  }
0xad: {  	[dreg:$0x0] =	wrdreg $0x60  }
0xae: {  	[dreg:$0x2] =	wrdreg s24  }
0xaf: {  	[dreg:$0x3] =	wrdreg $0x9  }
0xb0: {  	_ =	task.clear_ibuf [dreg:s6], $0x4FFFF;
	_ =	strace $0x90000046  }
0xb1: {  	s29 =	simm.s32 $0x9;
	_ =	strace $0x80000048  }
0xb2: {  	_ =	swait.ge [sflag:s29], $0x1  }
0xb3: {  	[sflag:s29] =	ssyncadd.s32 $0xFFFFFFFF  }
0xb4: {  	_ =	strace $0x90000048  }
0xb5: {  	_ =	sfence  }
0xb6: {  	s30 =	sld [smem:$0x0];
	_ =	sdelay $0x2  }
0xb7: {  	s31 =	sshll.u32 s1, $0xD;
	s1 =	sshrl.u32 s1, $0x2  }
0xb8: {  	s3 =	sand.u32 $0x4000, s31;
	s1 =	sadd.s32 s1, s30  }
0xb9: {  	s0 =	sor.u32 s3, s0;
	s1 =	sshll.u32 s1, $0x11  }
0xba: {  	s0 =	sor.u32 s1, s0  }
0xbb: {  	s0 =	sadd.s32 $0x8F2B, s0  }
0xbc: {  	[sflag:s0] =	ssyncadd.remote.s32 $0x1  }
0xbd: {  	_ =	sfence.sel $0xFFFF  }
0xbe: {  	[dreg:$0x0] =	wrdreg $0xFFFFFFFF;
	(pc) =	sbr.abs _section_cstart, $3  }
0xbf: {  	[dreg:$0x1] =	wrdreg $0xFFFFFFFF  }
0xc0: {  	_ =	task.clear_ibuf [dreg:s6], $0x2FFFF;
	_ =	strace $0x9FFFFFFF  }
0xc1: {  	(tm) =	ssettm $0x7FFFFFFF  }
tec
execute0_lowered:
.L_overlay_start_1:
0x0: {  	(tag) =	ssettag $0x1  }
0x1: {  	s1 =	srdreg.scid  }
0x2: {  	s0 =	stileid.u32;
	s3 =	rddreg [dreg:$0x0];
	s2 =	simm.s32 $0x0  }
0x3: {  	s10 =	simm.s32 $0x2800;
	s11 =	simm.s32 $0x5000;
	s12 =	simm.s32 $0x7C00  }
0x4: {  	s13 =	simm.s32 $0xA800;
	s4 =	sand.u32 $0x1, s1;
	s5 =	sshll.u32 s0, $0x1  }
0x5: {  	s14 =	simm.s32 $0x0;
	s1 =	rddreg [dreg:$0x1];
	s5 =	sor.u32 s4, s5  }
0x6: {  	[smem:$0x7FF] =	sst s2;
	s4 =	ssub.s32 $0x2, s4;
	s6 =	smul.u32 $0x500, s5  }
0x7: {  	s7 =	smul.u32 $0x580, s5;
	s5 =	sshll.u32 s5, $0x1;
	s8 =	sshrl.u32 s4, $0x1  }
0x8: {  	_ =	strace $0x80000047;
	s9 =	sadd.s32 s5, s3;
	s8 =	ssub.s32 s4, s8  }
0x9: {  	s6 =	sadd.s32 s6, s3;
	s7 =	sadd.s32 s7, s3;
	s8 =	smax.u32 s8, $0x1  }
0xa: {  	s3 =	sadd.s32 $0xCC00, s6;
	s4 =	sadd.s32 $0x2C00, s6;
	s5 =	sadd.s32 $0x16C00, s7  }
0xb: {  	v0 =	vimm.s32 $0x0;
	v1 =	vlaneseq.u32;
	v2 =	vimm.s32 $0x9FF;
	s6 =	sadd.s32 $0x21C00, s7;
	s7 =	sadd.s32 $0x2CC00, s9;
	s9 =	simm.s32 $0x1  }
.LBB2_1:
0xc: {  	[tilespmem:s2], [sflag:$0x1] =	stream.linear.gather [hbm4b:s3+s2], $0x2800, $0x38;
	[tilespmem:$0xA880] =	vst v63  }
0xd: {  	_ =	swait.ge [sflag:s9], $0x2800  }
0xe: {  	[sflag:s9] =	ssyncset.done $0x0  }
0xf: {  	[sflag:s9] =	ssyncadd.s32 $0xFFFFD800  }
0x10: {  	[tilespmem:s10], [sflag:$0x1] =	stream.linear.gather [hbm4b:s4+s2], $0x2800, $0x38;
	[tilespmem:$0xA880] =	vst v63  }
0x11: {  	_ =	swait.ge [sflag:s9], $0x2800  }
0x12: {  	[sflag:s9] =	ssyncset.done $0x0  }
0x13: {  	s16 =	simm.s32 $0x0;
	s15 =	simm.s32 $0x0;
	[sflag:s9] =	ssyncadd.s32 $0xFFFFD800  }
.LBB2_2:
0x14: {  	s17 =	sshra.s32 s16, $0x2  }
0x15: {  	v3 =	vld [tilespmem:s17+$0x2800];
	_ =	sdelay $0x4  }
0x16: {  	vm0 =	vlt.s32 v3, $0x9C4  }
0x17: {  	v4 =	vsel vm0, $0x1, v0  }
0x18: {  	(xrf0) =	vadd.scan.msk.s32 $0xffff, v4;
	_ =	sdelay $0x4  }
0x19: {  	v42 =	vsel vm0, $0xFFFFFFFF, v0  }
0x1a: {  	v4 =	vadd.s32 s15, v42;
	v5, _, _ =	vpop (xrf0)  }
0x1b: {  	v6 =	vld [tilespmem:s17+$0x0];
	v4 =	vadd.s32 v5, v4;
	_ =	sdelay $0x4  }
0x1c: {  	(v2sf) =	vpush v5, $0xF;
	[tilespmem:v4+s11+$0x0] =	vst.idx.msk vm0, v6  }
0x1d: {  	[tilespmem:v4+s12+$0x0] =	vst.idx.msk vm0, v3  }
0x1e: {  	v3 =	vld [tilespmem:s17+$0x2810];
	_ =	sdelay $0x4  }
0x1f: {  	vm9 =	vlt.s32 v3, $0x9C4  }
0x20: {  	v43 =	vsel vm9, $0x1, v0  }
0x21: {  	(xrf0) =	vadd.scan.msk.s32 $0xffff, v43;
	_ =	sdelay $0x5  }
0x22: {  	v44 =	vsel vm9, $0xFFFFFFFF, v0;
	s18 =	spop (v2sf);
	v45, _, _ =	vpop (xrf0)  }
0x23: {  	s23 =	sadd.s32 s15, s18;
	v4 =	vadd.s32 v44, v45  }
0x24: {  	v6 =	vld [tilespmem:s17+$0x10];
	v4 =	vadd.s32 s23, v4;
	_ =	sdelay $0x4  }
0x25: {  	(v2sf) =	vpush v45, $0xF;
	[tilespmem:v4+s11+$0x0] =	vst.idx.msk vm9, v6  }
0x26: {  	[tilespmem:v4+s12+$0x0] =	vst.idx.msk vm9, v3  }
0x27: {  	v3 =	vld [tilespmem:s17+$0x2820];
	_ =	sdelay $0x4  }
0x28: {  	vm10 =	vlt.s32 v3, $0x9C4  }
0x29: {  	v46 =	vsel vm10, $0x1, v0  }
0x2a: {  	(xrf0) =	vadd.scan.msk.s32 $0xffff, v46;
	_ =	sdelay $0x5  }
0x2b: {  	v47 =	vsel vm10, $0xFFFFFFFF, v0;
	s24 =	spop (v2sf);
	v48, _, _ =	vpop (xrf0)  }
0x2c: {  	s15 =	sadd.s32 s23, s24;
	v4 =	vadd.s32 v47, v48  }
0x2d: {  	v6 =	vld [tilespmem:s17+$0x20];
	v4 =	vadd.s32 s15, v4;
	_ =	sdelay $0x4  }
0x2e: {  	(v2sf) =	vpush v48, $0xF;
	[tilespmem:v4+s11+$0x0] =	vst.idx.msk vm10, v6  }
0x2f: {  	[tilespmem:v4+s12+$0x0] =	vst.idx.msk vm10, v3  }
0x30: {  	v3 =	vld [tilespmem:s17+$0x2830];
	_ =	sdelay $0x4  }
0x31: {  	vm11 =	vlt.s32 v3, $0x9C4  }
0x32: {  	v49 =	vsel vm11, $0x1, v0  }
0x33: {  	(xrf0) =	vadd.scan.msk.s32 $0xffff, v49;
	_ =	sdelay $0x5  }
0x34: {  	v50 =	vsel vm11, $0xFFFFFFFF, v0;
	s25 =	spop (v2sf);
	v51, _, _ =	vpop (xrf0)  }
0x35: {  	s15 =	sadd.s32 s15, s25;
	v4 =	vadd.s32 v50, v51  }
0x36: {  	v6 =	vld [tilespmem:s17+$0x30];
	v4 =	vadd.s32 s15, v4;
	_ =	sdelay $0x4  }
0x37: {  	(v2sf) =	vpush v51, $0xF;
	[tilespmem:v4+s11+$0x0] =	vst.idx.msk vm11, v6  }
0x38: {  	[tilespmem:v4+s12+$0x0] =	vst.idx.msk vm11, v3  }
0x39: {  	v3 =	vld [tilespmem:s17+$0x2840];
	_ =	sdelay $0x4  }
0x3a: {  	vm12 =	vlt.s32 v3, $0x9C4  }
0x3b: {  	v52 =	vsel vm12, $0x1, v0  }
0x3c: {  	(xrf0) =	vadd.scan.msk.s32 $0xffff, v52;
	_ =	sdelay $0x5  }
0x3d: {  	v53 =	vsel vm12, $0xFFFFFFFF, v0;
	s26 =	spop (v2sf);
	v54, _, _ =	vpop (xrf0)  }
0x3e: {  	s15 =	sadd.s32 s15, s26;
	v4 =	vadd.s32 v53, v54  }
0x3f: {  	v6 =	vld [tilespmem:s17+$0x40];
	v4 =	vadd.s32 s15, v4;
	_ =	sdelay $0x4  }
0x40: {  	(v2sf) =	vpush v54, $0xF;
	[tilespmem:v4+s11+$0x0] =	vst.idx.msk vm12, v6  }
0x41: {  	[tilespmem:v4+s12+$0x0] =	vst.idx.msk vm12, v3  }
0x42: {  	v3 =	vld [tilespmem:s17+$0x2850];
	_ =	sdelay $0x4  }
0x43: {  	vm13 =	vlt.s32 v3, $0x9C4  }
0x44: {  	v55 =	vsel vm13, $0x1, v0  }
0x45: {  	(xrf0) =	vadd.scan.msk.s32 $0xffff, v55;
	_ =	sdelay $0x5  }
0x46: {  	v56 =	vsel vm13, $0xFFFFFFFF, v0;
	s28 =	spop (v2sf);
	v57, _, _ =	vpop (xrf0)  }
0x47: {  	s15 =	sadd.s32 s15, s28;
	v4 =	vadd.s32 v56, v57  }
0x48: {  	v6 =	vld [tilespmem:s17+$0x50];
	v4 =	vadd.s32 s15, v4;
	_ =	sdelay $0x4  }
0x49: {  	(v2sf) =	vpush v57, $0xF;
	[tilespmem:v4+s11+$0x0] =	vst.idx.msk vm13, v6  }
0x4a: {  	[tilespmem:v4+s12+$0x0] =	vst.idx.msk vm13, v3  }
0x4b: {  	v3 =	vld [tilespmem:s17+$0x2860];
	_ =	sdelay $0x4  }
0x4c: {  	vm14 =	vlt.s32 v3, $0x9C4  }
0x4d: {  	v58 =	vsel vm14, $0x1, v0  }
0x4e: {  	(xrf0) =	vadd.scan.msk.s32 $0xffff, v58;
	_ =	sdelay $0x5  }
0x4f: {  	v59 =	vsel vm14, $0xFFFFFFFF, v0;
	s29 =	spop (v2sf);
	v60, _, _ =	vpop (xrf0)  }
0x50: {  	s15 =	sadd.s32 s15, s29;
	v4 =	vadd.s32 v59, v60  }
0x51: {  	v6 =	vld [tilespmem:s17+$0x60];
	v4 =	vadd.s32 s15, v4;
	_ =	sdelay $0x4  }
0x52: {  	[tilespmem:v4+s11+$0x0] =	vst.idx.msk vm14, v6  }
0x53: {  	[tilespmem:v4+s12+$0x0] =	vst.idx.msk vm14, v3  }
0x54: {  	v3 =	vld [tilespmem:s17+$0x2870];
	_ =	sdelay $0x4  }
0x55: {  	vm15 =	vlt.s32 v3, $0x9C4  }
0x56: {  	v61 =	vsel vm15, $0x1, v0  }
0x57: {  	(v2sf) =	vpush v60, $0xF;
	(xrf0) =	vadd.scan.msk.s32 $0xffff, v61;
	_ =	sdelay $0x5  }
0x58: {  	v4, _, _ =	vpop (xrf0)  }
0x59: {  	(v2sf) =	vpush v4, $0xF;
	_ =	sdelay $0x7  }
0x5a: {  	v62 =	vsel vm15, $0xFFFFFFFF, v0;
	s30 =	spop (v2sf)  }
0x5b: {  	s15 =	sadd.s32 s15, s30;
	v4 =	vadd.s32 v62, v4  }
0x5c: {  	v63 =	vld [tilespmem:s17+$0x70];
	v4 =	vadd.s32 s15, v4  }
0x5d: {  	p0 =	sne.s32 s16, $0x9E00  }
.Ltmp0:
0x5e: {  	_ = 	snop;
	(pc) =	sbr.rel @p0 .LBB2_2-.Ltmp0, $3  }
0x5f: {  	_ =	sdelay $0x1  }
0x60: {  	[tilespmem:v4+s11+$0x0] =	vst.idx.msk vm15, v63;
	s31 =	spop (v2sf)  }
0x61: {  	s16 =	sadd.s32 $0x200, s16;
	[tilespmem:v4+s12+$0x0] =	vst.idx.msk vm15, v3;
	s15 =	sadd.s32 s15, s31  }
0x62: {  	v3 =	vadd.s32 s15, v1  }
0x63: {  	s16 =	sadd.s32 $0x10, s15  }
0x64: {  	v4 =	vadd.s32 s16, v1  }
0x65: {  	s29 =	sadd.s32 $0x20, s15  }
0x66: {  	v5 =	vadd.s32 s29, v1  }
0x67: {  	s30 =	sadd.s32 $0x30, s15;
	[tilespmem:v3+s11+$0x0] =	vst.idx.msk $0xffff, v0  }
0x68: {  	[tilespmem:v3+s12+$0x0] =	vst.idx.msk $0xffff, v2;
	v3 =	vadd.s32 s30, v1  }
0x69: {  	s31 =	sadd.s32 $0x40, s15;
	[tilespmem:v4+s11+$0x0] =	vst.idx.msk $0xffff, v0  }
0x6a: {  	v45 =	vadd.s32 s31, v1;
	[tilespmem:v4+s12+$0x0] =	vst.idx.msk $0xffff, v2  }
0x6b: {  	s17 =	sadd.s32 $0x50, s15;
	[tilespmem:v5+s11+$0x0] =	vst.idx.msk $0xffff, v0  }
0x6c: {  	v46 =	vadd.s32 s17, v1;
	[tilespmem:v5+s12+$0x0] =	vst.idx.msk $0xffff, v2  }
0x6d: {  	s18 =	sadd.s32 $0x60, s15;
	[tilespmem:v3+s11+$0x0] =	vst.idx.msk $0xffff, v0  }
0x6e: {  	[tilespmem:v3+s12+$0x0] =	vst.idx.msk $0xffff, v2;
	v3 =	vadd.s32 s18, v1  }
0x6f: {  	s19 =	sadd.s32 $0x70, s15;
	[tilespmem:v45+s11+$0x0] =	vst.idx.msk $0xffff, v0  }
0x70: {  	v47 =	vadd.s32 s19, v1;
	[tilespmem:v45+s12+$0x0] =	vst.idx.msk $0xffff, v2  }
0x71: {  	s20 =	sadd.s32 $0x80, s15;
	[tilespmem:v46+s11+$0x0] =	vst.idx.msk $0xffff, v0  }
0x72: {  	v48 =	vadd.s32 s20, v1;
	[tilespmem:v46+s12+$0x0] =	vst.idx.msk $0xffff, v2  }
0x73: {  	s21 =	sadd.s32 $0x90, s15;
	[tilespmem:v3+s11+$0x0] =	vst.idx.msk $0xffff, v0  }
0x74: {  	[tilespmem:v3+s12+$0x0] =	vst.idx.msk $0xffff, v2;
	v3 =	vadd.s32 s21, v1  }
0x75: {  	s22 =	sadd.s32 $0xA0, s15;
	[tilespmem:v47+s11+$0x0] =	vst.idx.msk $0xffff, v0  }
0x76: {  	v49 =	vadd.s32 s22, v1;
	[tilespmem:v47+s12+$0x0] =	vst.idx.msk $0xffff, v2  }
0x77: {  	s23 =	sadd.s32 $0xB0, s15;
	[tilespmem:v48+s11+$0x0] =	vst.idx.msk $0xffff, v0  }
0x78: {  	v50 =	vadd.s32 s23, v1;
	[tilespmem:v48+s12+$0x0] =	vst.idx.msk $0xffff, v2  }
0x79: {  	s24 =	sadd.s32 $0xC0, s15;
	[tilespmem:v3+s11+$0x0] =	vst.idx.msk $0xffff, v0  }
0x7a: {  	[tilespmem:v3+s12+$0x0] =	vst.idx.msk $0xffff, v2;
	v3 =	vadd.s32 s24, v1  }
0x7b: {  	s25 =	sadd.s32 $0xD0, s15;
	[tilespmem:v49+s11+$0x0] =	vst.idx.msk $0xffff, v0  }
0x7c: {  	v51 =	vadd.s32 s25, v1;
	[tilespmem:v49+s12+$0x0] =	vst.idx.msk $0xffff, v2  }
0x7d: {  	s26 =	sadd.s32 $0xE0, s15;
	[tilespmem:v50+s11+$0x0] =	vst.idx.msk $0xffff, v0  }
0x7e: {  	v52 =	vadd.s32 s26, v1;
	[tilespmem:v50+s12+$0x0] =	vst.idx.msk $0xffff, v2  }
0x7f: {  	s28 =	sadd.s32 $0xF0, s15;
	[tilespmem:v3+s11+$0x0] =	vst.idx.msk $0xffff, v0  }
0x80: {  	[tilespmem:v3+s12+$0x0] =	vst.idx.msk $0xffff, v2;
	v3 =	vadd.s32 s28, v1  }
0x81: {  	s29 =	sadd.s32 $0x100, s15;
	[tilespmem:v51+s11+$0x0] =	vst.idx.msk $0xffff, v0  }
0x82: {  	v53 =	vadd.s32 s29, v1;
	[tilespmem:v51+s12+$0x0] =	vst.idx.msk $0xffff, v2  }
0x83: {  	s30 =	sadd.s32 $0x110, s15;
	[tilespmem:v52+s11+$0x0] =	vst.idx.msk $0xffff, v0  }
0x84: {  	v54 =	vadd.s32 s30, v1;
	[tilespmem:v52+s12+$0x0] =	vst.idx.msk $0xffff, v2  }
0x85: {  	s31 =	sadd.s32 $0x120, s15;
	[tilespmem:v3+s11+$0x0] =	vst.idx.msk $0xffff, v0  }
0x86: {  	[tilespmem:v3+s12+$0x0] =	vst.idx.msk $0xffff, v2;
	v3 =	vadd.s32 s31, v1  }
0x87: {  	s17 =	sadd.s32 $0x130, s15;
	[tilespmem:v53+s11+$0x0] =	vst.idx.msk $0xffff, v0  }
0x88: {  	v55 =	vadd.s32 s17, v1;
	[tilespmem:v53+s12+$0x0] =	vst.idx.msk $0xffff, v2  }
0x89: {  	s18 =	sadd.s32 $0x140, s15;
	[tilespmem:v54+s11+$0x0] =	vst.idx.msk $0xffff, v0  }
0x8a: {  	v56 =	vadd.s32 s18, v1;
	[tilespmem:v54+s12+$0x0] =	vst.idx.msk $0xffff, v2  }
0x8b: {  	s19 =	sadd.s32 $0x150, s15;
	[tilespmem:v3+s11+$0x0] =	vst.idx.msk $0xffff, v0  }
0x8c: {  	[tilespmem:v3+s12+$0x0] =	vst.idx.msk $0xffff, v2;
	v3 =	vadd.s32 s19, v1  }
0x8d: {  	s20 =	sadd.s32 $0x160, s15;
	[tilespmem:v55+s11+$0x0] =	vst.idx.msk $0xffff, v0  }
0x8e: {  	v57 =	vadd.s32 s20, v1;
	[tilespmem:v55+s12+$0x0] =	vst.idx.msk $0xffff, v2  }
0x8f: {  	s21 =	sadd.s32 $0x170, s15;
	[tilespmem:v56+s11+$0x0] =	vst.idx.msk $0xffff, v0  }
0x90: {  	v58 =	vadd.s32 s21, v1;
	[tilespmem:v56+s12+$0x0] =	vst.idx.msk $0xffff, v2  }
0x91: {  	s22 =	sadd.s32 $0x180, s15;
	[tilespmem:v3+s11+$0x0] =	vst.idx.msk $0xffff, v0  }
0x92: {  	[tilespmem:v3+s12+$0x0] =	vst.idx.msk $0xffff, v2;
	v3 =	vadd.s32 s22, v1  }
0x93: {  	s23 =	sadd.s32 $0x190, s15;
	[tilespmem:v57+s11+$0x0] =	vst.idx.msk $0xffff, v0  }
0x94: {  	v59 =	vadd.s32 s23, v1;
	[tilespmem:v57+s12+$0x0] =	vst.idx.msk $0xffff, v2  }
0x95: {  	s24 =	sadd.s32 $0x1A0, s15;
	[tilespmem:v58+s11+$0x0] =	vst.idx.msk $0xffff, v0  }
0x96: {  	v60 =	vadd.s32 s24, v1;
	[tilespmem:v58+s12+$0x0] =	vst.idx.msk $0xffff, v2  }
0x97: {  	s25 =	sadd.s32 $0x1B0, s15;
	[tilespmem:v3+s11+$0x0] =	vst.idx.msk $0xffff, v0  }
0x98: {  	[tilespmem:v3+s12+$0x0] =	vst.idx.msk $0xffff, v2;
	v3 =	vadd.s32 s25, v1  }
0x99: {  	s26 =	sadd.s32 $0x1C0, s15;
	[tilespmem:v59+s11+$0x0] =	vst.idx.msk $0xffff, v0  }
0x9a: {  	v61 =	vadd.s32 s26, v1;
	[tilespmem:v59+s12+$0x0] =	vst.idx.msk $0xffff, v2  }
0x9b: {  	s28 =	sadd.s32 $0x1D0, s15;
	[tilespmem:v60+s11+$0x0] =	vst.idx.msk $0xffff, v0  }
0x9c: {  	v62 =	vadd.s32 s28, v1;
	[tilespmem:v60+s12+$0x0] =	vst.idx.msk $0xffff, v2  }
0x9d: {  	s29 =	sadd.s32 $0x1E0, s15;
	[tilespmem:v3+s11+$0x0] =	vst.idx.msk $0xffff, v0  }
0x9e: {  	[tilespmem:v3+s12+$0x0] =	vst.idx.msk $0xffff, v2;
	v3 =	vadd.s32 s29, v1  }
0x9f: {  	s30 =	sadd.s32 $0x1F0, s15;
	[tilespmem:v61+s11+$0x0] =	vst.idx.msk $0xffff, v0  }
0xa0: {  	v63 =	vadd.s32 s30, v1;
	[tilespmem:v61+s12+$0x0] =	vst.idx.msk $0xffff, v2  }
0xa1: {  	[tilespmem:v62+s11+$0x0] =	vst.idx.msk $0xffff, v0  }
0xa2: {  	[tilespmem:v62+s12+$0x0] =	vst.idx.msk $0xffff, v2  }
0xa3: {  	[tilespmem:v3+s11+$0x0] =	vst.idx.msk $0xffff, v0  }
0xa4: {  	s31 =	sadd.s32 $0xFF, s15;
	[tilespmem:v3+s12+$0x0] =	vst.idx.msk $0xffff, v2  }
0xa5: {  	s15 =	sshrl.u32 s31, $0x8;
	[tilespmem:v63+s11+$0x0] =	vst.idx.msk $0xffff, v0  }
0xa6: {  	v3 =	vmov s15;
	[tilespmem:v63+s12+$0x0] =	vst.idx.msk $0xffff, v2  }
0xa7: {  	[tilespmem:$0xA800] =	vst v3  }
0xa8: {  	[hbm4b:s5+s2] =	stream.linear.scatter [tilespmem:s11], [sflag:$0x1], $0x2C00, $0x38;
	[tilespmem:$0xA880] =	vst v63  }
0xa9: {  	_ =	swait.ge [sflag:s9], $0x2C00  }
0xaa: {  	[sflag:s9] =	ssyncset.done $0x0  }
0xab: {  	[sflag:s9] =	ssyncadd.s32 $0xFFFFD400  }
0xac: {  	[hbm4b:s6+s2] =	stream.linear.scatter [tilespmem:s12], [sflag:$0x1], $0x2C00, $0x38;
	[tilespmem:$0xA880] =	vst v63  }
0xad: {  	s14 =	sadd.s32 $0x1, s14;
	_ =	swait.ge [sflag:s9], $0x2C00  }
0xae: {  	p0 =	sne.s32 s14, s8;
	[sflag:s9] =	ssyncset.done $0x0  }
.Ltmp1:
0xaf: {  	[sflag:s9] =	ssyncadd.s32 $0xFFFFD400;
	(pc) =	sbr.rel @p0 .LBB2_1-.Ltmp1, $4  }
0xb0: {  	[hbm4b:s7+s2] =	stream.linear.scatter [tilespmem:s13], [sflag:$0x1], $0x10, $0x38;
	[tilespmem:$0xA880] =	vst v63  }
0xb1: {  	_ =	swait.ge [sflag:s9], $0x10  }
0xb2: {  	[sflag:s9] =	ssyncset.done $0x0  }
0xb3: {  	[sflag:s9] =	ssyncadd.s32 $0xFFFFFFF0  }
0xb4: {  	_ =	sfence.sel $0x180000  }
0xb5: {  	[bflag:$0x0] =	sbarrier.arrive $0xFFFF  }
0xb6: {  	p0 =	sne.s32 s0, $0x0;
	_ =	strace $0x90000047  }
0xb7: {  	s0 =	sadd.s32 @!p0 $0x100000, s1;
	[bflag:$0x2] =	sbarrier.arrive $0xFFFF  }
0xb8: {  	[sflag:s0] =	ssyncadd.tile.s32 @!p0 $0x1;
	_ =	shalt  }
.Lfunc_end2:
_tile_overlayer_lowered:
.L_overlay_start_2:
0xb9: {  	(tag) =	ssettag $0x2  }
0xba: {  	s0 =	rddreg [dreg:$0x0];
	s2 =	stileid.u32  }
0xbb: {  	s1 =	rddreg [dreg:$0x1];
	p0 =	sne.s32 s2, $0x0  }
0xbc: {  	s3 =	rddreg [dreg:$0x2];
	[bflag:$0x3] =	sbarrier.arrive $0xFFFF;
	s2 =	simm.s32 @!p0 $0x1C01  }
0xbd: {  	[timem:s3], [sflag:s2] =	dma.local @!p0 [hbm:s0], s1  }
0xbe: {  	s0 =	simm.s32 @!p0 $0x1  }
0xbf: {  	_ =	swait.ge @!p0 [sflag:s0], s1  }
0xc0: {  	s1 =	ssub.s32 @!p0 $0x0, s1;
	[sflag:s0] =	ssyncset.done @!p0 $0x0  }
0xc1: {  	[sflag:s0] =	ssyncadd.s32 @!p0 s1  }
0xc2: {  	[bflag:$0x3] =	sbarrier.arrive $0xFFFF  }
0xc3: {  	_ =	shalt  }

</sc_bundles>
